<compile_context>
chip_gen: v7x
topology: tpu7x:2x2x1
jax: 0.10.2.dev20260603
libtpu: 0.0.44.dev20260713+nightly
codegen_flags: <defaults>
</compile_context>

<pallas_src>
import functools

import jax
import jax.numpy as jnp
from jax import lax
from jax.experimental import pallas as pl
from jax.experimental.pallas import tpu as pltpu
from jax.experimental.pallas import tpu_sc as plsc

N = 10000
NPAD = 10240
E = 320000
NG = 256
NC, NS, LANES = 2, 16, 16

ATOT = NPAD * NPAD
DUMP = ATOT - 1
EP1 = E // (NC * NS)
EP2 = E // NS
ZB = 8192
CE_BUF = 327680
CE_PT = CE_BUF // NS
DEG_BUF = 10752
DEG_PT = DEG_BUF // NS
DEG_FL = NPAD // NS


def _sc_mesh():
    return plsc.VectorSubcoreMesh(core_axis_name="c", subcore_axis_name="s")


def _iota16():
    return jnp.arange(LANES, dtype=jnp.int32)


def _vloop(total, unroll, body_fn):
    def outer(i, _):
        for j in range(unroll):
            ci = i * unroll + j
            body_fn(pl.ds(ci * LANES, LANES), ci * LANES)
        return 0
    lax.fori_loop(0, total // (LANES * unroll), outer, 0)


def _tag_edges(ei_flat):
    @functools.partial(
        pl.kernel,
        out_type=jax.ShapeDtypeStruct((ATOT,), jnp.int32),
        mesh=_sc_mesh(),
    )
    def tag(ei_hbm, tag_hbm):
        cid = lax.axis_index("c")
        sid = lax.axis_index("s")
        base = (cid * NS + sid) * EP1

        def body(sv, dv, idv):
            pltpu.sync_copy(ei_hbm.at[pl.ds(base, EP1)], sv)
            pltpu.sync_copy(ei_hbm.at[pl.ds(E + base, EP1)], dv)

            def lp(sl, off):
                dv[sl] = dv[sl] * NPAD + sv[sl]
                idv[sl] = base + off + _iota16()
            _vloop(EP1, 5, lp)
            pltpu.sync_copy(idv, tag_hbm.at[dv])

        pl.run_scoped(
            body,
            pltpu.VMEM((EP1,), jnp.int32),
            pltpu.VMEM((EP1,), jnp.int32),
            pltpu.VMEM((EP1,), jnp.int32),
        )

    return tag(ei_flat)


def _count_a(ei_flat, tag):
    @functools.partial(
        pl.kernel,
        out_type=(
            jax.ShapeDtypeStruct((2 * CE_BUF,), jnp.float32),
            jax.ShapeDtypeStruct((2 * E,), jnp.int32),
            jax.ShapeDtypeStruct((2 * NPAD,), jnp.float32),
        ),
        mesh=_sc_mesh(),
        scratch_types=[pltpu.VMEM_SHARED((CE_BUF,), jnp.float32),
                       pltpu.VMEM_SHARED((DEG_BUF,), jnp.float32)],
    )
    def count_a(ei_hbm, tag_hbm, parts_hbm, tf_hbm, cnt2_hbm, ce_sp, deg_sp):
        cid = lax.axis_index("c")
        sid = lax.axis_index("s")
        gbase = (cid * NS + sid) * EP1

        def body(sv, dv, tagv, cntv, zerov):
            def z(sl, off):
                zerov[sl] = jnp.zeros((LANES,), jnp.float32)
            _vloop(ZB, 4, z)

            def ones(sl, off):
                cntv[sl] = jnp.full((LANES,), 1.0, jnp.float32)
            _vloop(EP1, 5, ones)

            pltpu.sync_copy(ei_hbm.at[pl.ds(gbase, EP1)], sv)
            pltpu.sync_copy(ei_hbm.at[pl.ds(E + gbase, EP1)], dv)

            def lp(sl, off):
                sv[sl] = dv[sl] * NPAD + sv[sl]
            _vloop(EP1, 5, lp)
            pltpu.sync_copy(tag_hbm.at[sv], tagv)
            pltpu.sync_copy(tagv, tf_hbm.at[pl.ds(gbase, EP1)])
            pltpu.sync_copy(sv, tf_hbm.at[pl.ds(E + gbase, EP1)])

            for off in (0, ZB, 2 * ZB):
                n = min(ZB, CE_PT - off)
                pltpu.sync_copy(zerov.at[pl.ds(0, n)],
                                ce_sp.at[pl.ds(sid * CE_PT + off, n)])
            pltpu.sync_copy(zerov.at[pl.ds(0, DEG_PT)],
                            deg_sp.at[pl.ds(sid * DEG_PT, DEG_PT)])
            plsc.subcore_barrier()
            pltpu.sync_copy(cntv, ce_sp.at[tagv], add=True)
            pltpu.sync_copy(cntv, deg_sp.at[dv], add=True)
            plsc.subcore_barrier()

            for off in (0, ZB, 2 * ZB):
                n = min(ZB, CE_PT - off)
                pltpu.sync_copy(ce_sp.at[pl.ds(sid * CE_PT + off, n)],
                                zerov.at[pl.ds(0, n)])
                pltpu.sync_copy(
                    zerov.at[pl.ds(0, n)],
                    parts_hbm.at[pl.ds(cid * CE_BUF + sid * CE_PT + off, n)])
            pltpu.sync_copy(deg_sp.at[pl.ds(sid * DEG_FL, DEG_FL)],
                            zerov.at[pl.ds(0, DEG_FL)])
            pltpu.sync_copy(
                zerov.at[pl.ds(0, DEG_FL)],
                cnt2_hbm.at[pl.ds(cid * NPAD + sid * DEG_FL, DEG_FL)])

        pl.run_scoped(
            body,
            pltpu.VMEM((EP1,), jnp.int32),
            pltpu.VMEM((EP1,), jnp.int32),
            pltpu.VMEM((EP1,), jnp.int32),
            pltpu.VMEM((EP1,), jnp.float32),
            pltpu.VMEM((ZB,), jnp.float32),
        )

    return count_a(ei_flat, tag)


def _count_b(tf, parts, a_ref):
    @functools.partial(pl.kernel, out_type=(), mesh=_sc_mesh())
    def count_b(tf_hbm, parts_hbm, a_hbm):
        cid = lax.axis_index("c")
        sid = lax.axis_index("s")
        gbase = (cid * NS + sid) * EP1

        def body(tagv, fv, c0, c1):
            pltpu.sync_copy(tf_hbm.at[pl.ds(gbase, EP1)], tagv)
            pltpu.sync_copy(tf_hbm.at[pl.ds(E + gbase, EP1)], fv)
            pltpu.sync_copy(parts_hbm.at[pl.ds(gbase, EP1)], c0)
            pltpu.sync_copy(parts_hbm.at[pl.ds(CE_BUF + gbase, EP1)], c1)

            def wr(sl, off):
                c0[sl] = c0[sl] + c1[sl]
                win = tagv[sl] == (gbase + off + _iota16())
                tagv[sl] = jnp.where(win, fv[sl], DUMP)
            _vloop(EP1, 5, wr)
            pltpu.sync_copy(c0, a_hbm.at[tagv])

        pl.run_scoped(
            body,
            pltpu.VMEM((EP1,), jnp.int32),
            pltpu.VMEM((EP1,), jnp.int32),
            pltpu.VMEM((EP1,), jnp.float32),
            pltpu.VMEM((EP1,), jnp.float32),
        )

    count_b(tf, parts, a_ref)


def _prep(h, W, deg2d, bm=1024):
    cin, cout = W.shape

    def body(h_ref, w_ref, deg_ref, g_ref, gs_ref):
        g = jnp.dot(h_ref[...], w_ref[...],
                    preferred_element_type=jnp.float32)
        dis = lax.rsqrt(deg_ref[...])
        g_ref[...] = g
        gs_ref[...] = (g * dis).astype(jnp.bfloat16)

    return pl.pallas_call(
        body,
        grid=(NPAD // bm,),
        in_specs=[
            pl.BlockSpec((bm, cin), lambda m: (m, 0)),
            pl.BlockSpec((cin, cout), lambda m: (0, 0)),
            pl.BlockSpec((bm, 1), lambda m: (m, 0)),
        ],
        out_specs=[
            pl.BlockSpec((bm, cout), lambda m: (m, 0)),
            pl.BlockSpec((bm, cout), lambda m: (m, 0)),
        ],
        out_shape=[
            jax.ShapeDtypeStruct((NPAD, cout), jnp.float32),
            jax.ShapeDtypeStruct((NPAD, cout), jnp.bfloat16),
        ],
    )(h, W, deg2d)


def _agg(A, gs, g, deg2d, b, bm=1024, bk=1024, emit_abf=False):
    cout = gs.shape[1]
    kb = NPAD // bk
    a_is_f32 = A.dtype == jnp.float32

    def body(a_ref, gs_ref, g_ref, deg_ref, b_ref, *refs):
        if emit_abf:
            o_ref, abf_ref, acc = refs
        else:
            o_ref, acc = refs
        k = pl.program_id(1)

        @pl.when(k == 0)
        def _():
            acc[...] = jnp.zeros_like(acc)

        abf = a_ref[...].astype(jnp.bfloat16) if a_is_f32 else a_ref[...]
        if emit_abf:
            abf_ref[...] = abf
        acc[...] += jnp.dot(abf, gs_ref[...],
                            preferred_element_type=jnp.float32)

        @pl.when(k == kb - 1)
        def _():
            dis = lax.rsqrt(deg_ref[...])
            out = dis * acc[...] + (dis * dis) * g_ref[...] + b_ref[...]
            o_ref[...] = jnp.maximum(out, 0.0)

    out_specs = [pl.BlockSpec((bm, cout), lambda m, k: (m, 0))]
    out_shape = [jax.ShapeDtypeStruct((NPAD, cout), jnp.float32)]
    if emit_abf:
        out_specs.append(pl.BlockSpec((bm, bk), lambda m, k: (m, k)))
        out_shape.append(jax.ShapeDtypeStruct((NPAD, NPAD), jnp.bfloat16))

    res = pl.pallas_call(
        body,
        grid=(NPAD // bm, kb),
        in_specs=[
            pl.BlockSpec((bm, bk), lambda m, k: (m, k)),
            pl.BlockSpec((bk, cout), lambda m, k: (k, 0)),
            pl.BlockSpec((bm, cout), lambda m, k: (m, 0)),
            pl.BlockSpec((bm, 1), lambda m, k: (m, 0)),
            pl.BlockSpec((1, cout), lambda m, k: (0, 0)),
        ],
        out_specs=out_specs,
        out_shape=out_shape,
        scratch_shapes=[pltpu.VMEM((bm, cout), jnp.float32)],
        compiler_params=pltpu.CompilerParams(
            dimension_semantics=("parallel", "arbitrary")),
    )(A, gs, g, deg2d, b)
    return res if emit_abf else res[0]


def _agg_flat(a_flat, gs, g, deg2d, b, bm=256):
    cout = gs.shape[1]

    def body(a_ref, gs_ref, g_ref, deg_ref, b_ref, o_ref):
        a = a_ref[...].reshape(bm, NPAD).astype(jnp.bfloat16)
        acc = jnp.dot(a, gs_ref[...], preferred_element_type=jnp.float32)
        dis = lax.rsqrt(deg_ref[...])
        out = dis * acc + (dis * dis) * g_ref[...] + b_ref[...]
        o_ref[...] = jnp.maximum(out, 0.0)

    return pl.pallas_call(
        body,
        grid=(NPAD // bm,),
        in_specs=[
            pl.BlockSpec((bm * NPAD,), lambda m: (m,)),
            pl.BlockSpec((NPAD, cout), lambda m: (0, 0)),
            pl.BlockSpec((bm, cout), lambda m: (m, 0)),
            pl.BlockSpec((bm, 1), lambda m: (m, 0)),
            pl.BlockSpec((1, cout), lambda m: (0, 0)),
        ],
        out_specs=pl.BlockSpec((bm, cout), lambda m: (m, 0)),
        out_shape=jax.ShapeDtypeStruct((NPAD, cout), jnp.float32),
        compiler_params=pltpu.CompilerParams(
            dimension_semantics=("arbitrary",)),
    )(a_flat, gs, g, deg2d, b)


def _segscan(h, batch2d, bm=1024):
    cout = h.shape[1]
    nb = NPAD // bm

    def body(h_ref, id_ref, o_ref, cval, cid):
        m = pl.program_id(0)
        ids = id_ref[...]
        v = h_ref[...]
        neg = jnp.float32(-jnp.inf)

        k = 1
        while k < bm:
            ids_sh = jnp.concatenate(
                [jnp.full((k, 1), -1, jnp.int32), ids[:-k]], axis=0)
            v_sh = jnp.concatenate(
                [jnp.full((k, cout), neg, jnp.float32), v[:-k]], axis=0)
            same = ids == ids_sh
            v = jnp.where(same, jnp.maximum(v, v_sh), v)
            k *= 2

        @pl.when(m == 0)
        def _():
            cid[0] = -1
            cval[...] = jnp.full((1, cout), neg, jnp.float32)

        v = jnp.where(ids == cid[0], jnp.maximum(v, cval[...]), v)
        o_ref[...] = v
        cval[...] = v[bm - 1:bm, :]
        cid[0] = id_ref[bm - 1, 0]

    return pl.pallas_call(
        body,
        grid=(nb,),
        in_specs=[
            pl.BlockSpec((bm, cout), lambda m: (m, 0)),
            pl.BlockSpec((bm, 1), lambda m: (m, 0)),
        ],
        out_specs=pl.BlockSpec((bm, cout), lambda m: (m, 0)),
        out_shape=jax.ShapeDtypeStruct((NPAD, cout), jnp.float32),
        scratch_shapes=[pltpu.VMEM((1, cout), jnp.float32),
                        pltpu.SMEM((1,), jnp.int32)],
        compiler_params=pltpu.CompilerParams(
            dimension_semantics=("arbitrary",)),
    )(h, batch2d)


def _pick_fc(scanned, batch2d, fcW, fcb, bm=1024):
    cout = scanned.shape[1]
    nb = NPAD // bm
    nfc = fcW.shape[1]

    def body(s_ref, id_ref, idn_ref, w_ref, b_ref, o_ref, acc):
        m = pl.program_id(0)

        @pl.when(m == 0)
        def _():
            acc[...] = jnp.zeros_like(acc)

        ids = id_ref[...]
        nxt = jnp.concatenate([ids[1:], idn_ref[0:1, :]], axis=0)
        islast = (ids != nxt).astype(jnp.float32)
        gid = lax.broadcasted_iota(jnp.int32, (NG, bm), 0)
        onehot = jnp.where(gid == ids.reshape(1, bm),
                           islast.reshape(1, bm), 0.0)
        acc[...] += jnp.dot(onehot, s_ref[...],
                            preferred_element_type=jnp.float32)

        @pl.when(m == nb - 1)
        def _():
            o_ref[...] = jnp.dot(acc[...], w_ref[...],
                                 preferred_element_type=jnp.float32
                                 ) + b_ref[...]

    return pl.pallas_call(
        body,
        grid=(nb,),
        in_specs=[
            pl.BlockSpec((bm, cout), lambda m: (m, 0)),
            pl.BlockSpec((bm, 1), lambda m: (m, 0)),
            pl.BlockSpec((bm, 1), lambda m: ((m + 1) % (NPAD // bm), 0)),
            pl.BlockSpec((cout, nfc), lambda m: (0, 0)),
            pl.BlockSpec((1, nfc), lambda m: (0, 0)),
        ],
        out_specs=pl.BlockSpec((NG, nfc), lambda m: (0, 0)),
        out_shape=jax.ShapeDtypeStruct((NG, nfc), jnp.float32),
        scratch_shapes=[pltpu.VMEM((NG, cout), jnp.float32)],
        compiler_params=pltpu.CompilerParams(
            dimension_semantics=("arbitrary",)),
    )(scanned, batch2d, batch2d, fcW, fcb)


def kernel(x, edge_index, batch, W1, b1, W2, b2, W3, b3, fcW, fcb):
    ei = edge_index.astype(jnp.int32).reshape(2 * E)
    batch_i = batch.astype(jnp.int32)
    x_pad = jnp.pad(x, ((0, NPAD - N), (0, 0)))

    a_ref = jax.new_ref(jnp.zeros((ATOT,), jnp.float32))
    tag = _tag_edges(ei)
    parts, tf, cnt2 = _count_a(ei, tag)
    _count_b(tf, parts, a_ref)
    a_flat = a_ref[...]
    deg2d = (cnt2[:NPAD] + cnt2[NPAD:] + 1.0).reshape(NPAD, 1)

    h = x_pad
    for (W, b) in ((W1, b1), (W2, b2), (W3, b3)):
        g, gs = _prep(h, W, deg2d)
        h = _agg_flat(a_flat, gs, g, deg2d, b.reshape(1, -1))

    batch2d = jnp.pad(batch_i, (0, NPAD - N),
                      constant_values=NG).reshape(NPAD, 1)
    scanned = _segscan(h, batch2d)
    return _pick_fc(scanned, batch2d, fcW, fcb.reshape(1, -1))

# --- scband reference (transcript-rebuilt; emitter-appended) ---
"""Pipeline reference for scband-drug-gcnencoder-81088982548909 (READ-ONLY COPY).

The authoritative reference and input builder live on the scoring server;
editing this copy changes nothing except your own understanding.
"""

import jax, jax.numpy as jnp
import numpy as np

NUM_NODES = 10000
NUM_EDGES = 320000
NUM_GRAPHS = 256
IN_CH = 128


def gcn_conv(x, edge_index, W, b, num_nodes):
    # x' = x @ W
    h = x @ W
    # add self loops
    loops = jnp.arange(num_nodes, dtype=edge_index.dtype)
    row = jnp.concatenate([edge_index[0], loops])  # source
    col = jnp.concatenate([edge_index[1], loops])  # target
    # symmetric normalization (gcn_norm)
    deg = jnp.zeros((num_nodes,), dtype=h.dtype).at[col].add(1.0)
    deg_inv_sqrt = jnp.where(deg > 0, jax.lax.rsqrt(jnp.maximum(deg, 1e-12)), 0.0)
    norm = deg_inv_sqrt[row] * deg_inv_sqrt[col]
    # message = norm * x'[row]; aggregate scatter-add into col
    msg = h[row] * norm[:, None]
    out = jnp.zeros_like(h).at[col].add(msg)
    return out + b


def setup_inputs(seed: int = 0) -> dict:
    key = jax.random.key(seed)
    ks = jax.random.split(key, 12)
    x = jax.random.normal(ks[0], (NUM_NODES, IN_CH), dtype=jnp.float32)
    edge_index = jax.random.randint(ks[1], (2, NUM_EDGES), 0, NUM_NODES, dtype=jnp.int64)
    batch = jnp.sort(jax.random.randint(ks[2], (NUM_NODES,), 0, NUM_GRAPHS, dtype=jnp.int64))
    # GCNConv weights (glorot-like init)
    W1 = jax.random.normal(ks[3], (IN_CH, IN_CH), dtype=jnp.float32) * (1.0 / np.sqrt(IN_CH))
    b1 = jnp.zeros((IN_CH,), dtype=jnp.float32)
    W2 = jax.random.normal(ks[4], (IN_CH, IN_CH * 2), dtype=jnp.float32) * (1.0 / np.sqrt(IN_CH))
    b2 = jnp.zeros((IN_CH * 2,), dtype=jnp.float32)
    W3 = jax.random.normal(ks[5], (IN_CH * 2, IN_CH * 4), dtype=jnp.float32) * (1.0 / np.sqrt(IN_CH * 2))
    b3 = jnp.zeros((IN_CH * 4,), dtype=jnp.float32)
    fcW = jax.random.normal(ks[6], (IN_CH * 4, 128), dtype=jnp.float32) * (1.0 / np.sqrt(IN_CH * 4))
    fcb = jnp.zeros((128,), dtype=jnp.float32)
    return {"x": x, "edge_index": edge_index, "batch": batch,
            "W1": W1, "b1": b1, "W2": W2, "b2": b2, "W3": W3, "b3": b3,
            "fcW": fcW, "fcb": fcb}


def reference(x, edge_index, batch, W1, b1, W2, b2, W3, b3, fcW, fcb):
    h = jax.nn.relu(gcn_conv(x, edge_index, W1, b1, NUM_NODES))
    h = jax.nn.relu(gcn_conv(h, edge_index, W2, b2, NUM_NODES))
    h = jax.nn.relu(gcn_conv(h, edge_index, W3, b3, NUM_NODES))
    # global max pool over graphs (gmp)
    pooled = jax.ops.segment_max(h, batch, num_segments=NUM_GRAPHS)
    counts = jax.ops.segment_sum(jnp.ones((NUM_NODES,), dtype=h.dtype), batch, num_segments=NUM_GRAPHS)
    pooled = jnp.where(counts[:, None] > 0, pooled, 0.0)
    out = pooled @ fcW + fcb
    # dropout is identity in eval mode
    return out

if __name__ == "__main__":
    import jax
    _d = setup_inputs()
    print(jax.jit(kernel)(*tuple(_d.values())))

</pallas_src>

<mosaic_0001>
#map = affine_map<(d0, d1) -> (0)>
module attributes {stable_mosaic.version = 14 : i64} {
  func.func @new_body(%arg0: i32, %arg1: i32, %arg2: memref<640000xi32, #tpu.memory_space<hbm>>, %arg3: memref<655360xf32, #tpu.memory_space<hbm>>, %arg4: memref<104857600xf32, #tpu.memory_space<hbm>>, %arg5: memref<104857600xf32, #tpu.memory_space<hbm>>) attributes {dimension_semantics = [#tpu.dimension_semantics<core_parallel>, #tpu.dimension_semantics<subcore_parallel>], iteration_bounds = array<i64: 2, 16>, scalar_prefetch = 0 : i64, scratch_operands = 0 : i64, tpu.core_type = #tpu.core_type<sc_vector_subcore>, window_params = [{transform_indices = #map}, {transform_indices = #map}, {transform_indices = #map}, {transform_indices = #map}]} {
    %mul3A = arith.constant 16 : i32
    %mul3A_0 = arith.muli %arg0, %mul3A : i32
    %add3A = arith.addi %mul3A_0, %arg1 : i32
    %mul3A_1 = arith.constant 10000 : i32
    %mul3A_2 = arith.muli %add3A, %mul3A_1 : i32
    "tpu.region"() ({
      %run_scoped3A = memref.alloca() : memref<10000xi32, #tpu.memory_space<vmem>>
      %run_scoped3A_3 = memref.alloca() : memref<10000xi32, #tpu.memory_space<vmem>>
      %run_scoped3A_4 = memref.alloca() : memref<10000xf32, #tpu.memory_space<vmem>>
      %run_scoped3A_5 = memref.alloca() : memref<10000xf32, #tpu.memory_space<vmem>>
      "tpu.region"() ({
        %run_scoped3A_16 = tpu.sem_alloc : memref<!tpu.dma_semaphore, #tpu.memory_space<semaphore_mem>>
        %dma_start3A = tpu.memref_slice %arg2[%mul3A_2] : memref<640000xi32, #tpu.memory_space<hbm>> -> memref<10000xi32, #tpu.memory_space<hbm>>
        %dma_start3A_17 = tpu.memref_slice %arg2[%mul3A_2] : memref<640000xi32, #tpu.memory_space<hbm>> -> memref<10000xi32, #tpu.memory_space<hbm>>
        tpu.enqueue_dma source(%dma_start3A_17 : memref<10000xi32, #tpu.memory_space<hbm>>) target(%run_scoped3A : memref<10000xi32, #tpu.memory_space<vmem>>) target_semaphore(%run_scoped3A_16 : memref<!tpu.dma_semaphore, #tpu.memory_space<semaphore_mem>>)
        %dma_wait3A = tpu.memref_slice %arg2[%mul3A_2] : memref<640000xi32, #tpu.memory_space<hbm>> -> memref<10000xi32, #tpu.memory_space<hbm>>
        %dma_wait3A_18 = tpu.memref_slice %arg2[%mul3A_2] : memref<640000xi32, #tpu.memory_space<hbm>> -> memref<10000xi32, #tpu.memory_space<hbm>>
        tpu.wait_dma2 semaphore(%run_scoped3A_16 : memref<!tpu.dma_semaphore, #tpu.memory_space<semaphore_mem>>) src(%dma_wait3A_18 : memref<10000xi32, #tpu.memory_space<hbm>>) dst(%run_scoped3A : memref<10000xi32, #tpu.memory_space<vmem>>)
        tpu.yield
      }) : () -> ()
      %add3A_6 = arith.constant 320000 : i32
      %add3A_7 = arith.addi %add3A_6, %mul3A_2 : i32
      "tpu.region"() ({
        %run_scoped3A_16 = tpu.sem_alloc : memref<!tpu.dma_semaphore, #tpu.memory_space<semaphore_mem>>
        %dma_start3A = tpu.memref_slice %arg2[%add3A_7] : memref<640000xi32, #tpu.memory_space<hbm>> -> memref<10000xi32, #tpu.memory_space<hbm>>
        %dma_start3A_17 = tpu.memref_slice %arg2[%add3A_7] : memref<640000xi32, #tpu.memory_space<hbm>> -> memref<10000xi32, #tpu.memory_space<hbm>>
        tpu.enqueue_dma source(%dma_start3A_17 : memref<10000xi32, #tpu.memory_space<hbm>>) target(%run_scoped3A_3 : memref<10000xi32, #tpu.memory_space<vmem>>) target_semaphore(%run_scoped3A_16 : memref<!tpu.dma_semaphore, #tpu.memory_space<semaphore_mem>>)
        %dma_wait3A = tpu.memref_slice %arg2[%add3A_7] : memref<640000xi32, #tpu.memory_space<hbm>> -> memref<10000xi32, #tpu.memory_space<hbm>>
        %dma_wait3A_18 = tpu.memref_slice %arg2[%add3A_7] : memref<640000xi32, #tpu.memory_space<hbm>> -> memref<10000xi32, #tpu.memory_space<hbm>>
        tpu.wait_dma2 semaphore(%run_scoped3A_16 : memref<!tpu.dma_semaphore, #tpu.memory_space<semaphore_mem>>) src(%dma_wait3A_18 : memref<10000xi32, #tpu.memory_space<hbm>>) dst(%run_scoped3A_3 : memref<10000xi32, #tpu.memory_space<vmem>>)
        tpu.yield
      }) : () -> ()
      "tpu.region"() ({
        %run_scoped3A_16 = tpu.sem_alloc : memref<!tpu.dma_semaphore, #tpu.memory_space<semaphore_mem>>
        %dma_start3A = tpu.memref_slice %arg3[%mul3A_2] : memref<655360xf32, #tpu.memory_space<hbm>> -> memref<10000xf32, #tpu.memory_space<hbm>>
        %dma_start3A_17 = tpu.memref_slice %arg3[%mul3A_2] : memref<655360xf32, #tpu.memory_space<hbm>> -> memref<10000xf32, #tpu.memory_space<hbm>>
        tpu.enqueue_dma source(%dma_start3A_17 : memref<10000xf32, #tpu.memory_space<hbm>>) target(%run_scoped3A_4 : memref<10000xf32, #tpu.memory_space<vmem>>) target_semaphore(%run_scoped3A_16 : memref<!tpu.dma_semaphore, #tpu.memory_space<semaphore_mem>>)
        %dma_wait3A = tpu.memref_slice %arg3[%mul3A_2] : memref<655360xf32, #tpu.memory_space<hbm>> -> memref<10000xf32, #tpu.memory_space<hbm>>
        %dma_wait3A_18 = tpu.memref_slice %arg3[%mul3A_2] : memref<655360xf32, #tpu.memory_space<hbm>> -> memref<10000xf32, #tpu.memory_space<hbm>>
        tpu.wait_dma2 semaphore(%run_scoped3A_16 : memref<!tpu.dma_semaphore, #tpu.memory_space<semaphore_mem>>) src(%dma_wait3A_18 : memref<10000xf32, #tpu.memory_space<hbm>>) dst(%run_scoped3A_4 : memref<10000xf32, #tpu.memory_space<vmem>>)
        tpu.yield
      }) : () -> ()
      %add3A_8 = arith.constant 327680 : i32
      %add3A_9 = arith.addi %add3A_8, %mul3A_2 : i32
      "tpu.region"() ({
        %run_scoped3A_16 = tpu.sem_alloc : memref<!tpu.dma_semaphore, #tpu.memory_space<semaphore_mem>>
        %dma_start3A = tpu.memref_slice %arg3[%add3A_9] : memref<655360xf32, #tpu.memory_space<hbm>> -> memref<10000xf32, #tpu.memory_space<hbm>>
        %dma_start3A_17 = tpu.memref_slice %arg3[%add3A_9] : memref<655360xf32, #tpu.memory_space<hbm>> -> memref<10000xf32, #tpu.memory_space<hbm>>
        tpu.enqueue_dma source(%dma_start3A_17 : memref<10000xf32, #tpu.memory_space<hbm>>) target(%run_scoped3A_5 : memref<10000xf32, #tpu.memory_space<vmem>>) target_semaphore(%run_scoped3A_16 : memref<!tpu.dma_semaphore, #tpu.memory_space<semaphore_mem>>)
        %dma_wait3A = tpu.memref_slice %arg3[%add3A_9] : memref<655360xf32, #tpu.memory_space<hbm>> -> memref<10000xf32, #tpu.memory_space<hbm>>
        %dma_wait3A_18 = tpu.memref_slice %arg3[%add3A_9] : memref<655360xf32, #tpu.memory_space<hbm>> -> memref<10000xf32, #tpu.memory_space<hbm>>
        tpu.wait_dma2 semaphore(%run_scoped3A_16 : memref<!tpu.dma_semaphore, #tpu.memory_space<semaphore_mem>>) src(%dma_wait3A_18 : memref<10000xf32, #tpu.memory_space<hbm>>) dst(%run_scoped3A_5 : memref<10000xf32, #tpu.memory_space<vmem>>)
        tpu.yield
      }) : () -> ()
      %scan3A = arith.constant 0 : i32
      %scan3A_10 = arith.constant 0 : i32
      %scan3A_11 = arith.constant 125 : i32
      %scan3A_12 = arith.addi %scan3A_10, %scan3A_11 : i32
      %scan3A_13 = arith.constant 1 : i32
      %scan3A_14 = scf.for %scan3A_16 = %scan3A_10 to %scan3A_12 step %scan3A_13 iter_args(%scan3A_17 = %scan3A) -> (i32)  : i32 {
        %mul3A_18 = arith.constant 5 : i32
        %mul3A_19 = arith.muli %scan3A_16, %mul3A_18 : i32
        %add3A_20 = arith.constant 0 : i32
        %add3A_21 = arith.addi %mul3A_19, %add3A_20 : i32
        %mul3A_22 = arith.constant 16 : i32
        %mul3A_23 = arith.muli %add3A_21, %mul3A_22 : i32
        %mul3A_24 = arith.constant 16 : i32
        %mul3A_25 = arith.muli %add3A_21, %mul3A_24 : i32
        %get3A = arith.index_cast %mul3A_23 : i32 to index
        %get3A_26 = tpu.vector_load %run_scoped3A_4[%get3A] {strides = array<i32>} : memref<10000xf32, #tpu.memory_space<vmem>>, vector<16xf32>,
        %get3A_27 = vector.shape_cast %get3A_26 : vector<16xf32> to vector<16xf32>
        %get3A_28 = arith.index_cast %mul3A_23 : i32 to index
        %get3A_29 = tpu.vector_load %run_scoped3A_5[%get3A_28] {strides = array<i32>} : memref<10000xf32, #tpu.memory_space<vmem>>, vector<16xf32>,
        %get3A_30 = vector.shape_cast %get3A_29 : vector<16xf32> to vector<16xf32>
        %add3A_31 = arith.addf %get3A_27, %get3A_30 : vector<16xf32>
        %swap3A = arith.index_cast %mul3A_23 : i32 to index
        %swap3A_32 = tpu.vector_load %run_scoped3A_4[%swap3A] {strides = array<i32>} : memref<10000xf32, #tpu.memory_space<vmem>>, vector<16xf32>,
        %swap3A_33 = vector.shape_cast %swap3A_32 : vector<16xf32> to vector<16xf32>
        %swap3A_34 = vector.shape_cast %add3A_31 : vector<16xf32> to vector<16xf32>
        tpu.vector_store %run_scoped3A_4[%swap3A], %swap3A_34 {strides = array<i32>} : memref<10000xf32, #tpu.memory_space<vmem>>, vector<16xf32>,
        %get3A_35 = arith.index_cast %mul3A_23 : i32 to index
        %get3A_36 = tpu.vector_load %run_scoped3A[%get3A_35] {strides = array<i32>} : memref<10000xi32, #tpu.memory_space<vmem>>, vector<16xi32>,
        %get3A_37 = vector.shape_cast %get3A_36 : vector<16xi32> to vector<16xi32>
        %add3A_38 = arith.addi %mul3A_2, %mul3A_25 : i32
        %iota3A = tpu.iota {dimensions = array<i32: 0>} : vector<16xi32>
        %add3A_39 = vector.broadcast %add3A_38 : i32 to vector<16xi32>
        %add3A_40 = arith.addi %add3A_39, %iota3A : vector<16xi32>
        %eq3A = arith.cmpi eq, %get3A_37, %add3A_40 : vector<16xi32>
        %get3A_41 = arith.index_cast %mul3A_23 : i32 to index
        %get3A_42 = tpu.vector_load %run_scoped3A_3[%get3A_41] {strides = array<i32>} : memref<10000xi32, #tpu.memory_space<vmem>>, vector<16xi32>,
        %get3A_43 = vector.shape_cast %get3A_42 : vector<16xi32> to vector<16xi32>
        %jit3A = arith.constant 104857599 : i32
        %broadcast_in_dim3A = vector.broadcast %jit3A : i32 to vector<16xi32>
        %select_n3A = arith.select %eq3A, %get3A_43, %broadcast_in_dim3A : vector<16xi1>, vector<16xi32>
        %swap3A_44 = arith.index_cast %mul3A_23 : i32 to index
        %swap3A_45 = tpu.vector_load %run_scoped3A[%swap3A_44] {strides = array<i32>} : memref<10000xi32, #tpu.memory_space<vmem>>, vector<16xi32>,
        %swap3A_46 = vector.shape_cast %swap3A_45 : vector<16xi32> to vector<16xi32>
        %swap3A_47 = vector.shape_cast %select_n3A : vector<16xi32> to vector<16xi32>
        tpu.vector_store %run_scoped3A[%swap3A_44], %swap3A_47 {strides = array<i32>} : memref<10000xi32, #tpu.memory_space<vmem>>, vector<16xi32>,
        %mul3A_48 = arith.constant 5 : i32
        %mul3A_49 = arith.muli %scan3A_16, %mul3A_48 : i32
        %add3A_50 = arith.constant 1 : i32
        %add3A_51 = arith.addi %mul3A_49, %add3A_50 : i32
        %mul3A_52 = arith.constant 16 : i32
        %mul3A_53 = arith.muli %add3A_51, %mul3A_52 : i32
        %mul3A_54 = arith.constant 16 : i32
        %mul3A_55 = arith.muli %add3A_51, %mul3A_54 : i32
        %get3A_56 = arith.index_cast %mul3A_53 : i32 to index
        %get3A_57 = tpu.vector_load %run_scoped3A_4[%get3A_56] {strides = array<i32>} : memref<10000xf32, #tpu.memory_space<vmem>>, vector<16xf32>,
        %get3A_58 = vector.shape_cast %get3A_57 : vector<16xf32> to vector<16xf32>
        %get3A_59 = arith.index_cast %mul3A_53 : i32 to index
        %get3A_60 = tpu.vector_load %run_scoped3A_5[%get3A_59] {strides = array<i32>} : memref<10000xf32, #tpu.memory_space<vmem>>, vector<16xf32>,
        %get3A_61 = vector.shape_cast %get3A_60 : vector<16xf32> to vector<16xf32>
        %add3A_62 = arith.addf %get3A_58, %get3A_61 : vector<16xf32>
        %swap3A_63 = arith.index_cast %mul3A_53 : i32 to index
        %swap3A_64 = tpu.vector_load %run_scoped3A_4[%swap3A_63] {strides = array<i32>} : memref<10000xf32, #tpu.memory_space<vmem>>, vector<16xf32>,
        %swap3A_65 = vector.shape_cast %swap3A_64 : vector<16xf32> to vector<16xf32>
        %swap3A_66 = vector.shape_cast %add3A_62 : vector<16xf32> to vector<16xf32>
        tpu.vector_store %run_scoped3A_4[%swap3A_63], %swap3A_66 {strides = array<i32>} : memref<10000xf32, #tpu.memory_space<vmem>>, vector<16xf32>,
        %get3A_67 = arith.index_cast %mul3A_53 : i32 to index
        %get3A_68 = tpu.vector_load %run_scoped3A[%get3A_67] {strides = array<i32>} : memref<10000xi32, #tpu.memory_space<vmem>>, vector<16xi32>,
        %get3A_69 = vector.shape_cast %get3A_68 : vector<16xi32> to vector<16xi32>
        %add3A_70 = arith.addi %mul3A_2, %mul3A_55 : i32
        %iota3A_71 = tpu.iota {dimensions = array<i32: 0>} : vector<16xi32>
        %add3A_72 = vector.broadcast %add3A_70 : i32 to vector<16xi32>
        %add3A_73 = arith.addi %add3A_72, %iota3A_71 : vector<16xi32>
        %eq3A_74 = arith.cmpi eq, %get3A_69, %add3A_73 : vector<16xi32>
        %get3A_75 = arith.index_cast %mul3A_53 : i32 to index
        %get3A_76 = tpu.vector_load %run_scoped3A_3[%get3A_75] {strides = array<i32>} : memref<10000xi32, #tpu.memory_space<vmem>>, vector<16xi32>,
        %get3A_77 = vector.shape_cast %get3A_76 : vector<16xi32> to vector<16xi32>
        %jit3A_78 = arith.constant 104857599 : i32
        %broadcast_in_dim3A_79 = vector.broadcast %jit3A_78 : i32 to vector<16xi32>
        %select_n3A_80 = arith.select %eq3A_74, %get3A_77, %broadcast_in_dim3A_79 : vector<16xi1>, vector<16xi32>
        %swap3A_81 = arith.index_cast %mul3A_53 : i32 to index
        %swap3A_82 = tpu.vector_load %run_scoped3A[%swap3A_81] {strides = array<i32>} : memref<10000xi32, #tpu.memory_space<vmem>>, vector<16xi32>,
        %swap3A_83 = vector.shape_cast %swap3A_82 : vector<16xi32> to vector<16xi32>
        %swap3A_84 = vector.shape_cast %select_n3A_80 : vector<16xi32> to vector<16xi32>
        tpu.vector_store %run_scoped3A[%swap3A_81], %swap3A_84 {strides = array<i32>} : memref<10000xi32, #tpu.memory_space<vmem>>, vector<16xi32>,
        %mul3A_85 = arith.constant 5 : i32
        %mul3A_86 = arith.muli %scan3A_16, %mul3A_85 : i32
        %add3A_87 = arith.constant 2 : i32
        %add3A_88 = arith.addi %mul3A_86, %add3A_87 : i32
        %mul3A_89 = arith.constant 16 : i32
        %mul3A_90 = arith.muli %add3A_88, %mul3A_89 : i32
        %mul3A_91 = arith.constant 16 : i32
        %mul3A_92 = arith.muli %add3A_88, %mul3A_91 : i32
        %get3A_93 = arith.index_cast %mul3A_90 : i32 to index
        %get3A_94 = tpu.vector_load %run_scoped3A_4[%get3A_93] {strides = array<i32>} : memref<10000xf32, #tpu.memory_space<vmem>>, vector<16xf32>,
        %get3A_95 = vector.shape_cast %get3A_94 : vector<16xf32> to vector<16xf32>
        %get3A_96 = arith.index_cast %mul3A_90 : i32 to index
        %get3A_97 = tpu.vector_load %run_scoped3A_5[%get3A_96] {strides = array<i32>} : memref<10000xf32, #tpu.memory_space<vmem>>, vector<16xf32>,
        %get3A_98 = vector.shape_cast %get3A_97 : vector<16xf32> to vector<16xf32>
        %add3A_99 = arith.addf %get3A_95, %get3A_98 : vector<16xf32>
        %swap3A_100 = arith.index_cast %mul3A_90 : i32 to index
        %swap3A_101 = tpu.vector_load %run_scoped3A_4[%swap3A_100] {strides = array<i32>} : memref<10000xf32, #tpu.memory_space<vmem>>, vector<16xf32>,
        %swap3A_102 = vector.shape_cast %swap3A_101 : vector<16xf32> to vector<16xf32>
        %swap3A_103 = vector.shape_cast %add3A_99 : vector<16xf32> to vector<16xf32>
        tpu.vector_store %run_scoped3A_4[%swap3A_100], %swap3A_103 {strides = array<i32>} : memref<10000xf32, #tpu.memory_space<vmem>>, vector<16xf32>,
        %get3A_104 = arith.index_cast %mul3A_90 : i32 to index
        %get3A_105 = tpu.vector_load %run_scoped3A[%get3A_104] {strides = array<i32>} : memref<10000xi32, #tpu.memory_space<vmem>>, vector<16xi32>,
        %get3A_106 = vector.shape_cast %get3A_105 : vector<16xi32> to vector<16xi32>
        %add3A_107 = arith.addi %mul3A_2, %mul3A_92 : i32
        %iota3A_108 = tpu.iota {dimensions = array<i32: 0>} : vector<16xi32>
        %add3A_109 = vector.broadcast %add3A_107 : i32 to vector<16xi32>
        %add3A_110 = arith.addi %add3A_109, %iota3A_108 : vector<16xi32>
        %eq3A_111 = arith.cmpi eq, %get3A_106, %add3A_110 : vector<16xi32>
        %get3A_112 = arith.index_cast %mul3A_90 : i32 to index
        %get3A_113 = tpu.vector_load %run_scoped3A_3[%get3A_112] {strides = array<i32>} : memref<10000xi32, #tpu.memory_space<vmem>>, vector<16xi32>,
        %get3A_114 = vector.shape_cast %get3A_113 : vector<16xi32> to vector<16xi32>
        %jit3A_115 = arith.constant 104857599 : i32
        %broadcast_in_dim3A_116 = vector.broadcast %jit3A_115 : i32 to vector<16xi32>
        %select_n3A_117 = arith.select %eq3A_111, %get3A_114, %broadcast_in_dim3A_116 : vector<16xi1>, vector<16xi32>
        %swap3A_118 = arith.index_cast %mul3A_90 : i32 to index
        %swap3A_119 = tpu.vector_load %run_scoped3A[%swap3A_118] {strides = array<i32>} : memref<10000xi32, #tpu.memory_space<vmem>>, vector<16xi32>,
        %swap3A_120 = vector.shape_cast %swap3A_119 : vector<16xi32> to vector<16xi32>
        %swap3A_121 = vector.shape_cast %select_n3A_117 : vector<16xi32> to vector<16xi32>
        tpu.vector_store %run_scoped3A[%swap3A_118], %swap3A_121 {strides = array<i32>} : memref<10000xi32, #tpu.memory_space<vmem>>, vector<16xi32>,
        %mul3A_122 = arith.constant 5 : i32
        %mul3A_123 = arith.muli %scan3A_16, %mul3A_122 : i32
        %add3A_124 = arith.constant 3 : i32
        %add3A_125 = arith.addi %mul3A_123, %add3A_124 : i32
        %mul3A_126 = arith.constant 16 : i32
        %mul3A_127 = arith.muli %add3A_125, %mul3A_126 : i32
        %mul3A_128 = arith.constant 16 : i32
        %mul3A_129 = arith.muli %add3A_125, %mul3A_128 : i32
        %get3A_130 = arith.index_cast %mul3A_127 : i32 to index
        %get3A_131 = tpu.vector_load %run_scoped3A_4[%get3A_130] {strides = array<i32>} : memref<10000xf32, #tpu.memory_space<vmem>>, vector<16xf32>,
        %get3A_132 = vector.shape_cast %get3A_131 : vector<16xf32> to vector<16xf32>
        %get3A_133 = arith.index_cast %mul3A_127 : i32 to index
        %get3A_134 = tpu.vector_load %run_scoped3A_5[%get3A_133] {strides = array<i32>} : memref<10000xf32, #tpu.memory_space<vmem>>, vector<16xf32>,
        %get3A_135 = vector.shape_cast %get3A_134 : vector<16xf32> to vector<16xf32>
        %add3A_136 = arith.addf %get3A_132, %get3A_135 : vector<16xf32>
        %swap3A_137 = arith.index_cast %mul3A_127 : i32 to index
        %swap3A_138 = tpu.vector_load %run_scoped3A_4[%swap3A_137] {strides = array<i32>} : memref<10000xf32, #tpu.memory_space<vmem>>, vector<16xf32>,
        %swap3A_139 = vector.shape_cast %swap3A_138 : vector<16xf32> to vector<16xf32>
        %swap3A_140 = vector.shape_cast %add3A_136 : vector<16xf32> to vector<16xf32>
        tpu.vector_store %run_scoped3A_4[%swap3A_137], %swap3A_140 {strides = array<i32>} : memref<10000xf32, #tpu.memory_space<vmem>>, vector<16xf32>,
        %get3A_141 = arith.index_cast %mul3A_127 : i32 to index
        %get3A_142 = tpu.vector_load %run_scoped3A[%get3A_141] {strides = array<i32>} : memref<10000xi32, #tpu.memory_space<vmem>>, vector<16xi32>,
        %get3A_143 = vector.shape_cast %get3A_142 : vector<16xi32> to vector<16xi32>
        %add3A_144 = arith.addi %mul3A_2, %mul3A_129 : i32
        %iota3A_145 = tpu.iota {dimensions = array<i32: 0>} : vector<16xi32>
        %add3A_146 = vector.broadcast %add3A_144 : i32 to vector<16xi32>
        %add3A_147 = arith.addi %add3A_146, %iota3A_145 : vector<16xi32>
        %eq3A_148 = arith.cmpi eq, %get3A_143, %add3A_147 : vector<16xi32>
        %get3A_149 = arith.index_cast %mul3A_127 : i32 to index
        %get3A_150 = tpu.vector_load %run_scoped3A_3[%get3A_149] {strides = array<i32>} : memref<10000xi32, #tpu.memory_space<vmem>>, vector<16xi32>,
        %get3A_151 = vector.shape_cast %get3A_150 : vector<16xi32> to vector<16xi32>
        %jit3A_152 = arith.constant 104857599 : i32
        %broadcast_in_dim3A_153 = vector.broadcast %jit3A_152 : i32 to vector<16xi32>
        %select_n3A_154 = arith.select %eq3A_148, %get3A_151, %broadcast_in_dim3A_153 : vector<16xi1>, vector<16xi32>
        %swap3A_155 = arith.index_cast %mul3A_127 : i32 to index
        %swap3A_156 = tpu.vector_load %run_scoped3A[%swap3A_155] {strides = array<i32>} : memref<10000xi32, #tpu.memory_space<vmem>>, vector<16xi32>,
        %swap3A_157 = vector.shape_cast %swap3A_156 : vector<16xi32> to vector<16xi32>
        %swap3A_158 = vector.shape_cast %select_n3A_154 : vector<16xi32> to vector<16xi32>
        tpu.vector_store %run_scoped3A[%swap3A_155], %swap3A_158 {strides = array<i32>} : memref<10000xi32, #tpu.memory_space<vmem>>, vector<16xi32>,
        %mul3A_159 = arith.constant 5 : i32
        %mul3A_160 = arith.muli %scan3A_16, %mul3A_159 : i32
        %add3A_161 = arith.constant 4 : i32
        %add3A_162 = arith.addi %mul3A_160, %add3A_161 : i32
        %mul3A_163 = arith.constant 16 : i32
        %mul3A_164 = arith.muli %add3A_162, %mul3A_163 : i32
        %mul3A_165 = arith.constant 16 : i32
        %mul3A_166 = arith.muli %add3A_162, %mul3A_165 : i32
        %get3A_167 = arith.index_cast %mul3A_164 : i32 to index
        %get3A_168 = tpu.vector_load %run_scoped3A_4[%get3A_167] {strides = array<i32>} : memref<10000xf32, #tpu.memory_space<vmem>>, vector<16xf32>,
        %get3A_169 = vector.shape_cast %get3A_168 : vector<16xf32> to vector<16xf32>
        %get3A_170 = arith.index_cast %mul3A_164 : i32 to index
        %get3A_171 = tpu.vector_load %run_scoped3A_5[%get3A_170] {strides = array<i32>} : memref<10000xf32, #tpu.memory_space<vmem>>, vector<16xf32>,
        %get3A_172 = vector.shape_cast %get3A_171 : vector<16xf32> to vector<16xf32>
        %add3A_173 = arith.addf %get3A_169, %get3A_172 : vector<16xf32>
        %swap3A_174 = arith.index_cast %mul3A_164 : i32 to index
        %swap3A_175 = tpu.vector_load %run_scoped3A_4[%swap3A_174] {strides = array<i32>} : memref<10000xf32, #tpu.memory_space<vmem>>, vector<16xf32>,
        %swap3A_176 = vector.shape_cast %swap3A_175 : vector<16xf32> to vector<16xf32>
        %swap3A_177 = vector.shape_cast %add3A_173 : vector<16xf32> to vector<16xf32>
        tpu.vector_store %run_scoped3A_4[%swap3A_174], %swap3A_177 {strides = array<i32>} : memref<10000xf32, #tpu.memory_space<vmem>>, vector<16xf32>,
        %get3A_178 = arith.index_cast %mul3A_164 : i32 to index
        %get3A_179 = tpu.vector_load %run_scoped3A[%get3A_178] {strides = array<i32>} : memref<10000xi32, #tpu.memory_space<vmem>>, vector<16xi32>,
        %get3A_180 = vector.shape_cast %get3A_179 : vector<16xi32> to vector<16xi32>
        %add3A_181 = arith.addi %mul3A_2, %mul3A_166 : i32
        %iota3A_182 = tpu.iota {dimensions = array<i32: 0>} : vector<16xi32>
        %add3A_183 = vector.broadcast %add3A_181 : i32 to vector<16xi32>
        %add3A_184 = arith.addi %add3A_183, %iota3A_182 : vector<16xi32>
        %eq3A_185 = arith.cmpi eq, %get3A_180, %add3A_184 : vector<16xi32>
        %get3A_186 = arith.index_cast %mul3A_164 : i32 to index
        %get3A_187 = tpu.vector_load %run_scoped3A_3[%get3A_186] {strides = array<i32>} : memref<10000xi32, #tpu.memory_space<vmem>>, vector<16xi32>,
        %get3A_188 = vector.shape_cast %get3A_187 : vector<16xi32> to vector<16xi32>
        %jit3A_189 = arith.constant 104857599 : i32
        %broadcast_in_dim3A_190 = vector.broadcast %jit3A_189 : i32 to vector<16xi32>
        %select_n3A_191 = arith.select %eq3A_185, %get3A_188, %broadcast_in_dim3A_190 : vector<16xi1>, vector<16xi32>
        %swap3A_192 = arith.index_cast %mul3A_164 : i32 to index
        %swap3A_193 = tpu.vector_load %run_scoped3A[%swap3A_192] {strides = array<i32>} : memref<10000xi32, #tpu.memory_space<vmem>>, vector<16xi32>,
        %swap3A_194 = vector.shape_cast %swap3A_193 : vector<16xi32> to vector<16xi32>
        %swap3A_195 = vector.shape_cast %select_n3A_191 : vector<16xi32> to vector<16xi32>
        tpu.vector_store %run_scoped3A[%swap3A_192], %swap3A_195 {strides = array<i32>} : memref<10000xi32, #tpu.memory_space<vmem>>, vector<16xi32>,
        %scan3A_196 = arith.constant 0 : i32
        scf.yield %scan3A_196 : i32
      }
      %scan3A_15 = arith.constant 125 : i32
      "tpu.region"() ({
        %run_scoped3A_16 = tpu.sem_alloc : memref<!tpu.dma_semaphore, #tpu.memory_space<semaphore_mem>>
        %dma_start3A = arith.constant 0 : i32
        %dma_start3A_17 = tpu.memref_slice %arg4[%dma_start3A] : memref<104857600xf32, #tpu.memory_space<hbm>> -> memref<104857600xf32, #tpu.memory_space<hbm>>
        tpu.enqueue_indirect_dma source(%run_scoped3A_4 : memref<10000xf32, #tpu.memory_space<vmem>>) target(%dma_start3A_17 : memref<104857600xf32, #tpu.memory_space<hbm>>) offsets(%run_scoped3A : memref<10000xi32, #tpu.memory_space<vmem>>) semaphore(%run_scoped3A_16 : memref<!tpu.dma_semaphore, #tpu.memory_space<semaphore_mem>>)
        %dma_wait3A = arith.constant 0 : i32
        %dma_wait3A_18 = tpu.memref_slice %arg4[%dma_wait3A] : memref<104857600xf32, #tpu.memory_space<hbm>> -> memref<104857600xf32, #tpu.memory_space<hbm>>
        tpu.wait_indirect_dma semaphore(%run_scoped3A_16 : memref<!tpu.dma_semaphore, #tpu.memory_space<semaphore_mem>>) src(%run_scoped3A_4 : memref<10000xf32, #tpu.memory_space<vmem>>) dst(%dma_wait3A_18 : memref<104857600xf32, #tpu.memory_space<hbm>>)
        tpu.yield
      }) : () -> ()
      tpu.yield
    }) : () -> ()
    return
  }
}

#map = affine_map<(d0, d1) -> (0)>
module attributes {stable_mosaic.version = 14 : i64} {
  func.func @tag(%arg0: i32, %arg1: i32, %arg2: memref<640000xi32, #tpu.memory_space<hbm>>, %arg3: memref<104857600xi32, #tpu.memory_space<hbm>>) attributes {dimension_semantics = [#tpu.dimension_semantics<core_parallel>, #tpu.dimension_semantics<subcore_parallel>], iteration_bounds = array<i64: 2, 16>, scalar_prefetch = 0 : i64, scratch_operands = 0 : i64, tpu.core_type = #tpu.core_type<sc_vector_subcore>, window_params = [{transform_indices = #map}, {transform_indices = #map}]} {
    %mul3A = arith.constant 16 : i32
    %mul3A_0 = arith.muli %arg0, %mul3A : i32
    %add3A = arith.addi %mul3A_0, %arg1 : i32
    %mul3A_1 = arith.constant 10000 : i32
    %mul3A_2 = arith.muli %add3A, %mul3A_1 : i32
    "tpu.region"() ({
      %run_scoped3A = memref.alloca() : memref<10000xi32, #tpu.memory_space<vmem>>
      %run_scoped3A_3 = memref.alloca() : memref<10000xi32, #tpu.memory_space<vmem>>
      %run_scoped3A_4 = memref.alloca() : memref<10000xi32, #tpu.memory_space<vmem>>
      "tpu.region"() ({
        %run_scoped3A_13 = tpu.sem_alloc : memref<!tpu.dma_semaphore, #tpu.memory_space<semaphore_mem>>
        %dma_start3A = tpu.memref_slice %arg2[%mul3A_2] : memref<640000xi32, #tpu.memory_space<hbm>> -> memref<10000xi32, #tpu.memory_space<hbm>>
        %dma_start3A_14 = tpu.memref_slice %arg2[%mul3A_2] : memref<640000xi32, #tpu.memory_space<hbm>> -> memref<10000xi32, #tpu.memory_space<hbm>>
        tpu.enqueue_dma source(%dma_start3A_14 : memref<10000xi32, #tpu.memory_space<hbm>>) target(%run_scoped3A : memref<10000xi32, #tpu.memory_space<vmem>>) target_semaphore(%run_scoped3A_13 : memref<!tpu.dma_semaphore, #tpu.memory_space<semaphore_mem>>)
        %dma_wait3A = tpu.memref_slice %arg2[%mul3A_2] : memref<640000xi32, #tpu.memory_space<hbm>> -> memref<10000xi32, #tpu.memory_space<hbm>>
        %dma_wait3A_15 = tpu.memref_slice %arg2[%mul3A_2] : memref<640000xi32, #tpu.memory_space<hbm>> -> memref<10000xi32, #tpu.memory_space<hbm>>
        tpu.wait_dma2 semaphore(%run_scoped3A_13 : memref<!tpu.dma_semaphore, #tpu.memory_space<semaphore_mem>>) src(%dma_wait3A_15 : memref<10000xi32, #tpu.memory_space<hbm>>) dst(%run_scoped3A : memref<10000xi32, #tpu.memory_space<vmem>>)
        tpu.yield
      }) : () -> ()
      %add3A_5 = arith.constant 320000 : i32
      %add3A_6 = arith.addi %add3A_5, %mul3A_2 : i32
      "tpu.region"() ({
        %run_scoped3A_13 = tpu.sem_alloc : memref<!tpu.dma_semaphore, #tpu.memory_space<semaphore_mem>>
        %dma_start3A = tpu.memref_slice %arg2[%add3A_6] : memref<640000xi32, #tpu.memory_space<hbm>> -> memref<10000xi32, #tpu.memory_space<hbm>>
        %dma_start3A_14 = tpu.memref_slice %arg2[%add3A_6] : memref<640000xi32, #tpu.memory_space<hbm>> -> memref<10000xi32, #tpu.memory_space<hbm>>
        tpu.enqueue_dma source(%dma_start3A_14 : memref<10000xi32, #tpu.memory_space<hbm>>) target(%run_scoped3A_3 : memref<10000xi32, #tpu.memory_space<vmem>>) target_semaphore(%run_scoped3A_13 : memref<!tpu.dma_semaphore, #tpu.memory_space<semaphore_mem>>)
        %dma_wait3A = tpu.memref_slice %arg2[%add3A_6] : memref<640000xi32, #tpu.memory_space<hbm>> -> memref<10000xi32, #tpu.memory_space<hbm>>
        %dma_wait3A_15 = tpu.memref_slice %arg2[%add3A_6] : memref<640000xi32, #tpu.memory_space<hbm>> -> memref<10000xi32, #tpu.memory_space<hbm>>
        tpu.wait_dma2 semaphore(%run_scoped3A_13 : memref<!tpu.dma_semaphore, #tpu.memory_space<semaphore_mem>>) src(%dma_wait3A_15 : memref<10000xi32, #tpu.memory_space<hbm>>) dst(%run_scoped3A_3 : memref<10000xi32, #tpu.memory_space<vmem>>)
        tpu.yield
      }) : () -> ()
      %scan3A = arith.constant 0 : i32
      %scan3A_7 = arith.constant 0 : i32
      %scan3A_8 = arith.constant 125 : i32
      %scan3A_9 = arith.addi %scan3A_7, %scan3A_8 : i32
      %scan3A_10 = arith.constant 1 : i32
      %scan3A_11 = scf.for %scan3A_13 = %scan3A_7 to %scan3A_9 step %scan3A_10 iter_args(%scan3A_14 = %scan3A) -> (i32)  : i32 {
        %mul3A_15 = arith.constant 5 : i32
        %mul3A_16 = arith.muli %scan3A_13, %mul3A_15 : i32
        %add3A_17 = arith.constant 0 : i32
        %add3A_18 = arith.addi %mul3A_16, %add3A_17 : i32
        %mul3A_19 = arith.constant 16 : i32
        %mul3A_20 = arith.muli %add3A_18, %mul3A_19 : i32
        %mul3A_21 = arith.constant 16 : i32
        %mul3A_22 = arith.muli %add3A_18, %mul3A_21 : i32
        %get3A = arith.index_cast %mul3A_20 : i32 to index
        %get3A_23 = tpu.vector_load %run_scoped3A_3[%get3A] {strides = array<i32>} : memref<10000xi32, #tpu.memory_space<vmem>>, vector<16xi32>,
        %get3A_24 = vector.shape_cast %get3A_23 : vector<16xi32> to vector<16xi32>
        %mul3A_25 = arith.constant 10240 : i32
        %mul3A_26 = vector.broadcast %mul3A_25 : i32 to vector<16xi32>
        %mul3A_27 = arith.muli %get3A_24, %mul3A_26 : vector<16xi32>
        %get3A_28 = arith.index_cast %mul3A_20 : i32 to index
        %get3A_29 = tpu.vector_load %run_scoped3A[%get3A_28] {strides = array<i32>} : memref<10000xi32, #tpu.memory_space<vmem>>, vector<16xi32>,
        %get3A_30 = vector.shape_cast %get3A_29 : vector<16xi32> to vector<16xi32>
        %add3A_31 = arith.addi %mul3A_27, %get3A_30 : vector<16xi32>
        %swap3A = arith.index_cast %mul3A_20 : i32 to index
        %swap3A_32 = tpu.vector_load %run_scoped3A_3[%swap3A] {strides = array<i32>} : memref<10000xi32, #tpu.memory_space<vmem>>, vector<16xi32>,
        %swap3A_33 = vector.shape_cast %swap3A_32 : vector<16xi32> to vector<16xi32>
        %swap3A_34 = vector.shape_cast %add3A_31 : vector<16xi32> to vector<16xi32>
        tpu.vector_store %run_scoped3A_3[%swap3A], %swap3A_34 {strides = array<i32>} : memref<10000xi32, #tpu.memory_space<vmem>>, vector<16xi32>,
        %add3A_35 = arith.addi %mul3A_2, %mul3A_22 : i32
        %iota3A = tpu.iota {dimensions = array<i32: 0>} : vector<16xi32>
        %add3A_36 = vector.broadcast %add3A_35 : i32 to vector<16xi32>
        %add3A_37 = arith.addi %add3A_36, %iota3A : vector<16xi32>
        %swap3A_38 = arith.index_cast %mul3A_20 : i32 to index
        %swap3A_39 = tpu.vector_load %run_scoped3A_4[%swap3A_38] {strides = array<i32>} : memref<10000xi32, #tpu.memory_space<vmem>>, vector<16xi32>,
        %swap3A_40 = vector.shape_cast %swap3A_39 : vector<16xi32> to vector<16xi32>
        %swap3A_41 = vector.shape_cast %add3A_37 : vector<16xi32> to vector<16xi32>
        tpu.vector_store %run_scoped3A_4[%swap3A_38], %swap3A_41 {strides = array<i32>} : memref<10000xi32, #tpu.memory_space<vmem>>, vector<16xi32>,
        %mul3A_42 = arith.constant 5 : i32
        %mul3A_43 = arith.muli %scan3A_13, %mul3A_42 : i32
        %add3A_44 = arith.constant 1 : i32
        %add3A_45 = arith.addi %mul3A_43, %add3A_44 : i32
        %mul3A_46 = arith.constant 16 : i32
        %mul3A_47 = arith.muli %add3A_45, %mul3A_46 : i32
        %mul3A_48 = arith.constant 16 : i32
        %mul3A_49 = arith.muli %add3A_45, %mul3A_48 : i32
        %get3A_50 = arith.index_cast %mul3A_47 : i32 to index
        %get3A_51 = tpu.vector_load %run_scoped3A_3[%get3A_50] {strides = array<i32>} : memref<10000xi32, #tpu.memory_space<vmem>>, vector<16xi32>,
        %get3A_52 = vector.shape_cast %get3A_51 : vector<16xi32> to vector<16xi32>
        %mul3A_53 = arith.constant 10240 : i32
        %mul3A_54 = vector.broadcast %mul3A_53 : i32 to vector<16xi32>
        %mul3A_55 = arith.muli %get3A_52, %mul3A_54 : vector<16xi32>
        %get3A_56 = arith.index_cast %mul3A_47 : i32 to index
        %get3A_57 = tpu.vector_load %run_scoped3A[%get3A_56] {strides = array<i32>} : memref<10000xi32, #tpu.memory_space<vmem>>, vector<16xi32>,
        %get3A_58 = vector.shape_cast %get3A_57 : vector<16xi32> to vector<16xi32>
        %add3A_59 = arith.addi %mul3A_55, %get3A_58 : vector<16xi32>
        %swap3A_60 = arith.index_cast %mul3A_47 : i32 to index
        %swap3A_61 = tpu.vector_load %run_scoped3A_3[%swap3A_60] {strides = array<i32>} : memref<10000xi32, #tpu.memory_space<vmem>>, vector<16xi32>,
        %swap3A_62 = vector.shape_cast %swap3A_61 : vector<16xi32> to vector<16xi32>
        %swap3A_63 = vector.shape_cast %add3A_59 : vector<16xi32> to vector<16xi32>
        tpu.vector_store %run_scoped3A_3[%swap3A_60], %swap3A_63 {strides = array<i32>} : memref<10000xi32, #tpu.memory_space<vmem>>, vector<16xi32>,
        %add3A_64 = arith.addi %mul3A_2, %mul3A_49 : i32
        %iota3A_65 = tpu.iota {dimensions = array<i32: 0>} : vector<16xi32>
        %add3A_66 = vector.broadcast %add3A_64 : i32 to vector<16xi32>
        %add3A_67 = arith.addi %add3A_66, %iota3A_65 : vector<16xi32>
        %swap3A_68 = arith.index_cast %mul3A_47 : i32 to index
        %swap3A_69 = tpu.vector_load %run_scoped3A_4[%swap3A_68] {strides = array<i32>} : memref<10000xi32, #tpu.memory_space<vmem>>, vector<16xi32>,
        %swap3A_70 = vector.shape_cast %swap3A_69 : vector<16xi32> to vector<16xi32>
        %swap3A_71 = vector.shape_cast %add3A_67 : vector<16xi32> to vector<16xi32>
        tpu.vector_store %run_scoped3A_4[%swap3A_68], %swap3A_71 {strides = array<i32>} : memref<10000xi32, #tpu.memory_space<vmem>>, vector<16xi32>,
        %mul3A_72 = arith.constant 5 : i32
        %mul3A_73 = arith.muli %scan3A_13, %mul3A_72 : i32
        %add3A_74 = arith.constant 2 : i32
        %add3A_75 = arith.addi %mul3A_73, %add3A_74 : i32
        %mul3A_76 = arith.constant 16 : i32
        %mul3A_77 = arith.muli %add3A_75, %mul3A_76 : i32
        %mul3A_78 = arith.constant 16 : i32
        %mul3A_79 = arith.muli %add3A_75, %mul3A_78 : i32
        %get3A_80 = arith.index_cast %mul3A_77 : i32 to index
        %get3A_81 = tpu.vector_load %run_scoped3A_3[%get3A_80] {strides = array<i32>} : memref<10000xi32, #tpu.memory_space<vmem>>, vector<16xi32>,
        %get3A_82 = vector.shape_cast %get3A_81 : vector<16xi32> to vector<16xi32>
        %mul3A_83 = arith.constant 10240 : i32
        %mul3A_84 = vector.broadcast %mul3A_83 : i32 to vector<16xi32>
        %mul3A_85 = arith.muli %get3A_82, %mul3A_84 : vector<16xi32>
        %get3A_86 = arith.index_cast %mul3A_77 : i32 to index
        %get3A_87 = tpu.vector_load %run_scoped3A[%get3A_86] {strides = array<i32>} : memref<10000xi32, #tpu.memory_space<vmem>>, vector<16xi32>,
        %get3A_88 = vector.shape_cast %get3A_87 : vector<16xi32> to vector<16xi32>
        %add3A_89 = arith.addi %mul3A_85, %get3A_88 : vector<16xi32>
        %swap3A_90 = arith.index_cast %mul3A_77 : i32 to index
        %swap3A_91 = tpu.vector_load %run_scoped3A_3[%swap3A_90] {strides = array<i32>} : memref<10000xi32, #tpu.memory_space<vmem>>, vector<16xi32>,
        %swap3A_92 = vector.shape_cast %swap3A_91 : vector<16xi32> to vector<16xi32>
        %swap3A_93 = vector.shape_cast %add3A_89 : vector<16xi32> to vector<16xi32>
        tpu.vector_store %run_scoped3A_3[%swap3A_90], %swap3A_93 {strides = array<i32>} : memref<10000xi32, #tpu.memory_space<vmem>>, vector<16xi32>,
        %add3A_94 = arith.addi %mul3A_2, %mul3A_79 : i32
        %iota3A_95 = tpu.iota {dimensions = array<i32: 0>} : vector<16xi32>
        %add3A_96 = vector.broadcast %add3A_94 : i32 to vector<16xi32>
        %add3A_97 = arith.addi %add3A_96, %iota3A_95 : vector<16xi32>
        %swap3A_98 = arith.index_cast %mul3A_77 : i32 to index
        %swap3A_99 = tpu.vector_load %run_scoped3A_4[%swap3A_98] {strides = array<i32>} : memref<10000xi32, #tpu.memory_space<vmem>>, vector<16xi32>,
        %swap3A_100 = vector.shape_cast %swap3A_99 : vector<16xi32> to vector<16xi32>
        %swap3A_101 = vector.shape_cast %add3A_97 : vector<16xi32> to vector<16xi32>
        tpu.vector_store %run_scoped3A_4[%swap3A_98], %swap3A_101 {strides = array<i32>} : memref<10000xi32, #tpu.memory_space<vmem>>, vector<16xi32>,
        %mul3A_102 = arith.constant 5 : i32
        %mul3A_103 = arith.muli %scan3A_13, %mul3A_102 : i32
        %add3A_104 = arith.constant 3 : i32
        %add3A_105 = arith.addi %mul3A_103, %add3A_104 : i32
        %mul3A_106 = arith.constant 16 : i32
        %mul3A_107 = arith.muli %add3A_105, %mul3A_106 : i32
        %mul3A_108 = arith.constant 16 : i32
        %mul3A_109 = arith.muli %add3A_105, %mul3A_108 : i32
        %get3A_110 = arith.index_cast %mul3A_107 : i32 to index
        %get3A_111 = tpu.vector_load %run_scoped3A_3[%get3A_110] {strides = array<i32>} : memref<10000xi32, #tpu.memory_space<vmem>>, vector<16xi32>,
        %get3A_112 = vector.shape_cast %get3A_111 : vector<16xi32> to vector<16xi32>
        %mul3A_113 = arith.constant 10240 : i32
        %mul3A_114 = vector.broadcast %mul3A_113 : i32 to vector<16xi32>
        %mul3A_115 = arith.muli %get3A_112, %mul3A_114 : vector<16xi32>
        %get3A_116 = arith.index_cast %mul3A_107 : i32 to index
        %get3A_117 = tpu.vector_load %run_scoped3A[%get3A_116] {strides = array<i32>} : memref<10000xi32, #tpu.memory_space<vmem>>, vector<16xi32>,
        %get3A_118 = vector.shape_cast %get3A_117 : vector<16xi32> to vector<16xi32>
        %add3A_119 = arith.addi %mul3A_115, %get3A_118 : vector<16xi32>
        %swap3A_120 = arith.index_cast %mul3A_107 : i32 to index
        %swap3A_121 = tpu.vector_load %run_scoped3A_3[%swap3A_120] {strides = array<i32>} : memref<10000xi32, #tpu.memory_space<vmem>>, vector<16xi32>,
        %swap3A_122 = vector.shape_cast %swap3A_121 : vector<16xi32> to vector<16xi32>
        %swap3A_123 = vector.shape_cast %add3A_119 : vector<16xi32> to vector<16xi32>
        tpu.vector_store %run_scoped3A_3[%swap3A_120], %swap3A_123 {strides = array<i32>} : memref<10000xi32, #tpu.memory_space<vmem>>, vector<16xi32>,
        %add3A_124 = arith.addi %mul3A_2, %mul3A_109 : i32
        %iota3A_125 = tpu.iota {dimensions = array<i32: 0>} : vector<16xi32>
        %add3A_126 = vector.broadcast %add3A_124 : i32 to vector<16xi32>
        %add3A_127 = arith.addi %add3A_126, %iota3A_125 : vector<16xi32>
        %swap3A_128 = arith.index_cast %mul3A_107 : i32 to index
        %swap3A_129 = tpu.vector_load %run_scoped3A_4[%swap3A_128] {strides = array<i32>} : memref<10000xi32, #tpu.memory_space<vmem>>, vector<16xi32>,
        %swap3A_130 = vector.shape_cast %swap3A_129 : vector<16xi32> to vector<16xi32>
        %swap3A_131 = vector.shape_cast %add3A_127 : vector<16xi32> to vector<16xi32>
        tpu.vector_store %run_scoped3A_4[%swap3A_128], %swap3A_131 {strides = array<i32>} : memref<10000xi32, #tpu.memory_space<vmem>>, vector<16xi32>,
        %mul3A_132 = arith.constant 5 : i32
        %mul3A_133 = arith.muli %scan3A_13, %mul3A_132 : i32
        %add3A_134 = arith.constant 4 : i32
        %add3A_135 = arith.addi %mul3A_133, %add3A_134 : i32
        %mul3A_136 = arith.constant 16 : i32
        %mul3A_137 = arith.muli %add3A_135, %mul3A_136 : i32
        %mul3A_138 = arith.constant 16 : i32
        %mul3A_139 = arith.muli %add3A_135, %mul3A_138 : i32
        %get3A_140 = arith.index_cast %mul3A_137 : i32 to index
        %get3A_141 = tpu.vector_load %run_scoped3A_3[%get3A_140] {strides = array<i32>} : memref<10000xi32, #tpu.memory_space<vmem>>, vector<16xi32>,
        %get3A_142 = vector.shape_cast %get3A_141 : vector<16xi32> to vector<16xi32>
        %mul3A_143 = arith.constant 10240 : i32
        %mul3A_144 = vector.broadcast %mul3A_143 : i32 to vector<16xi32>
        %mul3A_145 = arith.muli %get3A_142, %mul3A_144 : vector<16xi32>
        %get3A_146 = arith.index_cast %mul3A_137 : i32 to index
        %get3A_147 = tpu.vector_load %run_scoped3A[%get3A_146] {strides = array<i32>} : memref<10000xi32, #tpu.memory_space<vmem>>, vector<16xi32>,
        %get3A_148 = vector.shape_cast %get3A_147 : vector<16xi32> to vector<16xi32>
        %add3A_149 = arith.addi %mul3A_145, %get3A_148 : vector<16xi32>
        %swap3A_150 = arith.index_cast %mul3A_137 : i32 to index
        %swap3A_151 = tpu.vector_load %run_scoped3A_3[%swap3A_150] {strides = array<i32>} : memref<10000xi32, #tpu.memory_space<vmem>>, vector<16xi32>,
        %swap3A_152 = vector.shape_cast %swap3A_151 : vector<16xi32> to vector<16xi32>
        %swap3A_153 = vector.shape_cast %add3A_149 : vector<16xi32> to vector<16xi32>
        tpu.vector_store %run_scoped3A_3[%swap3A_150], %swap3A_153 {strides = array<i32>} : memref<10000xi32, #tpu.memory_space<vmem>>, vector<16xi32>,
        %add3A_154 = arith.addi %mul3A_2, %mul3A_139 : i32
        %iota3A_155 = tpu.iota {dimensions = array<i32: 0>} : vector<16xi32>
        %add3A_156 = vector.broadcast %add3A_154 : i32 to vector<16xi32>
        %add3A_157 = arith.addi %add3A_156, %iota3A_155 : vector<16xi32>
        %swap3A_158 = arith.index_cast %mul3A_137 : i32 to index
        %swap3A_159 = tpu.vector_load %run_scoped3A_4[%swap3A_158] {strides = array<i32>} : memref<10000xi32, #tpu.memory_space<vmem>>, vector<16xi32>,
        %swap3A_160 = vector.shape_cast %swap3A_159 : vector<16xi32> to vector<16xi32>
        %swap3A_161 = vector.shape_cast %add3A_157 : vector<16xi32> to vector<16xi32>
        tpu.vector_store %run_scoped3A_4[%swap3A_158], %swap3A_161 {strides = array<i32>} : memref<10000xi32, #tpu.memory_space<vmem>>, vector<16xi32>,
        %scan3A_162 = arith.constant 0 : i32
        scf.yield %scan3A_162 : i32
      }
      %scan3A_12 = arith.constant 125 : i32
      "tpu.region"() ({
        %run_scoped3A_13 = tpu.sem_alloc : memref<!tpu.dma_semaphore, #tpu.memory_space<semaphore_mem>>
        %dma_start3A = arith.constant 0 : i32
        %dma_start3A_14 = tpu.memref_slice %arg3[%dma_start3A] : memref<104857600xi32, #tpu.memory_space<hbm>> -> memref<104857600xi32, #tpu.memory_space<hbm>>
        tpu.enqueue_indirect_dma source(%run_scoped3A_4 : memref<10000xi32, #tpu.memory_space<vmem>>) target(%dma_start3A_14 : memref<104857600xi32, #tpu.memory_space<hbm>>) offsets(%run_scoped3A_3 : memref<10000xi32, #tpu.memory_space<vmem>>) semaphore(%run_scoped3A_13 : memref<!tpu.dma_semaphore, #tpu.memory_space<semaphore_mem>>)
        %dma_wait3A = arith.constant 0 : i32
        %dma_wait3A_15 = tpu.memref_slice %arg3[%dma_wait3A] : memref<104857600xi32, #tpu.memory_space<hbm>> -> memref<104857600xi32, #tpu.memory_space<hbm>>
        tpu.wait_indirect_dma semaphore(%run_scoped3A_13 : memref<!tpu.dma_semaphore, #tpu.memory_space<semaphore_mem>>) src(%run_scoped3A_4 : memref<10000xi32, #tpu.memory_space<vmem>>) dst(%dma_wait3A_15 : memref<104857600xi32, #tpu.memory_space<hbm>>)
        tpu.yield
      }) : () -> ()
      tpu.yield
    }) : () -> ()
    return
  }
}

#map = affine_map<(d0, d1) -> (0)>
module attributes {stable_mosaic.version = 14 : i64} {
  func.func @count_a(%arg0: i32, %arg1: i32, %arg2: memref<640000xi32, #tpu.memory_space<hbm>>, %arg3: memref<104857600xi32, #tpu.memory_space<hbm>>, %arg4: memref<655360xf32, #tpu.memory_space<hbm>>, %arg5: memref<640000xi32, #tpu.memory_space<hbm>>, %arg6: memref<20480xf32, #tpu.memory_space<hbm>>, %arg7: memref<327680xf32, #tpu.memory_space<vmem_shared>>, %arg8: memref<10752xf32, #tpu.memory_space<vmem_shared>>) attributes {dimension_semantics = [#tpu.dimension_semantics<core_parallel>, #tpu.dimension_semantics<subcore_parallel>], iteration_bounds = array<i64: 2, 16>, scalar_prefetch = 0 : i64, scratch_operands = 2 : i64, tpu.core_type = #tpu.core_type<sc_vector_subcore>, window_params = [{transform_indices = #map}, {transform_indices = #map}, {transform_indices = #map}, {transform_indices = #map}, {transform_indices = #map}]} {
    %mul3A = arith.constant 16 : i32
    %mul3A_0 = arith.muli %arg0, %mul3A : i32
    %add3A = arith.addi %mul3A_0, %arg1 : i32
    %mul3A_1 = arith.constant 10000 : i32
    %mul3A_2 = arith.muli %add3A, %mul3A_1 : i32
    "tpu.region"() ({
      %run_scoped3A = memref.alloca() : memref<10000xi32, #tpu.memory_space<vmem>>
      %run_scoped3A_3 = memref.alloca() : memref<10000xi32, #tpu.memory_space<vmem>>
      %run_scoped3A_4 = memref.alloca() : memref<10000xi32, #tpu.memory_space<vmem>>
      %run_scoped3A_5 = memref.alloca() : memref<10000xf32, #tpu.memory_space<vmem>>
      %run_scoped3A_6 = memref.alloca() : memref<8192xf32, #tpu.memory_space<vmem>>
      %scan3A = arith.constant 0 : i32
      %scan3A_7 = arith.constant 0 : i32
      %scan3A_8 = arith.constant 128 : i32
      %scan3A_9 = arith.addi %scan3A_7, %scan3A_8 : i32
      %scan3A_10 = arith.constant 1 : i32
      %scan3A_11 = scf.for %scan3A_86 = %scan3A_7 to %scan3A_9 step %scan3A_10 iter_args(%scan3A_87 = %scan3A) -> (i32)  : i32 {
        %mul3A_88 = arith.constant 4 : i32
        %mul3A_89 = arith.muli %scan3A_86, %mul3A_88 : i32
        %add3A_90 = arith.constant 0 : i32
        %add3A_91 = arith.addi %mul3A_89, %add3A_90 : i32
        %mul3A_92 = arith.constant 16 : i32
        %mul3A_93 = arith.muli %add3A_91, %mul3A_92 : i32
        %mul3A_94 = arith.constant 16 : i32
        %mul3A_95 = arith.muli %add3A_91, %mul3A_94 : i32
        %broadcast_in_dim3A = arith.constant 0.000000e+00 : f32
        %broadcast_in_dim3A_96 = vector.broadcast %broadcast_in_dim3A : f32 to vector<16xf32>
        %swap3A = arith.index_cast %mul3A_93 : i32 to index
        %swap3A_97 = tpu.vector_load %run_scoped3A_6[%swap3A] {strides = array<i32>} : memref<8192xf32, #tpu.memory_space<vmem>>, vector<16xf32>,
        %swap3A_98 = vector.shape_cast %swap3A_97 : vector<16xf32> to vector<16xf32>
        %swap3A_99 = vector.shape_cast %broadcast_in_dim3A_96 : vector<16xf32> to vector<16xf32>
        tpu.vector_store %run_scoped3A_6[%swap3A], %swap3A_99 {strides = array<i32>} : memref<8192xf32, #tpu.memory_space<vmem>>, vector<16xf32>,
        %mul3A_100 = arith.constant 4 : i32
        %mul3A_101 = arith.muli %scan3A_86, %mul3A_100 : i32
        %add3A_102 = arith.constant 1 : i32
        %add3A_103 = arith.addi %mul3A_101, %add3A_102 : i32
        %mul3A_104 = arith.constant 16 : i32
        %mul3A_105 = arith.muli %add3A_103, %mul3A_104 : i32
        %mul3A_106 = arith.constant 16 : i32
        %mul3A_107 = arith.muli %add3A_103, %mul3A_106 : i32
        %broadcast_in_dim3A_108 = arith.constant 0.000000e+00 : f32
        %broadcast_in_dim3A_109 = vector.broadcast %broadcast_in_dim3A_108 : f32 to vector<16xf32>
        %swap3A_110 = arith.index_cast %mul3A_105 : i32 to index
        %swap3A_111 = tpu.vector_load %run_scoped3A_6[%swap3A_110] {strides = array<i32>} : memref<8192xf32, #tpu.memory_space<vmem>>, vector<16xf32>,
        %swap3A_112 = vector.shape_cast %swap3A_111 : vector<16xf32> to vector<16xf32>
        %swap3A_113 = vector.shape_cast %broadcast_in_dim3A_109 : vector<16xf32> to vector<16xf32>
        tpu.vector_store %run_scoped3A_6[%swap3A_110], %swap3A_113 {strides = array<i32>} : memref<8192xf32, #tpu.memory_space<vmem>>, vector<16xf32>,
        %mul3A_114 = arith.constant 4 : i32
        %mul3A_115 = arith.muli %scan3A_86, %mul3A_114 : i32
        %add3A_116 = arith.constant 2 : i32
        %add3A_117 = arith.addi %mul3A_115, %add3A_116 : i32
        %mul3A_118 = arith.constant 16 : i32
        %mul3A_119 = arith.muli %add3A_117, %mul3A_118 : i32
        %mul3A_120 = arith.constant 16 : i32
        %mul3A_121 = arith.muli %add3A_117, %mul3A_120 : i32
        %broadcast_in_dim3A_122 = arith.constant 0.000000e+00 : f32
        %broadcast_in_dim3A_123 = vector.broadcast %broadcast_in_dim3A_122 : f32 to vector<16xf32>
        %swap3A_124 = arith.index_cast %mul3A_119 : i32 to index
        %swap3A_125 = tpu.vector_load %run_scoped3A_6[%swap3A_124] {strides = array<i32>} : memref<8192xf32, #tpu.memory_space<vmem>>, vector<16xf32>,
        %swap3A_126 = vector.shape_cast %swap3A_125 : vector<16xf32> to vector<16xf32>
        %swap3A_127 = vector.shape_cast %broadcast_in_dim3A_123 : vector<16xf32> to vector<16xf32>
        tpu.vector_store %run_scoped3A_6[%swap3A_124], %swap3A_127 {strides = array<i32>} : memref<8192xf32, #tpu.memory_space<vmem>>, vector<16xf32>,
        %mul3A_128 = arith.constant 4 : i32
        %mul3A_129 = arith.muli %scan3A_86, %mul3A_128 : i32
        %add3A_130 = arith.constant 3 : i32
        %add3A_131 = arith.addi %mul3A_129, %add3A_130 : i32
        %mul3A_132 = arith.constant 16 : i32
        %mul3A_133 = arith.muli %add3A_131, %mul3A_132 : i32
        %mul3A_134 = arith.constant 16 : i32
        %mul3A_135 = arith.muli %add3A_131, %mul3A_134 : i32
        %broadcast_in_dim3A_136 = arith.constant 0.000000e+00 : f32
        %broadcast_in_dim3A_137 = vector.broadcast %broadcast_in_dim3A_136 : f32 to vector<16xf32>
        %swap3A_138 = arith.index_cast %mul3A_133 : i32 to index
        %swap3A_139 = tpu.vector_load %run_scoped3A_6[%swap3A_138] {strides = array<i32>} : memref<8192xf32, #tpu.memory_space<vmem>>, vector<16xf32>,
        %swap3A_140 = vector.shape_cast %swap3A_139 : vector<16xf32> to vector<16xf32>
        %swap3A_141 = vector.shape_cast %broadcast_in_dim3A_137 : vector<16xf32> to vector<16xf32>
        tpu.vector_store %run_scoped3A_6[%swap3A_138], %swap3A_141 {strides = array<i32>} : memref<8192xf32, #tpu.memory_space<vmem>>, vector<16xf32>,
        %scan3A_142 = arith.constant 0 : i32
        scf.yield %scan3A_142 : i32
      }
      %scan3A_12 = arith.constant 128 : i32
      %scan3A_13 = arith.constant 0 : i32
      %scan3A_14 = arith.constant 0 : i32
      %scan3A_15 = arith.constant 125 : i32
      %scan3A_16 = arith.addi %scan3A_14, %scan3A_15 : i32
      %scan3A_17 = arith.constant 1 : i32
      %scan3A_18 = scf.for %scan3A_86 = %scan3A_14 to %scan3A_16 step %scan3A_17 iter_args(%scan3A_87 = %scan3A_13) -> (i32)  : i32 {
        %mul3A_88 = arith.constant 5 : i32
        %mul3A_89 = arith.muli %scan3A_86, %mul3A_88 : i32
        %add3A_90 = arith.constant 0 : i32
        %add3A_91 = arith.addi %mul3A_89, %add3A_90 : i32
        %mul3A_92 = arith.constant 16 : i32
        %mul3A_93 = arith.muli %add3A_91, %mul3A_92 : i32
        %mul3A_94 = arith.constant 16 : i32
        %mul3A_95 = arith.muli %add3A_91, %mul3A_94 : i32
        %broadcast_in_dim3A = arith.constant 1.000000e+00 : f32
        %broadcast_in_dim3A_96 = vector.broadcast %broadcast_in_dim3A : f32 to vector<16xf32>
        %swap3A = arith.index_cast %mul3A_93 : i32 to index
        %swap3A_97 = tpu.vector_load %run_scoped3A_5[%swap3A] {strides = array<i32>} : memref<10000xf32, #tpu.memory_space<vmem>>, vector<16xf32>,
        %swap3A_98 = vector.shape_cast %swap3A_97 : vector<16xf32> to vector<16xf32>
        %swap3A_99 = vector.shape_cast %broadcast_in_dim3A_96 : vector<16xf32> to vector<16xf32>
        tpu.vector_store %run_scoped3A_5[%swap3A], %swap3A_99 {strides = array<i32>} : memref<10000xf32, #tpu.memory_space<vmem>>, vector<16xf32>,
        %mul3A_100 = arith.constant 5 : i32
        %mul3A_101 = arith.muli %scan3A_86, %mul3A_100 : i32
        %add3A_102 = arith.constant 1 : i32
        %add3A_103 = arith.addi %mul3A_101, %add3A_102 : i32
        %mul3A_104 = arith.constant 16 : i32
        %mul3A_105 = arith.muli %add3A_103, %mul3A_104 : i32
        %mul3A_106 = arith.constant 16 : i32
        %mul3A_107 = arith.muli %add3A_103, %mul3A_106 : i32
        %broadcast_in_dim3A_108 = arith.constant 1.000000e+00 : f32
        %broadcast_in_dim3A_109 = vector.broadcast %broadcast_in_dim3A_108 : f32 to vector<16xf32>
        %swap3A_110 = arith.index_cast %mul3A_105 : i32 to index
        %swap3A_111 = tpu.vector_load %run_scoped3A_5[%swap3A_110] {strides = array<i32>} : memref<10000xf32, #tpu.memory_space<vmem>>, vector<16xf32>,
        %swap3A_112 = vector.shape_cast %swap3A_111 : vector<16xf32> to vector<16xf32>
        %swap3A_113 = vector.shape_cast %broadcast_in_dim3A_109 : vector<16xf32> to vector<16xf32>
        tpu.vector_store %run_scoped3A_5[%swap3A_110], %swap3A_113 {strides = array<i32>} : memref<10000xf32, #tpu.memory_space<vmem>>, vector<16xf32>,
        %mul3A_114 = arith.constant 5 : i32
        %mul3A_115 = arith.muli %scan3A_86, %mul3A_114 : i32
        %add3A_116 = arith.constant 2 : i32
        %add3A_117 = arith.addi %mul3A_115, %add3A_116 : i32
        %mul3A_118 = arith.constant 16 : i32
        %mul3A_119 = arith.muli %add3A_117, %mul3A_118 : i32
        %mul3A_120 = arith.constant 16 : i32
        %mul3A_121 = arith.muli %add3A_117, %mul3A_120 : i32
        %broadcast_in_dim3A_122 = arith.constant 1.000000e+00 : f32
        %broadcast_in_dim3A_123 = vector.broadcast %broadcast_in_dim3A_122 : f32 to vector<16xf32>
        %swap3A_124 = arith.index_cast %mul3A_119 : i32 to index
        %swap3A_125 = tpu.vector_load %run_scoped3A_5[%swap3A_124] {strides = array<i32>} : memref<10000xf32, #tpu.memory_space<vmem>>, vector<16xf32>,
        %swap3A_126 = vector.shape_cast %swap3A_125 : vector<16xf32> to vector<16xf32>
        %swap3A_127 = vector.shape_cast %broadcast_in_dim3A_123 : vector<16xf32> to vector<16xf32>
        tpu.vector_store %run_scoped3A_5[%swap3A_124], %swap3A_127 {strides = array<i32>} : memref<10000xf32, #tpu.memory_space<vmem>>, vector<16xf32>,
        %mul3A_128 = arith.constant 5 : i32
        %mul3A_129 = arith.muli %scan3A_86, %mul3A_128 : i32
        %add3A_130 = arith.constant 3 : i32
        %add3A_131 = arith.addi %mul3A_129, %add3A_130 : i32
        %mul3A_132 = arith.constant 16 : i32
        %mul3A_133 = arith.muli %add3A_131, %mul3A_132 : i32
        %mul3A_134 = arith.constant 16 : i32
        %mul3A_135 = arith.muli %add3A_131, %mul3A_134 : i32
        %broadcast_in_dim3A_136 = arith.constant 1.000000e+00 : f32
        %broadcast_in_dim3A_137 = vector.broadcast %broadcast_in_dim3A_136 : f32 to vector<16xf32>
        %swap3A_138 = arith.index_cast %mul3A_133 : i32 to index
        %swap3A_139 = tpu.vector_load %run_scoped3A_5[%swap3A_138] {strides = array<i32>} : memref<10000xf32, #tpu.memory_space<vmem>>, vector<16xf32>,
        %swap3A_140 = vector.shape_cast %swap3A_139 : vector<16xf32> to vector<16xf32>
        %swap3A_141 = vector.shape_cast %broadcast_in_dim3A_137 : vector<16xf32> to vector<16xf32>
        tpu.vector_store %run_scoped3A_5[%swap3A_138], %swap3A_141 {strides = array<i32>} : memref<10000xf32, #tpu.memory_space<vmem>>, vector<16xf32>,
        %mul3A_142 = arith.constant 5 : i32
        %mul3A_143 = arith.muli %scan3A_86, %mul3A_142 : i32
        %add3A_144 = arith.constant 4 : i32
        %add3A_145 = arith.addi %mul3A_143, %add3A_144 : i32
        %mul3A_146 = arith.constant 16 : i32
        %mul3A_147 = arith.muli %add3A_145, %mul3A_146 : i32
        %mul3A_148 = arith.constant 16 : i32
        %mul3A_149 = arith.muli %add3A_145, %mul3A_148 : i32
        %broadcast_in_dim3A_150 = arith.constant 1.000000e+00 : f32
        %broadcast_in_dim3A_151 = vector.broadcast %broadcast_in_dim3A_150 : f32 to vector<16xf32>
        %swap3A_152 = arith.index_cast %mul3A_147 : i32 to index
        %swap3A_153 = tpu.vector_load %run_scoped3A_5[%swap3A_152] {strides = array<i32>} : memref<10000xf32, #tpu.memory_space<vmem>>, vector<16xf32>,
        %swap3A_154 = vector.shape_cast %swap3A_153 : vector<16xf32> to vector<16xf32>
        %swap3A_155 = vector.shape_cast %broadcast_in_dim3A_151 : vector<16xf32> to vector<16xf32>
        tpu.vector_store %run_scoped3A_5[%swap3A_152], %swap3A_155 {strides = array<i32>} : memref<10000xf32, #tpu.memory_space<vmem>>, vector<16xf32>,
        %scan3A_156 = arith.constant 0 : i32
        scf.yield %scan3A_156 : i32
      }
      %scan3A_19 = arith.constant 125 : i32
      "tpu.region"() ({
        %run_scoped3A_86 = tpu.sem_alloc : memref<!tpu.dma_semaphore, #tpu.memory_space<semaphore_mem>>
        %dma_start3A = tpu.memref_slice %arg2[%mul3A_2] : memref<640000xi32, #tpu.memory_space<hbm>> -> memref<10000xi32, #tpu.memory_space<hbm>>
        %dma_start3A_87 = tpu.memref_slice %arg2[%mul3A_2] : memref<640000xi32, #tpu.memory_space<hbm>> -> memref<10000xi32, #tpu.memory_space<hbm>>
        tpu.enqueue_dma source(%dma_start3A_87 : memref<10000xi32, #tpu.memory_space<hbm>>) target(%run_scoped3A : memref<10000xi32, #tpu.memory_space<vmem>>) target_semaphore(%run_scoped3A_86 : memref<!tpu.dma_semaphore, #tpu.memory_space<semaphore_mem>>)
        %dma_wait3A = tpu.memref_slice %arg2[%mul3A_2] : memref<640000xi32, #tpu.memory_space<hbm>> -> memref<10000xi32, #tpu.memory_space<hbm>>
        %dma_wait3A_88 = tpu.memref_slice %arg2[%mul3A_2] : memref<640000xi32, #tpu.memory_space<hbm>> -> memref<10000xi32, #tpu.memory_space<hbm>>
        tpu.wait_dma2 semaphore(%run_scoped3A_86 : memref<!tpu.dma_semaphore, #tpu.memory_space<semaphore_mem>>) src(%dma_wait3A_88 : memref<10000xi32, #tpu.memory_space<hbm>>) dst(%run_scoped3A : memref<10000xi32, #tpu.memory_space<vmem>>)
        tpu.yield
      }) : () -> ()
      %add3A_20 = arith.constant 320000 : i32
      %add3A_21 = arith.addi %add3A_20, %mul3A_2 : i32
      "tpu.region"() ({
        %run_scoped3A_86 = tpu.sem_alloc : memref<!tpu.dma_semaphore, #tpu.memory_space<semaphore_mem>>
        %dma_start3A = tpu.memref_slice %arg2[%add3A_21] : memref<640000xi32, #tpu.memory_space<hbm>> -> memref<10000xi32, #tpu.memory_space<hbm>>
        %dma_start3A_87 = tpu.memref_slice %arg2[%add3A_21] : memref<640000xi32, #tpu.memory_space<hbm>> -> memref<10000xi32, #tpu.memory_space<hbm>>
        tpu.enqueue_dma source(%dma_start3A_87 : memref<10000xi32, #tpu.memory_space<hbm>>) target(%run_scoped3A_3 : memref<10000xi32, #tpu.memory_space<vmem>>) target_semaphore(%run_scoped3A_86 : memref<!tpu.dma_semaphore, #tpu.memory_space<semaphore_mem>>)
        %dma_wait3A = tpu.memref_slice %arg2[%add3A_21] : memref<640000xi32, #tpu.memory_space<hbm>> -> memref<10000xi32, #tpu.memory_space<hbm>>
        %dma_wait3A_88 = tpu.memref_slice %arg2[%add3A_21] : memref<640000xi32, #tpu.memory_space<hbm>> -> memref<10000xi32, #tpu.memory_space<hbm>>
        tpu.wait_dma2 semaphore(%run_scoped3A_86 : memref<!tpu.dma_semaphore, #tpu.memory_space<semaphore_mem>>) src(%dma_wait3A_88 : memref<10000xi32, #tpu.memory_space<hbm>>) dst(%run_scoped3A_3 : memref<10000xi32, #tpu.memory_space<vmem>>)
        tpu.yield
      }) : () -> ()
      %scan3A_22 = arith.constant 0 : i32
      %scan3A_23 = arith.constant 0 : i32
      %scan3A_24 = arith.constant 125 : i32
      %scan3A_25 = arith.addi %scan3A_23, %scan3A_24 : i32
      %scan3A_26 = arith.constant 1 : i32
      %scan3A_27 = scf.for %scan3A_86 = %scan3A_23 to %scan3A_25 step %scan3A_26 iter_args(%scan3A_87 = %scan3A_22) -> (i32)  : i32 {
        %mul3A_88 = arith.constant 5 : i32
        %mul3A_89 = arith.muli %scan3A_86, %mul3A_88 : i32
        %add3A_90 = arith.constant 0 : i32
        %add3A_91 = arith.addi %mul3A_89, %add3A_90 : i32
        %mul3A_92 = arith.constant 16 : i32
        %mul3A_93 = arith.muli %add3A_91, %mul3A_92 : i32
        %mul3A_94 = arith.constant 16 : i32
        %mul3A_95 = arith.muli %add3A_91, %mul3A_94 : i32
        %get3A = arith.index_cast %mul3A_93 : i32 to index
        %get3A_96 = tpu.vector_load %run_scoped3A_3[%get3A] {strides = array<i32>} : memref<10000xi32, #tpu.memory_space<vmem>>, vector<16xi32>,
        %get3A_97 = vector.shape_cast %get3A_96 : vector<16xi32> to vector<16xi32>
        %mul3A_98 = arith.constant 10240 : i32
        %mul3A_99 = vector.broadcast %mul3A_98 : i32 to vector<16xi32>
        %mul3A_100 = arith.muli %get3A_97, %mul3A_99 : vector<16xi32>
        %get3A_101 = arith.index_cast %mul3A_93 : i32 to index
        %get3A_102 = tpu.vector_load %run_scoped3A[%get3A_101] {strides = array<i32>} : memref<10000xi32, #tpu.memory_space<vmem>>, vector<16xi32>,
        %get3A_103 = vector.shape_cast %get3A_102 : vector<16xi32> to vector<16xi32>
        %add3A_104 = arith.addi %mul3A_100, %get3A_103 : vector<16xi32>
        %swap3A = arith.index_cast %mul3A_93 : i32 to index
        %swap3A_105 = tpu.vector_load %run_scoped3A[%swap3A] {strides = array<i32>} : memref<10000xi32, #tpu.memory_space<vmem>>, vector<16xi32>,
        %swap3A_106 = vector.shape_cast %swap3A_105 : vector<16xi32> to vector<16xi32>
        %swap3A_107 = vector.shape_cast %add3A_104 : vector<16xi32> to vector<16xi32>
        tpu.vector_store %run_scoped3A[%swap3A], %swap3A_107 {strides = array<i32>} : memref<10000xi32, #tpu.memory_space<vmem>>, vector<16xi32>,
        %mul3A_108 = arith.constant 5 : i32
        %mul3A_109 = arith.muli %scan3A_86, %mul3A_108 : i32
        %add3A_110 = arith.constant 1 : i32
        %add3A_111 = arith.addi %mul3A_109, %add3A_110 : i32
        %mul3A_112 = arith.constant 16 : i32
        %mul3A_113 = arith.muli %add3A_111, %mul3A_112 : i32
        %mul3A_114 = arith.constant 16 : i32
        %mul3A_115 = arith.muli %add3A_111, %mul3A_114 : i32
        %get3A_116 = arith.index_cast %mul3A_113 : i32 to index
        %get3A_117 = tpu.vector_load %run_scoped3A_3[%get3A_116] {strides = array<i32>} : memref<10000xi32, #tpu.memory_space<vmem>>, vector<16xi32>,
        %get3A_118 = vector.shape_cast %get3A_117 : vector<16xi32> to vector<16xi32>
        %mul3A_119 = arith.constant 10240 : i32
        %mul3A_120 = vector.broadcast %mul3A_119 : i32 to vector<16xi32>
        %mul3A_121 = arith.muli %get3A_118, %mul3A_120 : vector<16xi32>
        %get3A_122 = arith.index_cast %mul3A_113 : i32 to index
        %get3A_123 = tpu.vector_load %run_scoped3A[%get3A_122] {strides = array<i32>} : memref<10000xi32, #tpu.memory_space<vmem>>, vector<16xi32>,
        %get3A_124 = vector.shape_cast %get3A_123 : vector<16xi32> to vector<16xi32>
        %add3A_125 = arith.addi %mul3A_121, %get3A_124 : vector<16xi32>
        %swap3A_126 = arith.index_cast %mul3A_113 : i32 to index
        %swap3A_127 = tpu.vector_load %run_scoped3A[%swap3A_126] {strides = array<i32>} : memref<10000xi32, #tpu.memory_space<vmem>>, vector<16xi32>,
        %swap3A_128 = vector.shape_cast %swap3A_127 : vector<16xi32> to vector<16xi32>
        %swap3A_129 = vector.shape_cast %add3A_125 : vector<16xi32> to vector<16xi32>
        tpu.vector_store %run_scoped3A[%swap3A_126], %swap3A_129 {strides = array<i32>} : memref<10000xi32, #tpu.memory_space<vmem>>, vector<16xi32>,
        %mul3A_130 = arith.constant 5 : i32
        %mul3A_131 = arith.muli %scan3A_86, %mul3A_130 : i32
        %add3A_132 = arith.constant 2 : i32
        %add3A_133 = arith.addi %mul3A_131, %add3A_132 : i32
        %mul3A_134 = arith.constant 16 : i32
        %mul3A_135 = arith.muli %add3A_133, %mul3A_134 : i32
        %mul3A_136 = arith.constant 16 : i32
        %mul3A_137 = arith.muli %add3A_133, %mul3A_136 : i32
        %get3A_138 = arith.index_cast %mul3A_135 : i32 to index
        %get3A_139 = tpu.vector_load %run_scoped3A_3[%get3A_138] {strides = array<i32>} : memref<10000xi32, #tpu.memory_space<vmem>>, vector<16xi32>,
        %get3A_140 = vector.shape_cast %get3A_139 : vector<16xi32> to vector<16xi32>
        %mul3A_141 = arith.constant 10240 : i32
        %mul3A_142 = vector.broadcast %mul3A_141 : i32 to vector<16xi32>
        %mul3A_143 = arith.muli %get3A_140, %mul3A_142 : vector<16xi32>
        %get3A_144 = arith.index_cast %mul3A_135 : i32 to index
        %get3A_145 = tpu.vector_load %run_scoped3A[%get3A_144] {strides = array<i32>} : memref<10000xi32, #tpu.memory_space<vmem>>, vector<16xi32>,
        %get3A_146 = vector.shape_cast %get3A_145 : vector<16xi32> to vector<16xi32>
        %add3A_147 = arith.addi %mul3A_143, %get3A_146 : vector<16xi32>
        %swap3A_148 = arith.index_cast %mul3A_135 : i32 to index
        %swap3A_149 = tpu.vector_load %run_scoped3A[%swap3A_148] {strides = array<i32>} : memref<10000xi32, #tpu.memory_space<vmem>>, vector<16xi32>,
        %swap3A_150 = vector.shape_cast %swap3A_149 : vector<16xi32> to vector<16xi32>
        %swap3A_151 = vector.shape_cast %add3A_147 : vector<16xi32> to vector<16xi32>
        tpu.vector_store %run_scoped3A[%swap3A_148], %swap3A_151 {strides = array<i32>} : memref<10000xi32, #tpu.memory_space<vmem>>, vector<16xi32>,
        %mul3A_152 = arith.constant 5 : i32
        %mul3A_153 = arith.muli %scan3A_86, %mul3A_152 : i32
        %add3A_154 = arith.constant 3 : i32
        %add3A_155 = arith.addi %mul3A_153, %add3A_154 : i32
        %mul3A_156 = arith.constant 16 : i32
        %mul3A_157 = arith.muli %add3A_155, %mul3A_156 : i32
        %mul3A_158 = arith.constant 16 : i32
        %mul3A_159 = arith.muli %add3A_155, %mul3A_158 : i32
        %get3A_160 = arith.index_cast %mul3A_157 : i32 to index
        %get3A_161 = tpu.vector_load %run_scoped3A_3[%get3A_160] {strides = array<i32>} : memref<10000xi32, #tpu.memory_space<vmem>>, vector<16xi32>,
        %get3A_162 = vector.shape_cast %get3A_161 : vector<16xi32> to vector<16xi32>
        %mul3A_163 = arith.constant 10240 : i32
        %mul3A_164 = vector.broadcast %mul3A_163 : i32 to vector<16xi32>
        %mul3A_165 = arith.muli %get3A_162, %mul3A_164 : vector<16xi32>
        %get3A_166 = arith.index_cast %mul3A_157 : i32 to index
        %get3A_167 = tpu.vector_load %run_scoped3A[%get3A_166] {strides = array<i32>} : memref<10000xi32, #tpu.memory_space<vmem>>, vector<16xi32>,
        %get3A_168 = vector.shape_cast %get3A_167 : vector<16xi32> to vector<16xi32>
        %add3A_169 = arith.addi %mul3A_165, %get3A_168 : vector<16xi32>
        %swap3A_170 = arith.index_cast %mul3A_157 : i32 to index
        %swap3A_171 = tpu.vector_load %run_scoped3A[%swap3A_170] {strides = array<i32>} : memref<10000xi32, #tpu.memory_space<vmem>>, vector<16xi32>,
        %swap3A_172 = vector.shape_cast %swap3A_171 : vector<16xi32> to vector<16xi32>
        %swap3A_173 = vector.shape_cast %add3A_169 : vector<16xi32> to vector<16xi32>
        tpu.vector_store %run_scoped3A[%swap3A_170], %swap3A_173 {strides = array<i32>} : memref<10000xi32, #tpu.memory_space<vmem>>, vector<16xi32>,
        %mul3A_174 = arith.constant 5 : i32
        %mul3A_175 = arith.muli %scan3A_86, %mul3A_174 : i32
        %add3A_176 = arith.constant 4 : i32
        %add3A_177 = arith.addi %mul3A_175, %add3A_176 : i32
        %mul3A_178 = arith.constant 16 : i32
        %mul3A_179 = arith.muli %add3A_177, %mul3A_178 : i32
        %mul3A_180 = arith.constant 16 : i32
        %mul3A_181 = arith.muli %add3A_177, %mul3A_180 : i32
        %get3A_182 = arith.index_cast %mul3A_179 : i32 to index
        %get3A_183 = tpu.vector_load %run_scoped3A_3[%get3A_182] {strides = array<i32>} : memref<10000xi32, #tpu.memory_space<vmem>>, vector<16xi32>,
        %get3A_184 = vector.shape_cast %get3A_183 : vector<16xi32> to vector<16xi32>
        %mul3A_185 = arith.constant 10240 : i32
        %mul3A_186 = vector.broadcast %mul3A_185 : i32 to vector<16xi32>
        %mul3A_187 = arith.muli %get3A_184, %mul3A_186 : vector<16xi32>
        %get3A_188 = arith.index_cast %mul3A_179 : i32 to index
        %get3A_189 = tpu.vector_load %run_scoped3A[%get3A_188] {strides = array<i32>} : memref<10000xi32, #tpu.memory_space<vmem>>, vector<16xi32>,
        %get3A_190 = vector.shape_cast %get3A_189 : vector<16xi32> to vector<16xi32>
        %add3A_191 = arith.addi %mul3A_187, %get3A_190 : vector<16xi32>
        %swap3A_192 = arith.index_cast %mul3A_179 : i32 to index
        %swap3A_193 = tpu.vector_load %run_scoped3A[%swap3A_192] {strides = array<i32>} : memref<10000xi32, #tpu.memory_space<vmem>>, vector<16xi32>,
        %swap3A_194 = vector.shape_cast %swap3A_193 : vector<16xi32> to vector<16xi32>
        %swap3A_195 = vector.shape_cast %add3A_191 : vector<16xi32> to vector<16xi32>
        tpu.vector_store %run_scoped3A[%swap3A_192], %swap3A_195 {strides = array<i32>} : memref<10000xi32, #tpu.memory_space<vmem>>, vector<16xi32>,
        %scan3A_196 = arith.constant 0 : i32
        scf.yield %scan3A_196 : i32
      }
      %scan3A_28 = arith.constant 125 : i32
      "tpu.region"() ({
        %run_scoped3A_86 = tpu.sem_alloc : memref<!tpu.dma_semaphore, #tpu.memory_space<semaphore_mem>>
        %dma_start3A = arith.constant 0 : i32
        %dma_start3A_87 = tpu.memref_slice %arg3[%dma_start3A] : memref<104857600xi32, #tpu.memory_space<hbm>> -> memref<104857600xi32, #tpu.memory_space<hbm>>
        tpu.enqueue_indirect_dma source(%dma_start3A_87 : memref<104857600xi32, #tpu.memory_space<hbm>>) target(%run_scoped3A_4 : memref<10000xi32, #tpu.memory_space<vmem>>) offsets(%run_scoped3A : memref<10000xi32, #tpu.memory_space<vmem>>) semaphore(%run_scoped3A_86 : memref<!tpu.dma_semaphore, #tpu.memory_space<semaphore_mem>>)
        %dma_wait3A = arith.constant 0 : i32
        %dma_wait3A_88 = tpu.memref_slice %arg3[%dma_wait3A] : memref<104857600xi32, #tpu.memory_space<hbm>> -> memref<104857600xi32, #tpu.memory_space<hbm>>
        tpu.wait_indirect_dma semaphore(%run_scoped3A_86 : memref<!tpu.dma_semaphore, #tpu.memory_space<semaphore_mem>>) src(%dma_wait3A_88 : memref<104857600xi32, #tpu.memory_space<hbm>>) dst(%run_scoped3A_4 : memref<10000xi32, #tpu.memory_space<vmem>>)
        tpu.yield
      }) : () -> ()
      "tpu.region"() ({
        %run_scoped3A_86 = tpu.sem_alloc : memref<!tpu.dma_semaphore, #tpu.memory_space<semaphore_mem>>
        %dma_start3A = tpu.memref_slice %arg5[%mul3A_2] : memref<640000xi32, #tpu.memory_space<hbm>> -> memref<10000xi32, #tpu.memory_space<hbm>>
        %dma_start3A_87 = tpu.memref_slice %arg5[%mul3A_2] : memref<640000xi32, #tpu.memory_space<hbm>> -> memref<10000xi32, #tpu.memory_space<hbm>>
        tpu.enqueue_dma source(%run_scoped3A_4 : memref<10000xi32, #tpu.memory_space<vmem>>) target(%dma_start3A_87 : memref<10000xi32, #tpu.memory_space<hbm>>) target_semaphore(%run_scoped3A_86 : memref<!tpu.dma_semaphore, #tpu.memory_space<semaphore_mem>>)
        %dma_wait3A = tpu.memref_slice %arg5[%mul3A_2] : memref<640000xi32, #tpu.memory_space<hbm>> -> memref<10000xi32, #tpu.memory_space<hbm>>
        %dma_wait3A_88 = tpu.memref_slice %arg5[%mul3A_2] : memref<640000xi32, #tpu.memory_space<hbm>> -> memref<10000xi32, #tpu.memory_space<hbm>>
        tpu.wait_dma2 semaphore(%run_scoped3A_86 : memref<!tpu.dma_semaphore, #tpu.memory_space<semaphore_mem>>) src(%run_scoped3A_4 : memref<10000xi32, #tpu.memory_space<vmem>>) dst(%dma_wait3A_88 : memref<10000xi32, #tpu.memory_space<hbm>>)
        tpu.yield
      }) : () -> ()
      %add3A_29 = arith.constant 320000 : i32
      %add3A_30 = arith.addi %add3A_29, %mul3A_2 : i32
      "tpu.region"() ({
        %run_scoped3A_86 = tpu.sem_alloc : memref<!tpu.dma_semaphore, #tpu.memory_space<semaphore_mem>>
        %dma_start3A = tpu.memref_slice %arg5[%add3A_30] : memref<640000xi32, #tpu.memory_space<hbm>> -> memref<10000xi32, #tpu.memory_space<hbm>>
        %dma_start3A_87 = tpu.memref_slice %arg5[%add3A_30] : memref<640000xi32, #tpu.memory_space<hbm>> -> memref<10000xi32, #tpu.memory_space<hbm>>
        tpu.enqueue_dma source(%run_scoped3A : memref<10000xi32, #tpu.memory_space<vmem>>) target(%dma_start3A_87 : memref<10000xi32, #tpu.memory_space<hbm>>) target_semaphore(%run_scoped3A_86 : memref<!tpu.dma_semaphore, #tpu.memory_space<semaphore_mem>>)
        %dma_wait3A = tpu.memref_slice %arg5[%add3A_30] : memref<640000xi32, #tpu.memory_space<hbm>> -> memref<10000xi32, #tpu.memory_space<hbm>>
        %dma_wait3A_88 = tpu.memref_slice %arg5[%add3A_30] : memref<640000xi32, #tpu.memory_space<hbm>> -> memref<10000xi32, #tpu.memory_space<hbm>>
        tpu.wait_dma2 semaphore(%run_scoped3A_86 : memref<!tpu.dma_semaphore, #tpu.memory_space<semaphore_mem>>) src(%run_scoped3A : memref<10000xi32, #tpu.memory_space<vmem>>) dst(%dma_wait3A_88 : memref<10000xi32, #tpu.memory_space<hbm>>)
        tpu.yield
      }) : () -> ()
      %mul3A_31 = arith.constant 20480 : i32
      %mul3A_32 = arith.muli %arg1, %mul3A_31 : i32
      %add3A_33 = arith.constant 0 : i32
      %add3A_34 = arith.addi %mul3A_32, %add3A_33 : i32
      "tpu.region"() ({
        %run_scoped3A_86 = tpu.sem_alloc : memref<!tpu.dma_semaphore, #tpu.memory_space<semaphore_mem>>
        %dma_start3A = arith.constant 0 : i32
        %dma_start3A_87 = tpu.memref_slice %run_scoped3A_6[%dma_start3A] : memref<8192xf32, #tpu.memory_space<vmem>> -> memref<8192xf32, #tpu.memory_space<vmem>>
        %dma_start3A_88 = tpu.memref_slice %arg7[%add3A_34] : memref<327680xf32, #tpu.memory_space<vmem_shared>> -> memref<8192xf32, #tpu.memory_space<vmem_shared>>
        %dma_start3A_89 = tpu.memref_slice %arg7[%add3A_34] : memref<327680xf32, #tpu.memory_space<vmem_shared>> -> memref<8192xf32, #tpu.memory_space<vmem_shared>>
        %dma_start3A_90 = arith.constant 0 : i32
        %dma_start3A_91 = tpu.memref_slice %run_scoped3A_6[%dma_start3A_90] : memref<8192xf32, #tpu.memory_space<vmem>> -> memref<8192xf32, #tpu.memory_space<vmem>>
        tpu.enqueue_dma source(%dma_start3A_91 : memref<8192xf32, #tpu.memory_space<vmem>>) target(%dma_start3A_89 : memref<8192xf32, #tpu.memory_space<vmem_shared>>) target_semaphore(%run_scoped3A_86 : memref<!tpu.dma_semaphore, #tpu.memory_space<semaphore_mem>>)
        %dma_wait3A = arith.constant 0 : i32
        %dma_wait3A_92 = tpu.memref_slice %run_scoped3A_6[%dma_wait3A] : memref<8192xf32, #tpu.memory_space<vmem>> -> memref<8192xf32, #tpu.memory_space<vmem>>
        %dma_wait3A_93 = tpu.memref_slice %arg7[%add3A_34] : memref<327680xf32, #tpu.memory_space<vmem_shared>> -> memref<8192xf32, #tpu.memory_space<vmem_shared>>
        %dma_wait3A_94 = tpu.memref_slice %arg7[%add3A_34] : memref<327680xf32, #tpu.memory_space<vmem_shared>> -> memref<8192xf32, #tpu.memory_space<vmem_shared>>
        %dma_wait3A_95 = arith.constant 0 : i32
        %dma_wait3A_96 = tpu.memref_slice %run_scoped3A_6[%dma_wait3A_95] : memref<8192xf32, #tpu.memory_space<vmem>> -> memref<8192xf32, #tpu.memory_space<vmem>>
        tpu.wait_dma2 semaphore(%run_scoped3A_86 : memref<!tpu.dma_semaphore, #tpu.memory_space<semaphore_mem>>) src(%dma_wait3A_96 : memref<8192xf32, #tpu.memory_space<vmem>>) dst(%dma_wait3A_94 : memref<8192xf32, #tpu.memory_space<vmem_shared>>)
        tpu.yield
      }) : () -> ()
      %mul3A_35 = arith.constant 20480 : i32
      %mul3A_36 = arith.muli %arg1, %mul3A_35 : i32
      %add3A_37 = arith.constant 8192 : i32
      %add3A_38 = arith.addi %mul3A_36, %add3A_37 : i32
      "tpu.region"() ({
        %run_scoped3A_86 = tpu.sem_alloc : memref<!tpu.dma_semaphore, #tpu.memory_space<semaphore_mem>>
        %dma_start3A = arith.constant 0 : i32
        %dma_start3A_87 = tpu.memref_slice %run_scoped3A_6[%dma_start3A] : memref<8192xf32, #tpu.memory_space<vmem>> -> memref<8192xf32, #tpu.memory_space<vmem>>
        %dma_start3A_88 = tpu.memref_slice %arg7[%add3A_38] : memref<327680xf32, #tpu.memory_space<vmem_shared>> -> memref<8192xf32, #tpu.memory_space<vmem_shared>>
        %dma_start3A_89 = tpu.memref_slice %arg7[%add3A_38] : memref<327680xf32, #tpu.memory_space<vmem_shared>> -> memref<8192xf32, #tpu.memory_space<vmem_shared>>
        %dma_start3A_90 = arith.constant 0 : i32
        %dma_start3A_91 = tpu.memref_slice %run_scoped3A_6[%dma_start3A_90] : memref<8192xf32, #tpu.memory_space<vmem>> -> memref<8192xf32, #tpu.memory_space<vmem>>
        tpu.enqueue_dma source(%dma_start3A_91 : memref<8192xf32, #tpu.memory_space<vmem>>) target(%dma_start3A_89 : memref<8192xf32, #tpu.memory_space<vmem_shared>>) target_semaphore(%run_scoped3A_86 : memref<!tpu.dma_semaphore, #tpu.memory_space<semaphore_mem>>)
        %dma_wait3A = arith.constant 0 : i32
        %dma_wait3A_92 = tpu.memref_slice %run_scoped3A_6[%dma_wait3A] : memref<8192xf32, #tpu.memory_space<vmem>> -> memref<8192xf32, #tpu.memory_space<vmem>>
        %dma_wait3A_93 = tpu.memref_slice %arg7[%add3A_38] : memref<327680xf32, #tpu.memory_space<vmem_shared>> -> memref<8192xf32, #tpu.memory_space<vmem_shared>>
        %dma_wait3A_94 = tpu.memref_slice %arg7[%add3A_38] : memref<327680xf32, #tpu.memory_space<vmem_shared>> -> memref<8192xf32, #tpu.memory_space<vmem_shared>>
        %dma_wait3A_95 = arith.constant 0 : i32
        %dma_wait3A_96 = tpu.memref_slice %run_scoped3A_6[%dma_wait3A_95] : memref<8192xf32, #tpu.memory_space<vmem>> -> memref<8192xf32, #tpu.memory_space<vmem>>
        tpu.wait_dma2 semaphore(%run_scoped3A_86 : memref<!tpu.dma_semaphore, #tpu.memory_space<semaphore_mem>>) src(%dma_wait3A_96 : memref<8192xf32, #tpu.memory_space<vmem>>) dst(%dma_wait3A_94 : memref<8192xf32, #tpu.memory_space<vmem_shared>>)
        tpu.yield
      }) : () -> ()
      %mul3A_39 = arith.constant 20480 : i32
      %mul3A_40 = arith.muli %arg1, %mul3A_39 : i32
      %add3A_41 = arith.constant 16384 : i32
      %add3A_42 = arith.addi %mul3A_40, %add3A_41 : i32
      "tpu.region"() ({
        %run_scoped3A_86 = tpu.sem_alloc : memref<!tpu.dma_semaphore, #tpu.memory_space<semaphore_mem>>
        %dma_start3A = arith.constant 0 : i32
        %dma_start3A_87 = tpu.memref_slice %run_scoped3A_6[%dma_start3A] : memref<8192xf32, #tpu.memory_space<vmem>> -> memref<4096xf32, #tpu.memory_space<vmem>>
        %dma_start3A_88 = tpu.memref_slice %arg7[%add3A_42] : memref<327680xf32, #tpu.memory_space<vmem_shared>> -> memref<4096xf32, #tpu.memory_space<vmem_shared>>
        %dma_start3A_89 = tpu.memref_slice %arg7[%add3A_42] : memref<327680xf32, #tpu.memory_space<vmem_shared>> -> memref<4096xf32, #tpu.memory_space<vmem_shared>>
        %dma_start3A_90 = arith.constant 0 : i32
        %dma_start3A_91 = tpu.memref_slice %run_scoped3A_6[%dma_start3A_90] : memref<8192xf32, #tpu.memory_space<vmem>> -> memref<4096xf32, #tpu.memory_space<vmem>>
        tpu.enqueue_dma source(%dma_start3A_91 : memref<4096xf32, #tpu.memory_space<vmem>>) target(%dma_start3A_89 : memref<4096xf32, #tpu.memory_space<vmem_shared>>) target_semaphore(%run_scoped3A_86 : memref<!tpu.dma_semaphore, #tpu.memory_space<semaphore_mem>>)
        %dma_wait3A = arith.constant 0 : i32
        %dma_wait3A_92 = tpu.memref_slice %run_scoped3A_6[%dma_wait3A] : memref<8192xf32, #tpu.memory_space<vmem>> -> memref<4096xf32, #tpu.memory_space<vmem>>
        %dma_wait3A_93 = tpu.memref_slice %arg7[%add3A_42] : memref<327680xf32, #tpu.memory_space<vmem_shared>> -> memref<4096xf32, #tpu.memory_space<vmem_shared>>
        %dma_wait3A_94 = tpu.memref_slice %arg7[%add3A_42] : memref<327680xf32, #tpu.memory_space<vmem_shared>> -> memref<4096xf32, #tpu.memory_space<vmem_shared>>
        %dma_wait3A_95 = arith.constant 0 : i32
        %dma_wait3A_96 = tpu.memref_slice %run_scoped3A_6[%dma_wait3A_95] : memref<8192xf32, #tpu.memory_space<vmem>> -> memref<4096xf32, #tpu.memory_space<vmem>>
        tpu.wait_dma2 semaphore(%run_scoped3A_86 : memref<!tpu.dma_semaphore, #tpu.memory_space<semaphore_mem>>) src(%dma_wait3A_96 : memref<4096xf32, #tpu.memory_space<vmem>>) dst(%dma_wait3A_94 : memref<4096xf32, #tpu.memory_space<vmem_shared>>)
        tpu.yield
      }) : () -> ()
      %mul3A_43 = arith.constant 672 : i32
      %mul3A_44 = arith.muli %arg1, %mul3A_43 : i32
      "tpu.region"() ({
        %run_scoped3A_86 = tpu.sem_alloc : memref<!tpu.dma_semaphore, #tpu.memory_space<semaphore_mem>>
        %dma_start3A = arith.constant 0 : i32
        %dma_start3A_87 = tpu.memref_slice %run_scoped3A_6[%dma_start3A] : memref<8192xf32, #tpu.memory_space<vmem>> -> memref<672xf32, #tpu.memory_space<vmem>>
        %dma_start3A_88 = tpu.memref_slice %arg8[%mul3A_44] : memref<10752xf32, #tpu.memory_space<vmem_shared>> -> memref<672xf32, #tpu.memory_space<vmem_shared>>
        %dma_start3A_89 = tpu.memref_slice %arg8[%mul3A_44] : memref<10752xf32, #tpu.memory_space<vmem_shared>> -> memref<672xf32, #tpu.memory_space<vmem_shared>>
        %dma_start3A_90 = arith.constant 0 : i32
        %dma_start3A_91 = tpu.memref_slice %run_scoped3A_6[%dma_start3A_90] : memref<8192xf32, #tpu.memory_space<vmem>> -> memref<672xf32, #tpu.memory_space<vmem>>
        tpu.enqueue_dma source(%dma_start3A_91 : memref<672xf32, #tpu.memory_space<vmem>>) target(%dma_start3A_89 : memref<672xf32, #tpu.memory_space<vmem_shared>>) target_semaphore(%run_scoped3A_86 : memref<!tpu.dma_semaphore, #tpu.memory_space<semaphore_mem>>)
        %dma_wait3A = arith.constant 0 : i32
        %dma_wait3A_92 = tpu.memref_slice %run_scoped3A_6[%dma_wait3A] : memref<8192xf32, #tpu.memory_space<vmem>> -> memref<672xf32, #tpu.memory_space<vmem>>
        %dma_wait3A_93 = tpu.memref_slice %arg8[%mul3A_44] : memref<10752xf32, #tpu.memory_space<vmem_shared>> -> memref<672xf32, #tpu.memory_space<vmem_shared>>
        %dma_wait3A_94 = tpu.memref_slice %arg8[%mul3A_44] : memref<10752xf32, #tpu.memory_space<vmem_shared>> -> memref<672xf32, #tpu.memory_space<vmem_shared>>
        %dma_wait3A_95 = arith.constant 0 : i32
        %dma_wait3A_96 = tpu.memref_slice %run_scoped3A_6[%dma_wait3A_95] : memref<8192xf32, #tpu.memory_space<vmem>> -> memref<672xf32, #tpu.memory_space<vmem>>
        tpu.wait_dma2 semaphore(%run_scoped3A_86 : memref<!tpu.dma_semaphore, #tpu.memory_space<semaphore_mem>>) src(%dma_wait3A_96 : memref<672xf32, #tpu.memory_space<vmem>>) dst(%dma_wait3A_94 : memref<672xf32, #tpu.memory_space<vmem_shared>>)
        tpu.yield
      }) : () -> ()
      %barrier3A = arith.constant 0 : index
      tpu.barrier barrier_id(%barrier3A)
      "tpu.region"() ({
        %run_scoped3A_86 = tpu.sem_alloc : memref<!tpu.dma_semaphore, #tpu.memory_space<semaphore_mem>>
        %dma_start3A = arith.constant 0 : i32
        %dma_start3A_87 = tpu.memref_slice %arg7[%dma_start3A] : memref<327680xf32, #tpu.memory_space<vmem_shared>> -> memref<327680xf32, #tpu.memory_space<vmem_shared>>
        tpu.enqueue_indirect_dma source(%run_scoped3A_5 : memref<10000xf32, #tpu.memory_space<vmem>>) target(%dma_start3A_87 : memref<327680xf32, #tpu.memory_space<vmem_shared>>) offsets(%run_scoped3A_4 : memref<10000xi32, #tpu.memory_space<vmem>>) semaphore(%run_scoped3A_86 : memref<!tpu.dma_semaphore, #tpu.memory_space<semaphore_mem>>) {add = true}
        %dma_wait3A = arith.constant 0 : i32
        %dma_wait3A_88 = tpu.memref_slice %arg7[%dma_wait3A] : memref<327680xf32, #tpu.memory_space<vmem_shared>> -> memref<327680xf32, #tpu.memory_space<vmem_shared>>
        tpu.wait_indirect_dma semaphore(%run_scoped3A_86 : memref<!tpu.dma_semaphore, #tpu.memory_space<semaphore_mem>>) src(%run_scoped3A_5 : memref<10000xf32, #tpu.memory_space<vmem>>) dst(%dma_wait3A_88 : memref<327680xf32, #tpu.memory_space<vmem_shared>>)
        tpu.yield
      }) : () -> ()
      "tpu.region"() ({
        %run_scoped3A_86 = tpu.sem_alloc : memref<!tpu.dma_semaphore, #tpu.memory_space<semaphore_mem>>
        %dma_start3A = arith.constant 0 : i32
        %dma_start3A_87 = tpu.memref_slice %arg8[%dma_start3A] : memref<10752xf32, #tpu.memory_space<vmem_shared>> -> memref<10752xf32, #tpu.memory_space<vmem_shared>>
        tpu.enqueue_indirect_dma source(%run_scoped3A_5 : memref<10000xf32, #tpu.memory_space<vmem>>) target(%dma_start3A_87 : memref<10752xf32, #tpu.memory_space<vmem_shared>>) offsets(%run_scoped3A_3 : memref<10000xi32, #tpu.memory_space<vmem>>) semaphore(%run_scoped3A_86 : memref<!tpu.dma_semaphore, #tpu.memory_space<semaphore_mem>>) {add = true}
        %dma_wait3A = arith.constant 0 : i32
        %dma_wait3A_88 = tpu.memref_slice %arg8[%dma_wait3A] : memref<10752xf32, #tpu.memory_space<vmem_shared>> -> memref<10752xf32, #tpu.memory_space<vmem_shared>>
        tpu.wait_indirect_dma semaphore(%run_scoped3A_86 : memref<!tpu.dma_semaphore, #tpu.memory_space<semaphore_mem>>) src(%run_scoped3A_5 : memref<10000xf32, #tpu.memory_space<vmem>>) dst(%dma_wait3A_88 : memref<10752xf32, #tpu.memory_space<vmem_shared>>)
        tpu.yield
      }) : () -> ()
      %barrier3A_45 = arith.constant 0 : index
      tpu.barrier barrier_id(%barrier3A_45)
      %mul3A_46 = arith.constant 20480 : i32
      %mul3A_47 = arith.muli %arg1, %mul3A_46 : i32
      %add3A_48 = arith.constant 0 : i32
      %add3A_49 = arith.addi %mul3A_47, %add3A_48 : i32
      "tpu.region"() ({
        %run_scoped3A_86 = tpu.sem_alloc : memref<!tpu.dma_semaphore, #tpu.memory_space<semaphore_mem>>
        %dma_start3A = arith.constant 0 : i32
        %dma_start3A_87 = tpu.memref_slice %run_scoped3A_6[%dma_start3A] : memref<8192xf32, #tpu.memory_space<vmem>> -> memref<8192xf32, #tpu.memory_space<vmem>>
        %dma_start3A_88 = tpu.memref_slice %arg7[%add3A_49] : memref<327680xf32, #tpu.memory_space<vmem_shared>> -> memref<8192xf32, #tpu.memory_space<vmem_shared>>
        %dma_start3A_89 = arith.constant 0 : i32
        %dma_start3A_90 = tpu.memref_slice %run_scoped3A_6[%dma_start3A_89] : memref<8192xf32, #tpu.memory_space<vmem>> -> memref<8192xf32, #tpu.memory_space<vmem>>
        %dma_start3A_91 = tpu.memref_slice %arg7[%add3A_49] : memref<327680xf32, #tpu.memory_space<vmem_shared>> -> memref<8192xf32, #tpu.memory_space<vmem_shared>>
        tpu.enqueue_dma source(%dma_start3A_91 : memref<8192xf32, #tpu.memory_space<vmem_shared>>) target(%dma_start3A_90 : memref<8192xf32, #tpu.memory_space<vmem>>) target_semaphore(%run_scoped3A_86 : memref<!tpu.dma_semaphore, #tpu.memory_space<semaphore_mem>>)
        %dma_wait3A = arith.constant 0 : i32
        %dma_wait3A_92 = tpu.memref_slice %run_scoped3A_6[%dma_wait3A] : memref<8192xf32, #tpu.memory_space<vmem>> -> memref<8192xf32, #tpu.memory_space<vmem>>
        %dma_wait3A_93 = tpu.memref_slice %arg7[%add3A_49] : memref<327680xf32, #tpu.memory_space<vmem_shared>> -> memref<8192xf32, #tpu.memory_space<vmem_shared>>
        %dma_wait3A_94 = arith.constant 0 : i32
        %dma_wait3A_95 = tpu.memref_slice %run_scoped3A_6[%dma_wait3A_94] : memref<8192xf32, #tpu.memory_space<vmem>> -> memref<8192xf32, #tpu.memory_space<vmem>>
        %dma_wait3A_96 = tpu.memref_slice %arg7[%add3A_49] : memref<327680xf32, #tpu.memory_space<vmem_shared>> -> memref<8192xf32, #tpu.memory_space<vmem_shared>>
        tpu.wait_dma2 semaphore(%run_scoped3A_86 : memref<!tpu.dma_semaphore, #tpu.memory_space<semaphore_mem>>) src(%dma_wait3A_96 : memref<8192xf32, #tpu.memory_space<vmem_shared>>) dst(%dma_wait3A_95 : memref<8192xf32, #tpu.memory_space<vmem>>)
        tpu.yield
      }) : () -> ()
      %mul3A_50 = arith.constant 327680 : i32
      %mul3A_51 = arith.muli %arg0, %mul3A_50 : i32
      %mul3A_52 = arith.constant 20480 : i32
      %mul3A_53 = arith.muli %arg1, %mul3A_52 : i32
      %add3A_54 = arith.addi %mul3A_51, %mul3A_53 : i32
      %add3A_55 = arith.constant 0 : i32
      %add3A_56 = arith.addi %add3A_54, %add3A_55 : i32
      "tpu.region"() ({
        %run_scoped3A_86 = tpu.sem_alloc : memref<!tpu.dma_semaphore, #tpu.memory_space<semaphore_mem>>
        %dma_start3A = arith.constant 0 : i32
        %dma_start3A_87 = tpu.memref_slice %run_scoped3A_6[%dma_start3A] : memref<8192xf32, #tpu.memory_space<vmem>> -> memref<8192xf32, #tpu.memory_space<vmem>>
        %dma_start3A_88 = tpu.memref_slice %arg4[%add3A_56] : memref<655360xf32, #tpu.memory_space<hbm>> -> memref<8192xf32, #tpu.memory_space<hbm>>
        %dma_start3A_89 = tpu.memref_slice %arg4[%add3A_56] : memref<655360xf32, #tpu.memory_space<hbm>> -> memref<8192xf32, #tpu.memory_space<hbm>>
        %dma_start3A_90 = arith.constant 0 : i32
        %dma_start3A_91 = tpu.memref_slice %run_scoped3A_6[%dma_start3A_90] : memref<8192xf32, #tpu.memory_space<vmem>> -> memref<8192xf32, #tpu.memory_space<vmem>>
        tpu.enqueue_dma source(%dma_start3A_91 : memref<8192xf32, #tpu.memory_space<vmem>>) target(%dma_start3A_89 : memref<8192xf32, #tpu.memory_space<hbm>>) target_semaphore(%run_scoped3A_86 : memref<!tpu.dma_semaphore, #tpu.memory_space<semaphore_mem>>)
        %dma_wait3A = arith.constant 0 : i32
        %dma_wait3A_92 = tpu.memref_slice %run_scoped3A_6[%dma_wait3A] : memref<8192xf32, #tpu.memory_space<vmem>> -> memref<8192xf32, #tpu.memory_space<vmem>>
        %dma_wait3A_93 = tpu.memref_slice %arg4[%add3A_56] : memref<655360xf32, #tpu.memory_space<hbm>> -> memref<8192xf32, #tpu.memory_space<hbm>>
        %dma_wait3A_94 = tpu.memref_slice %arg4[%add3A_56] : memref<655360xf32, #tpu.memory_space<hbm>> -> memref<8192xf32, #tpu.memory_space<hbm>>
        %dma_wait3A_95 = arith.constant 0 : i32
        %dma_wait3A_96 = tpu.memref_slice %run_scoped3A_6[%dma_wait3A_95] : memref<8192xf32, #tpu.memory_space<vmem>> -> memref<8192xf32, #tpu.memory_space<vmem>>
        tpu.wait_dma2 semaphore(%run_scoped3A_86 : memref<!tpu.dma_semaphore, #tpu.memory_space<semaphore_mem>>) src(%dma_wait3A_96 : memref<8192xf32, #tpu.memory_space<vmem>>) dst(%dma_wait3A_94 : memref<8192xf32, #tpu.memory_space<hbm>>)
        tpu.yield
      }) : () -> ()
      %mul3A_57 = arith.constant 20480 : i32
      %mul3A_58 = arith.muli %arg1, %mul3A_57 : i32
      %add3A_59 = arith.constant 8192 : i32
      %add3A_60 = arith.addi %mul3A_58, %add3A_59 : i32
      "tpu.region"() ({
        %run_scoped3A_86 = tpu.sem_alloc : memref<!tpu.dma_semaphore, #tpu.memory_space<semaphore_mem>>
        %dma_start3A = arith.constant 0 : i32
        %dma_start3A_87 = tpu.memref_slice %run_scoped3A_6[%dma_start3A] : memref<8192xf32, #tpu.memory_space<vmem>> -> memref<8192xf32, #tpu.memory_space<vmem>>
        %dma_start3A_88 = tpu.memref_slice %arg7[%add3A_60] : memref<327680xf32, #tpu.memory_space<vmem_shared>> -> memref<8192xf32, #tpu.memory_space<vmem_shared>>
        %dma_start3A_89 = arith.constant 0 : i32
        %dma_start3A_90 = tpu.memref_slice %run_scoped3A_6[%dma_start3A_89] : memref<8192xf32, #tpu.memory_space<vmem>> -> memref<8192xf32, #tpu.memory_space<vmem>>
        %dma_start3A_91 = tpu.memref_slice %arg7[%add3A_60] : memref<327680xf32, #tpu.memory_space<vmem_shared>> -> memref<8192xf32, #tpu.memory_space<vmem_shared>>
        tpu.enqueue_dma source(%dma_start3A_91 : memref<8192xf32, #tpu.memory_space<vmem_shared>>) target(%dma_start3A_90 : memref<8192xf32, #tpu.memory_space<vmem>>) target_semaphore(%run_scoped3A_86 : memref<!tpu.dma_semaphore, #tpu.memory_space<semaphore_mem>>)
        %dma_wait3A = arith.constant 0 : i32
        %dma_wait3A_92 = tpu.memref_slice %run_scoped3A_6[%dma_wait3A] : memref<8192xf32, #tpu.memory_space<vmem>> -> memref<8192xf32, #tpu.memory_space<vmem>>
        %dma_wait3A_93 = tpu.memref_slice %arg7[%add3A_60] : memref<327680xf32, #tpu.memory_space<vmem_shared>> -> memref<8192xf32, #tpu.memory_space<vmem_shared>>
        %dma_wait3A_94 = arith.constant 0 : i32
        %dma_wait3A_95 = tpu.memref_slice %run_scoped3A_6[%dma_wait3A_94] : memref<8192xf32, #tpu.memory_space<vmem>> -> memref<8192xf32, #tpu.memory_space<vmem>>
        %dma_wait3A_96 = tpu.memref_slice %arg7[%add3A_60] : memref<327680xf32, #tpu.memory_space<vmem_shared>> -> memref<8192xf32, #tpu.memory_space<vmem_shared>>
        tpu.wait_dma2 semaphore(%run_scoped3A_86 : memref<!tpu.dma_semaphore, #tpu.memory_space<semaphore_mem>>) src(%dma_wait3A_96 : memref<8192xf32, #tpu.memory_space<vmem_shared>>) dst(%dma_wait3A_95 : memref<8192xf32, #tpu.memory_space<vmem>>)
        tpu.yield
      }) : () -> ()
      %mul3A_61 = arith.constant 327680 : i32
      %mul3A_62 = arith.muli %arg0, %mul3A_61 : i32
      %mul3A_63 = arith.constant 20480 : i32
      %mul3A_64 = arith.muli %arg1, %mul3A_63 : i32
      %add3A_65 = arith.addi %mul3A_62, %mul3A_64 : i32
      %add3A_66 = arith.constant 8192 : i32
      %add3A_67 = arith.addi %add3A_65, %add3A_66 : i32
      "tpu.region"() ({
        %run_scoped3A_86 = tpu.sem_alloc : memref<!tpu.dma_semaphore, #tpu.memory_space<semaphore_mem>>
        %dma_start3A = arith.constant 0 : i32
        %dma_start3A_87 = tpu.memref_slice %run_scoped3A_6[%dma_start3A] : memref<8192xf32, #tpu.memory_space<vmem>> -> memref<8192xf32, #tpu.memory_space<vmem>>
        %dma_start3A_88 = tpu.memref_slice %arg4[%add3A_67] : memref<655360xf32, #tpu.memory_space<hbm>> -> memref<8192xf32, #tpu.memory_space<hbm>>
        %dma_start3A_89 = tpu.memref_slice %arg4[%add3A_67] : memref<655360xf32, #tpu.memory_space<hbm>> -> memref<8192xf32, #tpu.memory_space<hbm>>
        %dma_start3A_90 = arith.constant 0 : i32
        %dma_start3A_91 = tpu.memref_slice %run_scoped3A_6[%dma_start3A_90] : memref<8192xf32, #tpu.memory_space<vmem>> -> memref<8192xf32, #tpu.memory_space<vmem>>
        tpu.enqueue_dma source(%dma_start3A_91 : memref<8192xf32, #tpu.memory_space<vmem>>) target(%dma_start3A_89 : memref<8192xf32, #tpu.memory_space<hbm>>) target_semaphore(%run_scoped3A_86 : memref<!tpu.dma_semaphore, #tpu.memory_space<semaphore_mem>>)
        %dma_wait3A = arith.constant 0 : i32
        %dma_wait3A_92 = tpu.memref_slice %run_scoped3A_6[%dma_wait3A] : memref<8192xf32, #tpu.memory_space<vmem>> -> memref<8192xf32, #tpu.memory_space<vmem>>
        %dma_wait3A_93 = tpu.memref_slice %arg4[%add3A_67] : memref<655360xf32, #tpu.memory_space<hbm>> -> memref<8192xf32, #tpu.memory_space<hbm>>
        %dma_wait3A_94 = tpu.memref_slice %arg4[%add3A_67] : memref<655360xf32, #tpu.memory_space<hbm>> -> memref<8192xf32, #tpu.memory_space<hbm>>
        %dma_wait3A_95 = arith.constant 0 : i32
        %dma_wait3A_96 = tpu.memref_slice %run_scoped3A_6[%dma_wait3A_95] : memref<8192xf32, #tpu.memory_space<vmem>> -> memref<8192xf32, #tpu.memory_space<vmem>>
        tpu.wait_dma2 semaphore(%run_scoped3A_86 : memref<!tpu.dma_semaphore, #tpu.memory_space<semaphore_mem>>) src(%dma_wait3A_96 : memref<8192xf32, #tpu.memory_space<vmem>>) dst(%dma_wait3A_94 : memref<8192xf32, #tpu.memory_space<hbm>>)
        tpu.yield
      }) : () -> ()
      %mul3A_68 = arith.constant 20480 : i32
      %mul3A_69 = arith.muli %arg1, %mul3A_68 : i32
      %add3A_70 = arith.constant 16384 : i32
      %add3A_71 = arith.addi %mul3A_69, %add3A_70 : i32
      "tpu.region"() ({
        %run_scoped3A_86 = tpu.sem_alloc : memref<!tpu.dma_semaphore, #tpu.memory_space<semaphore_mem>>
        %dma_start3A = arith.constant 0 : i32
        %dma_start3A_87 = tpu.memref_slice %run_scoped3A_6[%dma_start3A] : memref<8192xf32, #tpu.memory_space<vmem>> -> memref<4096xf32, #tpu.memory_space<vmem>>
        %dma_start3A_88 = tpu.memref_slice %arg7[%add3A_71] : memref<327680xf32, #tpu.memory_space<vmem_shared>> -> memref<4096xf32, #tpu.memory_space<vmem_shared>>
        %dma_start3A_89 = arith.constant 0 : i32
        %dma_start3A_90 = tpu.memref_slice %run_scoped3A_6[%dma_start3A_89] : memref<8192xf32, #tpu.memory_space<vmem>> -> memref<4096xf32, #tpu.memory_space<vmem>>
        %dma_start3A_91 = tpu.memref_slice %arg7[%add3A_71] : memref<327680xf32, #tpu.memory_space<vmem_shared>> -> memref<4096xf32, #tpu.memory_space<vmem_shared>>
        tpu.enqueue_dma source(%dma_start3A_91 : memref<4096xf32, #tpu.memory_space<vmem_shared>>) target(%dma_start3A_90 : memref<4096xf32, #tpu.memory_space<vmem>>) target_semaphore(%run_scoped3A_86 : memref<!tpu.dma_semaphore, #tpu.memory_space<semaphore_mem>>)
        %dma_wait3A = arith.constant 0 : i32
        %dma_wait3A_92 = tpu.memref_slice %run_scoped3A_6[%dma_wait3A] : memref<8192xf32, #tpu.memory_space<vmem>> -> memref<4096xf32, #tpu.memory_space<vmem>>
        %dma_wait3A_93 = tpu.memref_slice %arg7[%add3A_71] : memref<327680xf32, #tpu.memory_space<vmem_shared>> -> memref<4096xf32, #tpu.memory_space<vmem_shared>>
        %dma_wait3A_94 = arith.constant 0 : i32
        %dma_wait3A_95 = tpu.memref_slice %run_scoped3A_6[%dma_wait3A_94] : memref<8192xf32, #tpu.memory_space<vmem>> -> memref<4096xf32, #tpu.memory_space<vmem>>
        %dma_wait3A_96 = tpu.memref_slice %arg7[%add3A_71] : memref<327680xf32, #tpu.memory_space<vmem_shared>> -> memref<4096xf32, #tpu.memory_space<vmem_shared>>
        tpu.wait_dma2 semaphore(%run_scoped3A_86 : memref<!tpu.dma_semaphore, #tpu.memory_space<semaphore_mem>>) src(%dma_wait3A_96 : memref<4096xf32, #tpu.memory_space<vmem_shared>>) dst(%dma_wait3A_95 : memref<4096xf32, #tpu.memory_space<vmem>>)
        tpu.yield
      }) : () -> ()
      %mul3A_72 = arith.constant 327680 : i32
      %mul3A_73 = arith.muli %arg0, %mul3A_72 : i32
      %mul3A_74 = arith.constant 20480 : i32
      %mul3A_75 = arith.muli %arg1, %mul3A_74 : i32
      %add3A_76 = arith.addi %mul3A_73, %mul3A_75 : i32
      %add3A_77 = arith.constant 16384 : i32
      %add3A_78 = arith.addi %add3A_76, %add3A_77 : i32
      "tpu.region"() ({
        %run_scoped3A_86 = tpu.sem_alloc : memref<!tpu.dma_semaphore, #tpu.memory_space<semaphore_mem>>
        %dma_start3A = arith.constant 0 : i32
        %dma_start3A_87 = tpu.memref_slice %run_scoped3A_6[%dma_start3A] : memref<8192xf32, #tpu.memory_space<vmem>> -> memref<4096xf32, #tpu.memory_space<vmem>>
        %dma_start3A_88 = tpu.memref_slice %arg4[%add3A_78] : memref<655360xf32, #tpu.memory_space<hbm>> -> memref<4096xf32, #tpu.memory_space<hbm>>
        %dma_start3A_89 = tpu.memref_slice %arg4[%add3A_78] : memref<655360xf32, #tpu.memory_space<hbm>> -> memref<4096xf32, #tpu.memory_space<hbm>>
        %dma_start3A_90 = arith.constant 0 : i32
        %dma_start3A_91 = tpu.memref_slice %run_scoped3A_6[%dma_start3A_90] : memref<8192xf32, #tpu.memory_space<vmem>> -> memref<4096xf32, #tpu.memory_space<vmem>>
        tpu.enqueue_dma source(%dma_start3A_91 : memref<4096xf32, #tpu.memory_space<vmem>>) target(%dma_start3A_89 : memref<4096xf32, #tpu.memory_space<hbm>>) target_semaphore(%run_scoped3A_86 : memref<!tpu.dma_semaphore, #tpu.memory_space<semaphore_mem>>)
        %dma_wait3A = arith.constant 0 : i32
        %dma_wait3A_92 = tpu.memref_slice %run_scoped3A_6[%dma_wait3A] : memref<8192xf32, #tpu.memory_space<vmem>> -> memref<4096xf32, #tpu.memory_space<vmem>>
        %dma_wait3A_93 = tpu.memref_slice %arg4[%add3A_78] : memref<655360xf32, #tpu.memory_space<hbm>> -> memref<4096xf32, #tpu.memory_space<hbm>>
        %dma_wait3A_94 = tpu.memref_slice %arg4[%add3A_78] : memref<655360xf32, #tpu.memory_space<hbm>> -> memref<4096xf32, #tpu.memory_space<hbm>>
        %dma_wait3A_95 = arith.constant 0 : i32
        %dma_wait3A_96 = tpu.memref_slice %run_scoped3A_6[%dma_wait3A_95] : memref<8192xf32, #tpu.memory_space<vmem>> -> memref<4096xf32, #tpu.memory_space<vmem>>
        tpu.wait_dma2 semaphore(%run_scoped3A_86 : memref<!tpu.dma_semaphore, #tpu.memory_space<semaphore_mem>>) src(%dma_wait3A_96 : memref<4096xf32, #tpu.memory_space<vmem>>) dst(%dma_wait3A_94 : memref<4096xf32, #tpu.memory_space<hbm>>)
        tpu.yield
      }) : () -> ()
      %mul3A_79 = arith.constant 640 : i32
      %mul3A_80 = arith.muli %arg1, %mul3A_79 : i32
      "tpu.region"() ({
        %run_scoped3A_86 = tpu.sem_alloc : memref<!tpu.dma_semaphore, #tpu.memory_space<semaphore_mem>>
        %dma_start3A = arith.constant 0 : i32
        %dma_start3A_87 = tpu.memref_slice %run_scoped3A_6[%dma_start3A] : memref<8192xf32, #tpu.memory_space<vmem>> -> memref<640xf32, #tpu.memory_space<vmem>>
        %dma_start3A_88 = tpu.memref_slice %arg8[%mul3A_80] : memref<10752xf32, #tpu.memory_space<vmem_shared>> -> memref<640xf32, #tpu.memory_space<vmem_shared>>
        %dma_start3A_89 = arith.constant 0 : i32
        %dma_start3A_90 = tpu.memref_slice %run_scoped3A_6[%dma_start3A_89] : memref<8192xf32, #tpu.memory_space<vmem>> -> memref<640xf32, #tpu.memory_space<vmem>>
        %dma_start3A_91 = tpu.memref_slice %arg8[%mul3A_80] : memref<10752xf32, #tpu.memory_space<vmem_shared>> -> memref<640xf32, #tpu.memory_space<vmem_shared>>
        tpu.enqueue_dma source(%dma_start3A_91 : memref<640xf32, #tpu.memory_space<vmem_shared>>) target(%dma_start3A_90 : memref<640xf32, #tpu.memory_space<vmem>>) target_semaphore(%run_scoped3A_86 : memref<!tpu.dma_semaphore, #tpu.memory_space<semaphore_mem>>)
        %dma_wait3A = arith.constant 0 : i32
        %dma_wait3A_92 = tpu.memref_slice %run_scoped3A_6[%dma_wait3A] : memref<8192xf32, #tpu.memory_space<vmem>> -> memref<640xf32, #tpu.memory_space<vmem>>
        %dma_wait3A_93 = tpu.memref_slice %arg8[%mul3A_80] : memref<10752xf32, #tpu.memory_space<vmem_shared>> -> memref<640xf32, #tpu.memory_space<vmem_shared>>
        %dma_wait3A_94 = arith.constant 0 : i32
        %dma_wait3A_95 = tpu.memref_slice %run_scoped3A_6[%dma_wait3A_94] : memref<8192xf32, #tpu.memory_space<vmem>> -> memref<640xf32, #tpu.memory_space<vmem>>
        %dma_wait3A_96 = tpu.memref_slice %arg8[%mul3A_80] : memref<10752xf32, #tpu.memory_space<vmem_shared>> -> memref<640xf32, #tpu.memory_space<vmem_shared>>
        tpu.wait_dma2 semaphore(%run_scoped3A_86 : memref<!tpu.dma_semaphore, #tpu.memory_space<semaphore_mem>>) src(%dma_wait3A_96 : memref<640xf32, #tpu.memory_space<vmem_shared>>) dst(%dma_wait3A_95 : memref<640xf32, #tpu.memory_space<vmem>>)
        tpu.yield
      }) : () -> ()
      %mul3A_81 = arith.constant 10240 : i32
      %mul3A_82 = arith.muli %arg0, %mul3A_81 : i32
      %mul3A_83 = arith.constant 640 : i32
      %mul3A_84 = arith.muli %arg1, %mul3A_83 : i32
      %add3A_85 = arith.addi %mul3A_82, %mul3A_84 : i32
      "tpu.region"() ({
        %run_scoped3A_86 = tpu.sem_alloc : memref<!tpu.dma_semaphore, #tpu.memory_space<semaphore_mem>>
        %dma_start3A = arith.constant 0 : i32
        %dma_start3A_87 = tpu.memref_slice %run_scoped3A_6[%dma_start3A] : memref<8192xf32, #tpu.memory_space<vmem>> -> memref<640xf32, #tpu.memory_space<vmem>>
        %dma_start3A_88 = tpu.memref_slice %arg6[%add3A_85] : memref<20480xf32, #tpu.memory_space<hbm>> -> memref<640xf32, #tpu.memory_space<hbm>>
        %dma_start3A_89 = tpu.memref_slice %arg6[%add3A_85] : memref<20480xf32, #tpu.memory_space<hbm>> -> memref<640xf32, #tpu.memory_space<hbm>>
        %dma_start3A_90 = arith.constant 0 : i32
        %dma_start3A_91 = tpu.memref_slice %run_scoped3A_6[%dma_start3A_90] : memref<8192xf32, #tpu.memory_space<vmem>> -> memref<640xf32, #tpu.memory_space<vmem>>
        tpu.enqueue_dma source(%dma_start3A_91 : memref<640xf32, #tpu.memory_space<vmem>>) target(%dma_start3A_89 : memref<640xf32, #tpu.memory_space<hbm>>) target_semaphore(%run_scoped3A_86 : memref<!tpu.dma_semaphore, #tpu.memory_space<semaphore_mem>>)
        %dma_wait3A = arith.constant 0 : i32
        %dma_wait3A_92 = tpu.memref_slice %run_scoped3A_6[%dma_wait3A] : memref<8192xf32, #tpu.memory_space<vmem>> -> memref<640xf32, #tpu.memory_space<vmem>>
        %dma_wait3A_93 = tpu.memref_slice %arg6[%add3A_85] : memref<20480xf32, #tpu.memory_space<hbm>> -> memref<640xf32, #tpu.memory_space<hbm>>
        %dma_wait3A_94 = tpu.memref_slice %arg6[%add3A_85] : memref<20480xf32, #tpu.memory_space<hbm>> -> memref<640xf32, #tpu.memory_space<hbm>>
        %dma_wait3A_95 = arith.constant 0 : i32
        %dma_wait3A_96 = tpu.memref_slice %run_scoped3A_6[%dma_wait3A_95] : memref<8192xf32, #tpu.memory_space<vmem>> -> memref<640xf32, #tpu.memory_space<vmem>>
        tpu.wait_dma2 semaphore(%run_scoped3A_86 : memref<!tpu.dma_semaphore, #tpu.memory_space<semaphore_mem>>) src(%dma_wait3A_96 : memref<640xf32, #tpu.memory_space<vmem>>) dst(%dma_wait3A_94 : memref<640xf32, #tpu.memory_space<hbm>>)
        tpu.yield
      }) : () -> ()
      tpu.yield
    }) : () -> ()
    return
  }
}

module attributes {stable_mosaic.version = 14 : i64} {
  func.func @body(%arg0: i32, %arg1: memref<1024x128xf32, #tpu.memory_space<vmem>>, %arg2: memref<128x128xf32, #tpu.memory_space<vmem>>, %arg3: memref<1024x1xf32, #tpu.memory_space<vmem>>, %arg4: memref<1024x128xf32, #tpu.memory_space<vmem>>, %arg5: memref<1024x128xbf16, #tpu.memory_space<vmem>>) attributes {dimension_semantics = [#tpu.dimension_semantics<arbitrary>], iteration_bounds = array<i64: 10>, scalar_prefetch = 0 : i64, scratch_operands = 0 : i64, tpu.core_type = #tpu.core_type<tc>, window_params = [{transform_indices = @transform_0, window_bounds = array<i64: 1024, 128>}, {pipeline_mode = #tpu.pipeline_mode<synchronous>, transform_indices = @transform_1, window_bounds = array<i64: 128, 128>}, {transform_indices = @transform_2, window_bounds = array<i64: 1024, 1>}, {transform_indices = @transform_3, window_bounds = array<i64: 1024, 128>}, {transform_indices = @transform_4, window_bounds = array<i64: 1024, 128>}]} {
    %get3A = arith.constant 0 : index
    %get3A_0 = arith.constant 0 : index
    %get3A_1 = vector.load %arg1[%get3A, %get3A_0] : memref<1024x128xf32, #tpu.memory_space<vmem>>, vector<1024x128xf32>
    %get3A_2 = arith.constant 0 : index
    %get3A_3 = arith.constant 0 : index
    %get3A_4 = vector.load %arg2[%get3A_2, %get3A_3] : memref<128x128xf32, #tpu.memory_space<vmem>>, vector<128x128xf32>
    %dot_general3A = arith.constant dense<0.000000e+00> : vector<1024x128xf32>
    %dot_general3A_5 = tpu.matmul %get3A_1, %get3A_4, %dot_general3A {dimension_numbers = #tpu.dot_dimension_numbers<[1], [0], [0], [1], [0, 0, 1, 1], [], []>, transpose_lhs_hint = false} : vector<1024x128xf32>, vector<128x128xf32>, vector<1024x128xf32> -> vector<1024x128xf32>
    %get3A_6 = arith.constant 0 : index
    %get3A_7 = arith.constant 0 : index
    %get3A_8 = vector.load %arg3[%get3A_6, %get3A_7] : memref<1024x1xf32, #tpu.memory_space<vmem>>, vector<1024x1xf32>
    %rsqrt3A = math.rsqrt %get3A_8 : vector<1024x1xf32>
    %swap3A = arith.constant 0 : index
    %swap3A_9 = arith.constant 0 : index
    %swap3A_10 = vector.load %arg4[%swap3A, %swap3A_9] : memref<1024x128xf32, #tpu.memory_space<vmem>>, vector<1024x128xf32>
    tpu.vector_store %arg4[%swap3A, %swap3A_9], %dot_general3A_5 {strides = array<i32>} : memref<1024x128xf32, #tpu.memory_space<vmem>>, vector<1024x128xf32>,
    %mul3A = vector.broadcast %rsqrt3A : vector<1024x1xf32> to vector<1024x128xf32>
    %mul3A_11 = arith.mulf %dot_general3A_5, %mul3A : vector<1024x128xf32>
    %convert_element_type3A = arith.truncf %mul3A_11 : vector<1024x128xf32> to vector<1024x128xbf16>
    %swap3A_12 = arith.constant 0 : index
    %swap3A_13 = arith.constant 0 : index
    %swap3A_14 = vector.load %arg5[%swap3A_12, %swap3A_13] : memref<1024x128xbf16, #tpu.memory_space<vmem>>, vector<1024x128xbf16>
    tpu.vector_store %arg5[%swap3A_12, %swap3A_13], %convert_element_type3A {strides = array<i32>} : memref<1024x128xbf16, #tpu.memory_space<vmem>>, vector<1024x128xbf16>,
    return
  }
  func.func @transform_0(%arg0: i32) -> (i32, i32) {
    %c0_i32 = arith.constant 0 : i32
    %c0_i32_0 = arith.constant 0 : i32
    return %arg0, %c0_i32 : i32, i32
  }
  func.func @transform_1(%arg0: i32) -> (i32, i32) {
    %c0_i32 = arith.constant 0 : i32
    %c0_i32_0 = arith.constant 0 : i32
    %c0_i32_1 = arith.constant 0 : i32
    return %c0_i32, %c0_i32_0 : i32, i32
  }
  func.func @transform_2(%arg0: i32) -> (i32, i32) {
    %c0_i32 = arith.constant 0 : i32
    %c0_i32_0 = arith.constant 0 : i32
    return %arg0, %c0_i32 : i32, i32
  }
  func.func @transform_3(%arg0: i32) -> (i32, i32) {
    %c0_i32 = arith.constant 0 : i32
    %c0_i32_0 = arith.constant 0 : i32
    return %arg0, %c0_i32 : i32, i32
  }
  func.func @transform_4(%arg0: i32) -> (i32, i32) {
    %c0_i32 = arith.constant 0 : i32
    %c0_i32_0 = arith.constant 0 : i32
    return %arg0, %c0_i32 : i32, i32
  }
}

module attributes {stable_mosaic.version = 14 : i64} {
  func.func @body(%arg0: i32, %arg1: memref<2621440xf32, #tpu.memory_space<vmem>>, %arg2: memref<10240x128xbf16, #tpu.memory_space<vmem>>, %arg3: memref<256x128xf32, #tpu.memory_space<vmem>>, %arg4: memref<256x1xf32, #tpu.memory_space<vmem>>, %arg5: memref<1x128xf32, #tpu.memory_space<vmem>>, %arg6: memref<256x128xf32, #tpu.memory_space<vmem>>) attributes {dimension_semantics = [#tpu.dimension_semantics<arbitrary>], iteration_bounds = array<i64: 40>, scalar_prefetch = 0 : i64, scratch_operands = 0 : i64, tpu.core_type = #tpu.core_type<tc>, window_params = [{transform_indices = @transform_0, window_bounds = array<i64: 2621440>}, {pipeline_mode = #tpu.pipeline_mode<synchronous>, transform_indices = @transform_1, window_bounds = array<i64: 10240, 128>}, {transform_indices = @transform_2, window_bounds = array<i64: 256, 128>}, {transform_indices = @transform_3, window_bounds = array<i64: 256, 1>}, {pipeline_mode = #tpu.pipeline_mode<synchronous>, transform_indices = @transform_4, window_bounds = array<i64: 1, 128>}, {transform_indices = @transform_5, window_bounds = array<i64: 256, 128>}]} {
    %get3A = arith.constant 0 : index
    %get3A_0 = vector.load %arg1[%get3A] : memref<2621440xf32, #tpu.memory_space<vmem>>, vector<2621440xf32>
    %reshape3A = vector.shape_cast %get3A_0 : vector<2621440xf32> to vector<256x10240xf32>
    %convert_element_type3A = arith.truncf %reshape3A : vector<256x10240xf32> to vector<256x10240xbf16>
    %get3A_1 = arith.constant 0 : index
    %get3A_2 = arith.constant 0 : index
    %get3A_3 = vector.load %arg2[%get3A_1, %get3A_2] : memref<10240x128xbf16, #tpu.memory_space<vmem>>, vector<10240x128xbf16>
    %dot_general3A = arith.constant dense<0.000000e+00> : vector<256x128xf32>
    %dot_general3A_4 = tpu.matmul %convert_element_type3A, %get3A_3, %dot_general3A {dimension_numbers = #tpu.dot_dimension_numbers<[1], [0], [0], [1], [0, 0, 1, 1], [], []>, transpose_lhs_hint = false} : vector<256x10240xbf16>, vector<10240x128xbf16>, vector<256x128xf32> -> vector<256x128xf32>
    %get3A_5 = arith.constant 0 : index
    %get3A_6 = arith.constant 0 : index
    %get3A_7 = vector.load %arg4[%get3A_5, %get3A_6] : memref<256x1xf32, #tpu.memory_space<vmem>>, vector<256x1xf32>
    %rsqrt3A = math.rsqrt %get3A_7 : vector<256x1xf32>
    %mul3A = vector.broadcast %rsqrt3A : vector<256x1xf32> to vector<256x128xf32>
    %mul3A_8 = arith.mulf %mul3A, %dot_general3A_4 : vector<256x128xf32>
    %mul3A_9 = arith.mulf %rsqrt3A, %rsqrt3A : vector<256x1xf32>
    %get3A_10 = arith.constant 0 : index
    %get3A_11 = arith.constant 0 : index
    %get3A_12 = vector.load %arg3[%get3A_10, %get3A_11] : memref<256x128xf32, #tpu.memory_space<vmem>>, vector<256x128xf32>
    %mul3A_13 = vector.broadcast %mul3A_9 : vector<256x1xf32> to vector<256x128xf32>
    %mul3A_14 = arith.mulf %mul3A_13, %get3A_12 : vector<256x128xf32>
    %add3A = arith.addf %mul3A_8, %mul3A_14 : vector<256x128xf32>
    %get3A_15 = arith.constant 0 : index
    %get3A_16 = arith.constant 0 : index
    %get3A_17 = vector.load %arg5[%get3A_15, %get3A_16] : memref<1x128xf32, #tpu.memory_space<vmem>>, vector<1x128xf32>
    %add3A_18 = vector.broadcast %get3A_17 : vector<1x128xf32> to vector<256x128xf32>
    %add3A_19 = arith.addf %add3A, %add3A_18 : vector<256x128xf32>
    %max3A = arith.constant 0.000000e+00 : f32
    %max3A_20 = vector.broadcast %max3A : f32 to vector<256x128xf32>
    %max3A_21 = arith.maximumf %add3A_19, %max3A_20 : vector<256x128xf32>
    %swap3A = arith.constant 0 : index
    %swap3A_22 = arith.constant 0 : index
    %swap3A_23 = vector.load %arg6[%swap3A, %swap3A_22] : memref<256x128xf32, #tpu.memory_space<vmem>>, vector<256x128xf32>
    tpu.vector_store %arg6[%swap3A, %swap3A_22], %max3A_21 {strides = array<i32>} : memref<256x128xf32, #tpu.memory_space<vmem>>, vector<256x128xf32>,
    return
  }
  func.func @transform_0(%arg0: i32) -> i32 {
    %c0_i32 = arith.constant 0 : i32
    return %arg0 : i32
  }
  func.func @transform_1(%arg0: i32) -> (i32, i32) {
    %c0_i32 = arith.constant 0 : i32
    %c0_i32_0 = arith.constant 0 : i32
    %c0_i32_1 = arith.constant 0 : i32
    return %c0_i32, %c0_i32_0 : i32, i32
  }
  func.func @transform_2(%arg0: i32) -> (i32, i32) {
    %c0_i32 = arith.constant 0 : i32
    %c0_i32_0 = arith.constant 0 : i32
    return %arg0, %c0_i32 : i32, i32
  }
  func.func @transform_3(%arg0: i32) -> (i32, i32) {
    %c0_i32 = arith.constant 0 : i32
    %c0_i32_0 = arith.constant 0 : i32
    return %arg0, %c0_i32 : i32, i32
  }
  func.func @transform_4(%arg0: i32) -> (i32, i32) {
    %c0_i32 = arith.constant 0 : i32
    %c0_i32_0 = arith.constant 0 : i32
    %c0_i32_1 = arith.constant 0 : i32
    return %c0_i32, %c0_i32_0 : i32, i32
  }
  func.func @transform_5(%arg0: i32) -> (i32, i32) {
    %c0_i32 = arith.constant 0 : i32
    %c0_i32_0 = arith.constant 0 : i32
    return %arg0, %c0_i32 : i32, i32
  }
}

module attributes {stable_mosaic.version = 14 : i64} {
  func.func @body(%arg0: i32, %arg1: memref<1024x128xf32, #tpu.memory_space<vmem>>, %arg2: memref<128x256xf32, #tpu.memory_space<vmem>>, %arg3: memref<1024x1xf32, #tpu.memory_space<vmem>>, %arg4: memref<1024x256xf32, #tpu.memory_space<vmem>>, %arg5: memref<1024x256xbf16, #tpu.memory_space<vmem>>) attributes {dimension_semantics = [#tpu.dimension_semantics<arbitrary>], iteration_bounds = array<i64: 10>, scalar_prefetch = 0 : i64, scratch_operands = 0 : i64, tpu.core_type = #tpu.core_type<tc>, window_params = [{transform_indices = @transform_0, window_bounds = array<i64: 1024, 128>}, {pipeline_mode = #tpu.pipeline_mode<synchronous>, transform_indices = @transform_1, window_bounds = array<i64: 128, 256>}, {transform_indices = @transform_2, window_bounds = array<i64: 1024, 1>}, {transform_indices = @transform_3, window_bounds = array<i64: 1024, 256>}, {transform_indices = @transform_4, window_bounds = array<i64: 1024, 256>}]} {
    %get3A = arith.constant 0 : index
    %get3A_0 = arith.constant 0 : index
    %get3A_1 = vector.load %arg1[%get3A, %get3A_0] : memref<1024x128xf32, #tpu.memory_space<vmem>>, vector<1024x128xf32>
    %get3A_2 = arith.constant 0 : index
    %get3A_3 = arith.constant 0 : index
    %get3A_4 = vector.load %arg2[%get3A_2, %get3A_3] : memref<128x256xf32, #tpu.memory_space<vmem>>, vector<128x256xf32>
    %dot_general3A = arith.constant dense<0.000000e+00> : vector<1024x256xf32>
    %dot_general3A_5 = tpu.matmul %get3A_1, %get3A_4, %dot_general3A {dimension_numbers = #tpu.dot_dimension_numbers<[1], [0], [0], [1], [0, 0, 1, 1], [], []>, transpose_lhs_hint = false} : vector<1024x128xf32>, vector<128x256xf32>, vector<1024x256xf32> -> vector<1024x256xf32>
    %get3A_6 = arith.constant 0 : index
    %get3A_7 = arith.constant 0 : index
    %get3A_8 = vector.load %arg3[%get3A_6, %get3A_7] : memref<1024x1xf32, #tpu.memory_space<vmem>>, vector<1024x1xf32>
    %rsqrt3A = math.rsqrt %get3A_8 : vector<1024x1xf32>
    %swap3A = arith.constant 0 : index
    %swap3A_9 = arith.constant 0 : index
    %swap3A_10 = vector.load %arg4[%swap3A, %swap3A_9] : memref<1024x256xf32, #tpu.memory_space<vmem>>, vector<1024x256xf32>
    tpu.vector_store %arg4[%swap3A, %swap3A_9], %dot_general3A_5 {strides = array<i32>} : memref<1024x256xf32, #tpu.memory_space<vmem>>, vector<1024x256xf32>,
    %mul3A = vector.broadcast %rsqrt3A : vector<1024x1xf32> to vector<1024x256xf32>
    %mul3A_11 = arith.mulf %dot_general3A_5, %mul3A : vector<1024x256xf32>
    %convert_element_type3A = arith.truncf %mul3A_11 : vector<1024x256xf32> to vector<1024x256xbf16>
    %swap3A_12 = arith.constant 0 : index
    %swap3A_13 = arith.constant 0 : index
    %swap3A_14 = vector.load %arg5[%swap3A_12, %swap3A_13] : memref<1024x256xbf16, #tpu.memory_space<vmem>>, vector<1024x256xbf16>
    tpu.vector_store %arg5[%swap3A_12, %swap3A_13], %convert_element_type3A {strides = array<i32>} : memref<1024x256xbf16, #tpu.memory_space<vmem>>, vector<1024x256xbf16>,
    return
  }
  func.func @transform_0(%arg0: i32) -> (i32, i32) {
    %c0_i32 = arith.constant 0 : i32
    %c0_i32_0 = arith.constant 0 : i32
    return %arg0, %c0_i32 : i32, i32
  }
  func.func @transform_1(%arg0: i32) -> (i32, i32) {
    %c0_i32 = arith.constant 0 : i32
    %c0_i32_0 = arith.constant 0 : i32
    %c0_i32_1 = arith.constant 0 : i32
    return %c0_i32, %c0_i32_0 : i32, i32
  }
  func.func @transform_2(%arg0: i32) -> (i32, i32) {
    %c0_i32 = arith.constant 0 : i32
    %c0_i32_0 = arith.constant 0 : i32
    return %arg0, %c0_i32 : i32, i32
  }
  func.func @transform_3(%arg0: i32) -> (i32, i32) {
    %c0_i32 = arith.constant 0 : i32
    %c0_i32_0 = arith.constant 0 : i32
    return %arg0, %c0_i32 : i32, i32
  }
  func.func @transform_4(%arg0: i32) -> (i32, i32) {
    %c0_i32 = arith.constant 0 : i32
    %c0_i32_0 = arith.constant 0 : i32
    return %arg0, %c0_i32 : i32, i32
  }
}

module attributes {stable_mosaic.version = 14 : i64} {
  func.func @body(%arg0: i32, %arg1: memref<2621440xf32, #tpu.memory_space<vmem>>, %arg2: memref<10240x256xbf16, #tpu.memory_space<vmem>>, %arg3: memref<256x256xf32, #tpu.memory_space<vmem>>, %arg4: memref<256x1xf32, #tpu.memory_space<vmem>>, %arg5: memref<1x256xf32, #tpu.memory_space<vmem>>, %arg6: memref<256x256xf32, #tpu.memory_space<vmem>>) attributes {dimension_semantics = [#tpu.dimension_semantics<arbitrary>], iteration_bounds = array<i64: 40>, scalar_prefetch = 0 : i64, scratch_operands = 0 : i64, tpu.core_type = #tpu.core_type<tc>, window_params = [{transform_indices = @transform_0, window_bounds = array<i64: 2621440>}, {pipeline_mode = #tpu.pipeline_mode<synchronous>, transform_indices = @transform_1, window_bounds = array<i64: 10240, 256>}, {transform_indices = @transform_2, window_bounds = array<i64: 256, 256>}, {transform_indices = @transform_3, window_bounds = array<i64: 256, 1>}, {pipeline_mode = #tpu.pipeline_mode<synchronous>, transform_indices = @transform_4, window_bounds = array<i64: 1, 256>}, {transform_indices = @transform_5, window_bounds = array<i64: 256, 256>}]} {
    %get3A = arith.constant 0 : index
    %get3A_0 = vector.load %arg1[%get3A] : memref<2621440xf32, #tpu.memory_space<vmem>>, vector<2621440xf32>
    %reshape3A = vector.shape_cast %get3A_0 : vector<2621440xf32> to vector<256x10240xf32>
    %convert_element_type3A = arith.truncf %reshape3A : vector<256x10240xf32> to vector<256x10240xbf16>
    %get3A_1 = arith.constant 0 : index
    %get3A_2 = arith.constant 0 : index
    %get3A_3 = vector.load %arg2[%get3A_1, %get3A_2] : memref<10240x256xbf16, #tpu.memory_space<vmem>>, vector<10240x256xbf16>
    %dot_general3A = arith.constant dense<0.000000e+00> : vector<256x256xf32>
    %dot_general3A_4 = tpu.matmul %convert_element_type3A, %get3A_3, %dot_general3A {dimension_numbers = #tpu.dot_dimension_numbers<[1], [0], [0], [1], [0, 0, 1, 1], [], []>, transpose_lhs_hint = false} : vector<256x10240xbf16>, vector<10240x256xbf16>, vector<256x256xf32> -> vector<256x256xf32>
    %get3A_5 = arith.constant 0 : index
    %get3A_6 = arith.constant 0 : index
    %get3A_7 = vector.load %arg4[%get3A_5, %get3A_6] : memref<256x1xf32, #tpu.memory_space<vmem>>, vector<256x1xf32>
    %rsqrt3A = math.rsqrt %get3A_7 : vector<256x1xf32>
    %mul3A = vector.broadcast %rsqrt3A : vector<256x1xf32> to vector<256x256xf32>
    %mul3A_8 = arith.mulf %mul3A, %dot_general3A_4 : vector<256x256xf32>
    %mul3A_9 = arith.mulf %rsqrt3A, %rsqrt3A : vector<256x1xf32>
    %get3A_10 = arith.constant 0 : index
    %get3A_11 = arith.constant 0 : index
    %get3A_12 = vector.load %arg3[%get3A_10, %get3A_11] : memref<256x256xf32, #tpu.memory_space<vmem>>, vector<256x256xf32>
    %mul3A_13 = vector.broadcast %mul3A_9 : vector<256x1xf32> to vector<256x256xf32>
    %mul3A_14 = arith.mulf %mul3A_13, %get3A_12 : vector<256x256xf32>
    %add3A = arith.addf %mul3A_8, %mul3A_14 : vector<256x256xf32>
    %get3A_15 = arith.constant 0 : index
    %get3A_16 = arith.constant 0 : index
    %get3A_17 = vector.load %arg5[%get3A_15, %get3A_16] : memref<1x256xf32, #tpu.memory_space<vmem>>, vector<1x256xf32>
    %add3A_18 = vector.broadcast %get3A_17 : vector<1x256xf32> to vector<256x256xf32>
    %add3A_19 = arith.addf %add3A, %add3A_18 : vector<256x256xf32>
    %max3A = arith.constant 0.000000e+00 : f32
    %max3A_20 = vector.broadcast %max3A : f32 to vector<256x256xf32>
    %max3A_21 = arith.maximumf %add3A_19, %max3A_20 : vector<256x256xf32>
    %swap3A = arith.constant 0 : index
    %swap3A_22 = arith.constant 0 : index
    %swap3A_23 = vector.load %arg6[%swap3A, %swap3A_22] : memref<256x256xf32, #tpu.memory_space<vmem>>, vector<256x256xf32>
    tpu.vector_store %arg6[%swap3A, %swap3A_22], %max3A_21 {strides = array<i32>} : memref<256x256xf32, #tpu.memory_space<vmem>>, vector<256x256xf32>,
    return
  }
  func.func @transform_0(%arg0: i32) -> i32 {
    %c0_i32 = arith.constant 0 : i32
    return %arg0 : i32
  }
  func.func @transform_1(%arg0: i32) -> (i32, i32) {
    %c0_i32 = arith.constant 0 : i32
    %c0_i32_0 = arith.constant 0 : i32
    %c0_i32_1 = arith.constant 0 : i32
    return %c0_i32, %c0_i32_0 : i32, i32
  }
  func.func @transform_2(%arg0: i32) -> (i32, i32) {
    %c0_i32 = arith.constant 0 : i32
    %c0_i32_0 = arith.constant 0 : i32
    return %arg0, %c0_i32 : i32, i32
  }
  func.func @transform_3(%arg0: i32) -> (i32, i32) {
    %c0_i32 = arith.constant 0 : i32
    %c0_i32_0 = arith.constant 0 : i32
    return %arg0, %c0_i32 : i32, i32
  }
  func.func @transform_4(%arg0: i32) -> (i32, i32) {
    %c0_i32 = arith.constant 0 : i32
    %c0_i32_0 = arith.constant 0 : i32
    %c0_i32_1 = arith.constant 0 : i32
    return %c0_i32, %c0_i32_0 : i32, i32
  }
  func.func @transform_5(%arg0: i32) -> (i32, i32) {
    %c0_i32 = arith.constant 0 : i32
    %c0_i32_0 = arith.constant 0 : i32
    return %arg0, %c0_i32 : i32, i32
  }
}

module attributes {stable_mosaic.version = 14 : i64} {
  func.func @body(%arg0: i32, %arg1: memref<1024x256xf32, #tpu.memory_space<vmem>>, %arg2: memref<256x512xf32, #tpu.memory_space<vmem>>, %arg3: memref<1024x1xf32, #tpu.memory_space<vmem>>, %arg4: memref<1024x512xf32, #tpu.memory_space<vmem>>, %arg5: memref<1024x512xbf16, #tpu.memory_space<vmem>>) attributes {dimension_semantics = [#tpu.dimension_semantics<arbitrary>], iteration_bounds = array<i64: 10>, scalar_prefetch = 0 : i64, scratch_operands = 0 : i64, tpu.core_type = #tpu.core_type<tc>, window_params = [{transform_indices = @transform_0, window_bounds = array<i64: 1024, 256>}, {pipeline_mode = #tpu.pipeline_mode<synchronous>, transform_indices = @transform_1, window_bounds = array<i64: 256, 512>}, {transform_indices = @transform_2, window_bounds = array<i64: 1024, 1>}, {transform_indices = @transform_3, window_bounds = array<i64: 1024, 512>}, {transform_indices = @transform_4, window_bounds = array<i64: 1024, 512>}]} {
    %get3A = arith.constant 0 : index
    %get3A_0 = arith.constant 0 : index
    %get3A_1 = vector.load %arg1[%get3A, %get3A_0] : memref<1024x256xf32, #tpu.memory_space<vmem>>, vector<1024x256xf32>
    %get3A_2 = arith.constant 0 : index
    %get3A_3 = arith.constant 0 : index
    %get3A_4 = vector.load %arg2[%get3A_2, %get3A_3] : memref<256x512xf32, #tpu.memory_space<vmem>>, vector<256x512xf32>
    %dot_general3A = arith.constant dense<0.000000e+00> : vector<1024x512xf32>
    %dot_general3A_5 = tpu.matmul %get3A_1, %get3A_4, %dot_general3A {dimension_numbers = #tpu.dot_dimension_numbers<[1], [0], [0], [1], [0, 0, 1, 1], [], []>, transpose_lhs_hint = false} : vector<1024x256xf32>, vector<256x512xf32>, vector<1024x512xf32> -> vector<1024x512xf32>
    %get3A_6 = arith.constant 0 : index
    %get3A_7 = arith.constant 0 : index
    %get3A_8 = vector.load %arg3[%get3A_6, %get3A_7] : memref<1024x1xf32, #tpu.memory_space<vmem>>, vector<1024x1xf32>
    %rsqrt3A = math.rsqrt %get3A_8 : vector<1024x1xf32>
    %swap3A = arith.constant 0 : index
    %swap3A_9 = arith.constant 0 : index
    %swap3A_10 = vector.load %arg4[%swap3A, %swap3A_9] : memref<1024x512xf32, #tpu.memory_space<vmem>>, vector<1024x512xf32>
    tpu.vector_store %arg4[%swap3A, %swap3A_9], %dot_general3A_5 {strides = array<i32>} : memref<1024x512xf32, #tpu.memory_space<vmem>>, vector<1024x512xf32>,
    %mul3A = vector.broadcast %rsqrt3A : vector<1024x1xf32> to vector<1024x512xf32>
    %mul3A_11 = arith.mulf %dot_general3A_5, %mul3A : vector<1024x512xf32>
    %convert_element_type3A = arith.truncf %mul3A_11 : vector<1024x512xf32> to vector<1024x512xbf16>
    %swap3A_12 = arith.constant 0 : index
    %swap3A_13 = arith.constant 0 : index
    %swap3A_14 = vector.load %arg5[%swap3A_12, %swap3A_13] : memref<1024x512xbf16, #tpu.memory_space<vmem>>, vector<1024x512xbf16>
    tpu.vector_store %arg5[%swap3A_12, %swap3A_13], %convert_element_type3A {strides = array<i32>} : memref<1024x512xbf16, #tpu.memory_space<vmem>>, vector<1024x512xbf16>,
    return
  }
  func.func @transform_0(%arg0: i32) -> (i32, i32) {
    %c0_i32 = arith.constant 0 : i32
    %c0_i32_0 = arith.constant 0 : i32
    return %arg0, %c0_i32 : i32, i32
  }
  func.func @transform_1(%arg0: i32) -> (i32, i32) {
    %c0_i32 = arith.constant 0 : i32
    %c0_i32_0 = arith.constant 0 : i32
    %c0_i32_1 = arith.constant 0 : i32
    return %c0_i32, %c0_i32_0 : i32, i32
  }
  func.func @transform_2(%arg0: i32) -> (i32, i32) {
    %c0_i32 = arith.constant 0 : i32
    %c0_i32_0 = arith.constant 0 : i32
    return %arg0, %c0_i32 : i32, i32
  }
  func.func @transform_3(%arg0: i32) -> (i32, i32) {
    %c0_i32 = arith.constant 0 : i32
    %c0_i32_0 = arith.constant 0 : i32
    return %arg0, %c0_i32 : i32, i32
  }
  func.func @transform_4(%arg0: i32) -> (i32, i32) {
    %c0_i32 = arith.constant 0 : i32
    %c0_i32_0 = arith.constant 0 : i32
    return %arg0, %c0_i32 : i32, i32
  }
}

module attributes {stable_mosaic.version = 14 : i64} {
  func.func @body(%arg0: i32, %arg1: memref<2621440xf32, #tpu.memory_space<vmem>>, %arg2: memref<10240x512xbf16, #tpu.memory_space<vmem>>, %arg3: memref<256x512xf32, #tpu.memory_space<vmem>>, %arg4: memref<256x1xf32, #tpu.memory_space<vmem>>, %arg5: memref<1x512xf32, #tpu.memory_space<vmem>>, %arg6: memref<256x512xf32, #tpu.memory_space<vmem>>) attributes {dimension_semantics = [#tpu.dimension_semantics<arbitrary>], iteration_bounds = array<i64: 40>, scalar_prefetch = 0 : i64, scratch_operands = 0 : i64, tpu.core_type = #tpu.core_type<tc>, window_params = [{transform_indices = @transform_0, window_bounds = array<i64: 2621440>}, {pipeline_mode = #tpu.pipeline_mode<synchronous>, transform_indices = @transform_1, window_bounds = array<i64: 10240, 512>}, {transform_indices = @transform_2, window_bounds = array<i64: 256, 512>}, {transform_indices = @transform_3, window_bounds = array<i64: 256, 1>}, {pipeline_mode = #tpu.pipeline_mode<synchronous>, transform_indices = @transform_4, window_bounds = array<i64: 1, 512>}, {transform_indices = @transform_5, window_bounds = array<i64: 256, 512>}]} {
    %get3A = arith.constant 0 : index
    %get3A_0 = vector.load %arg1[%get3A] : memref<2621440xf32, #tpu.memory_space<vmem>>, vector<2621440xf32>
    %reshape3A = vector.shape_cast %get3A_0 : vector<2621440xf32> to vector<256x10240xf32>
    %convert_element_type3A = arith.truncf %reshape3A : vector<256x10240xf32> to vector<256x10240xbf16>
    %get3A_1 = arith.constant 0 : index
    %get3A_2 = arith.constant 0 : index
    %get3A_3 = vector.load %arg2[%get3A_1, %get3A_2] : memref<10240x512xbf16, #tpu.memory_space<vmem>>, vector<10240x512xbf16>
    %dot_general3A = arith.constant dense<0.000000e+00> : vector<256x512xf32>
    %dot_general3A_4 = tpu.matmul %convert_element_type3A, %get3A_3, %dot_general3A {dimension_numbers = #tpu.dot_dimension_numbers<[1], [0], [0], [1], [0, 0, 1, 1], [], []>, transpose_lhs_hint = false} : vector<256x10240xbf16>, vector<10240x512xbf16>, vector<256x512xf32> -> vector<256x512xf32>
    %get3A_5 = arith.constant 0 : index
    %get3A_6 = arith.constant 0 : index
    %get3A_7 = vector.load %arg4[%get3A_5, %get3A_6] : memref<256x1xf32, #tpu.memory_space<vmem>>, vector<256x1xf32>
    %rsqrt3A = math.rsqrt %get3A_7 : vector<256x1xf32>
    %mul3A = vector.broadcast %rsqrt3A : vector<256x1xf32> to vector<256x512xf32>
    %mul3A_8 = arith.mulf %mul3A, %dot_general3A_4 : vector<256x512xf32>
    %mul3A_9 = arith.mulf %rsqrt3A, %rsqrt3A : vector<256x1xf32>
    %get3A_10 = arith.constant 0 : index
    %get3A_11 = arith.constant 0 : index
    %get3A_12 = vector.load %arg3[%get3A_10, %get3A_11] : memref<256x512xf32, #tpu.memory_space<vmem>>, vector<256x512xf32>
    %mul3A_13 = vector.broadcast %mul3A_9 : vector<256x1xf32> to vector<256x512xf32>
    %mul3A_14 = arith.mulf %mul3A_13, %get3A_12 : vector<256x512xf32>
    %add3A = arith.addf %mul3A_8, %mul3A_14 : vector<256x512xf32>
    %get3A_15 = arith.constant 0 : index
    %get3A_16 = arith.constant 0 : index
    %get3A_17 = vector.load %arg5[%get3A_15, %get3A_16] : memref<1x512xf32, #tpu.memory_space<vmem>>, vector<1x512xf32>
    %add3A_18 = vector.broadcast %get3A_17 : vector<1x512xf32> to vector<256x512xf32>
    %add3A_19 = arith.addf %add3A, %add3A_18 : vector<256x512xf32>
    %max3A = arith.constant 0.000000e+00 : f32
    %max3A_20 = vector.broadcast %max3A : f32 to vector<256x512xf32>
    %max3A_21 = arith.maximumf %add3A_19, %max3A_20 : vector<256x512xf32>
    %swap3A = arith.constant 0 : index
    %swap3A_22 = arith.constant 0 : index
    %swap3A_23 = vector.load %arg6[%swap3A, %swap3A_22] : memref<256x512xf32, #tpu.memory_space<vmem>>, vector<256x512xf32>
    tpu.vector_store %arg6[%swap3A, %swap3A_22], %max3A_21 {strides = array<i32>} : memref<256x512xf32, #tpu.memory_space<vmem>>, vector<256x512xf32>,
    return
  }
  func.func @transform_0(%arg0: i32) -> i32 {
    %c0_i32 = arith.constant 0 : i32
    return %arg0 : i32
  }
  func.func @transform_1(%arg0: i32) -> (i32, i32) {
    %c0_i32 = arith.constant 0 : i32
    %c0_i32_0 = arith.constant 0 : i32
    %c0_i32_1 = arith.constant 0 : i32
    return %c0_i32, %c0_i32_0 : i32, i32
  }
  func.func @transform_2(%arg0: i32) -> (i32, i32) {
    %c0_i32 = arith.constant 0 : i32
    %c0_i32_0 = arith.constant 0 : i32
    return %arg0, %c0_i32 : i32, i32
  }
  func.func @transform_3(%arg0: i32) -> (i32, i32) {
    %c0_i32 = arith.constant 0 : i32
    %c0_i32_0 = arith.constant 0 : i32
    return %arg0, %c0_i32 : i32, i32
  }
  func.func @transform_4(%arg0: i32) -> (i32, i32) {
    %c0_i32 = arith.constant 0 : i32
    %c0_i32_0 = arith.constant 0 : i32
    %c0_i32_1 = arith.constant 0 : i32
    return %c0_i32, %c0_i32_0 : i32, i32
  }
  func.func @transform_5(%arg0: i32) -> (i32, i32) {
    %c0_i32 = arith.constant 0 : i32
    %c0_i32_0 = arith.constant 0 : i32
    return %arg0, %c0_i32 : i32, i32
  }
}

module attributes {stable_mosaic.version = 14 : i64} {
  func.func @body(%arg0: i32, %arg1: memref<1024x512xf32, #tpu.memory_space<vmem>>, %arg2: memref<1024x1xi32, #tpu.memory_space<vmem>>, %arg3: memref<1024x512xf32, #tpu.memory_space<vmem>>, %arg4: memref<1x512xf32, #tpu.memory_space<vmem>>, %arg5: memref<1xi32, #tpu.memory_space<smem>>) attributes {dimension_semantics = [#tpu.dimension_semantics<arbitrary>], iteration_bounds = array<i64: 10>, scalar_prefetch = 0 : i64, scratch_operands = 2 : i64, tpu.core_type = #tpu.core_type<tc>, window_params = [{transform_indices = @transform_0, window_bounds = array<i64: 1024, 512>}, {transform_indices = @transform_1, window_bounds = array<i64: 1024, 1>}, {transform_indices = @transform_2, window_bounds = array<i64: 1024, 512>}]} {
    %get3A = arith.constant 0 : index
    %get3A_0 = arith.constant 0 : index
    %get3A_1 = vector.load %arg2[%get3A, %get3A_0] : memref<1024x1xi32, #tpu.memory_space<vmem>>, vector<1024x1xi32>
    %get3A_2 = arith.constant 0 : index
    %get3A_3 = arith.constant 0 : index
    %get3A_4 = vector.load %arg1[%get3A_2, %get3A_3] : memref<1024x512xf32, #tpu.memory_space<vmem>>, vector<1024x512xf32>
    %broadcast_in_dim3A = arith.constant -1 : i32
    %broadcast_in_dim3A_5 = vector.broadcast %broadcast_in_dim3A : i32 to vector<1x1xi32>
    %slice3A = vector.extract_strided_slice %get3A_1 {offsets = [0, 0], sizes = [1023, 1], strides = [1, 1]} : vector<1024x1xi32> to vector<1023x1xi32>
    %concatenate3A = tpu.concatenate %broadcast_in_dim3A_5, %slice3A in 0 : vector<1x1xi32>, vector<1023x1xi32> -> vector<1024x1xi32>
    %broadcast_in_dim3A_6 = arith.constant 0xFF800000 : f32
    %broadcast_in_dim3A_7 = vector.broadcast %broadcast_in_dim3A_6 : f32 to vector<1x512xf32>
    %slice3A_8 = vector.extract_strided_slice %get3A_4 {offsets = [0, 0], sizes = [1023, 512], strides = [1, 1]} : vector<1024x512xf32> to vector<1023x512xf32>
    %concatenate3A_9 = tpu.concatenate %broadcast_in_dim3A_7, %slice3A_8 in 0 : vector<1x512xf32>, vector<1023x512xf32> -> vector<1024x512xf32>
    %eq3A = arith.cmpi eq, %get3A_1, %concatenate3A : vector<1024x1xi32>
    %max3A = arith.maximumf %get3A_4, %concatenate3A_9 : vector<1024x512xf32>
    %broadcast_in_dim3A_10 = vector.shape_cast %eq3A : vector<1024x1xi1> to vector<1024x1xi1>
    %broadcast_in_dim3A_11 = vector.broadcast %broadcast_in_dim3A_10 : vector<1024x1xi1> to vector<1024x512xi1>
    %select_n3A = arith.select %broadcast_in_dim3A_11, %max3A, %get3A_4 : vector<1024x512xi1>, vector<1024x512xf32>
    %broadcast_in_dim3A_12 = arith.constant -1 : i32
    %broadcast_in_dim3A_13 = vector.broadcast %broadcast_in_dim3A_12 : i32 to vector<2x1xi32>
    %slice3A_14 = vector.extract_strided_slice %get3A_1 {offsets = [0, 0], sizes = [1022, 1], strides = [1, 1]} : vector<1024x1xi32> to vector<1022x1xi32>
    %concatenate3A_15 = tpu.concatenate %broadcast_in_dim3A_13, %slice3A_14 in 0 : vector<2x1xi32>, vector<1022x1xi32> -> vector<1024x1xi32>
    %broadcast_in_dim3A_16 = arith.constant 0xFF800000 : f32
    %broadcast_in_dim3A_17 = vector.broadcast %broadcast_in_dim3A_16 : f32 to vector<2x512xf32>
    %slice3A_18 = vector.extract_strided_slice %select_n3A {offsets = [0, 0], sizes = [1022, 512], strides = [1, 1]} : vector<1024x512xf32> to vector<1022x512xf32>
    %concatenate3A_19 = tpu.concatenate %broadcast_in_dim3A_17, %slice3A_18 in 0 : vector<2x512xf32>, vector<1022x512xf32> -> vector<1024x512xf32>
    %eq3A_20 = arith.cmpi eq, %get3A_1, %concatenate3A_15 : vector<1024x1xi32>
    %max3A_21 = arith.maximumf %select_n3A, %concatenate3A_19 : vector<1024x512xf32>
    %broadcast_in_dim3A_22 = vector.shape_cast %eq3A_20 : vector<1024x1xi1> to vector<1024x1xi1>
    %broadcast_in_dim3A_23 = vector.broadcast %broadcast_in_dim3A_22 : vector<1024x1xi1> to vector<1024x512xi1>
    %select_n3A_24 = arith.select %broadcast_in_dim3A_23, %max3A_21, %select_n3A : vector<1024x512xi1>, vector<1024x512xf32>
    %broadcast_in_dim3A_25 = arith.constant -1 : i32
    %broadcast_in_dim3A_26 = vector.broadcast %broadcast_in_dim3A_25 : i32 to vector<4x1xi32>
    %slice3A_27 = vector.extract_strided_slice %get3A_1 {offsets = [0, 0], sizes = [1020, 1], strides = [1, 1]} : vector<1024x1xi32> to vector<1020x1xi32>
    %concatenate3A_28 = tpu.concatenate %broadcast_in_dim3A_26, %slice3A_27 in 0 : vector<4x1xi32>, vector<1020x1xi32> -> vector<1024x1xi32>
    %broadcast_in_dim3A_29 = arith.constant 0xFF800000 : f32
    %broadcast_in_dim3A_30 = vector.broadcast %broadcast_in_dim3A_29 : f32 to vector<4x512xf32>
    %slice3A_31 = vector.extract_strided_slice %select_n3A_24 {offsets = [0, 0], sizes = [1020, 512], strides = [1, 1]} : vector<1024x512xf32> to vector<1020x512xf32>
    %concatenate3A_32 = tpu.concatenate %broadcast_in_dim3A_30, %slice3A_31 in 0 : vector<4x512xf32>, vector<1020x512xf32> -> vector<1024x512xf32>
    %eq3A_33 = arith.cmpi eq, %get3A_1, %concatenate3A_28 : vector<1024x1xi32>
    %max3A_34 = arith.maximumf %select_n3A_24, %concatenate3A_32 : vector<1024x512xf32>
    %broadcast_in_dim3A_35 = vector.shape_cast %eq3A_33 : vector<1024x1xi1> to vector<1024x1xi1>
    %broadcast_in_dim3A_36 = vector.broadcast %broadcast_in_dim3A_35 : vector<1024x1xi1> to vector<1024x512xi1>
    %select_n3A_37 = arith.select %broadcast_in_dim3A_36, %max3A_34, %select_n3A_24 : vector<1024x512xi1>, vector<1024x512xf32>
    %broadcast_in_dim3A_38 = arith.constant -1 : i32
    %broadcast_in_dim3A_39 = vector.broadcast %broadcast_in_dim3A_38 : i32 to vector<8x1xi32>
    %slice3A_40 = vector.extract_strided_slice %get3A_1 {offsets = [0, 0], sizes = [1016, 1], strides = [1, 1]} : vector<1024x1xi32> to vector<1016x1xi32>
    %concatenate3A_41 = tpu.concatenate %broadcast_in_dim3A_39, %slice3A_40 in 0 : vector<8x1xi32>, vector<1016x1xi32> -> vector<1024x1xi32>
    %broadcast_in_dim3A_42 = arith.constant 0xFF800000 : f32
    %broadcast_in_dim3A_43 = vector.broadcast %broadcast_in_dim3A_42 : f32 to vector<8x512xf32>
    %slice3A_44 = vector.extract_strided_slice %select_n3A_37 {offsets = [0, 0], sizes = [1016, 512], strides = [1, 1]} : vector<1024x512xf32> to vector<1016x512xf32>
    %concatenate3A_45 = tpu.concatenate %broadcast_in_dim3A_43, %slice3A_44 in 0 : vector<8x512xf32>, vector<1016x512xf32> -> vector<1024x512xf32>
    %eq3A_46 = arith.cmpi eq, %get3A_1, %concatenate3A_41 : vector<1024x1xi32>
    %max3A_47 = arith.maximumf %select_n3A_37, %concatenate3A_45 : vector<1024x512xf32>
    %broadcast_in_dim3A_48 = vector.shape_cast %eq3A_46 : vector<1024x1xi1> to vector<1024x1xi1>
    %broadcast_in_dim3A_49 = vector.broadcast %broadcast_in_dim3A_48 : vector<1024x1xi1> to vector<1024x512xi1>
    %select_n3A_50 = arith.select %broadcast_in_dim3A_49, %max3A_47, %select_n3A_37 : vector<1024x512xi1>, vector<1024x512xf32>
    %broadcast_in_dim3A_51 = arith.constant -1 : i32
    %broadcast_in_dim3A_52 = vector.broadcast %broadcast_in_dim3A_51 : i32 to vector<16x1xi32>
    %slice3A_53 = vector.extract_strided_slice %get3A_1 {offsets = [0, 0], sizes = [1008, 1], strides = [1, 1]} : vector<1024x1xi32> to vector<1008x1xi32>
    %concatenate3A_54 = tpu.concatenate %broadcast_in_dim3A_52, %slice3A_53 in 0 : vector<16x1xi32>, vector<1008x1xi32> -> vector<1024x1xi32>
    %broadcast_in_dim3A_55 = arith.constant 0xFF800000 : f32
    %broadcast_in_dim3A_56 = vector.broadcast %broadcast_in_dim3A_55 : f32 to vector<16x512xf32>
    %slice3A_57 = vector.extract_strided_slice %select_n3A_50 {offsets = [0, 0], sizes = [1008, 512], strides = [1, 1]} : vector<1024x512xf32> to vector<1008x512xf32>
    %concatenate3A_58 = tpu.concatenate %broadcast_in_dim3A_56, %slice3A_57 in 0 : vector<16x512xf32>, vector<1008x512xf32> -> vector<1024x512xf32>
    %eq3A_59 = arith.cmpi eq, %get3A_1, %concatenate3A_54 : vector<1024x1xi32>
    %max3A_60 = arith.maximumf %select_n3A_50, %concatenate3A_58 : vector<1024x512xf32>
    %broadcast_in_dim3A_61 = vector.shape_cast %eq3A_59 : vector<1024x1xi1> to vector<1024x1xi1>
    %broadcast_in_dim3A_62 = vector.broadcast %broadcast_in_dim3A_61 : vector<1024x1xi1> to vector<1024x512xi1>
    %select_n3A_63 = arith.select %broadcast_in_dim3A_62, %max3A_60, %select_n3A_50 : vector<1024x512xi1>, vector<1024x512xf32>
    %broadcast_in_dim3A_64 = arith.constant -1 : i32
    %broadcast_in_dim3A_65 = vector.broadcast %broadcast_in_dim3A_64 : i32 to vector<32x1xi32>
    %slice3A_66 = vector.extract_strided_slice %get3A_1 {offsets = [0, 0], sizes = [992, 1], strides = [1, 1]} : vector<1024x1xi32> to vector<992x1xi32>
    %concatenate3A_67 = tpu.concatenate %broadcast_in_dim3A_65, %slice3A_66 in 0 : vector<32x1xi32>, vector<992x1xi32> -> vector<1024x1xi32>
    %broadcast_in_dim3A_68 = arith.constant 0xFF800000 : f32
    %broadcast_in_dim3A_69 = vector.broadcast %broadcast_in_dim3A_68 : f32 to vector<32x512xf32>
    %slice3A_70 = vector.extract_strided_slice %select_n3A_63 {offsets = [0, 0], sizes = [992, 512], strides = [1, 1]} : vector<1024x512xf32> to vector<992x512xf32>
    %concatenate3A_71 = tpu.concatenate %broadcast_in_dim3A_69, %slice3A_70 in 0 : vector<32x512xf32>, vector<992x512xf32> -> vector<1024x512xf32>
    %eq3A_72 = arith.cmpi eq, %get3A_1, %concatenate3A_67 : vector<1024x1xi32>
    %max3A_73 = arith.maximumf %select_n3A_63, %concatenate3A_71 : vector<1024x512xf32>
    %broadcast_in_dim3A_74 = vector.shape_cast %eq3A_72 : vector<1024x1xi1> to vector<1024x1xi1>
    %broadcast_in_dim3A_75 = vector.broadcast %broadcast_in_dim3A_74 : vector<1024x1xi1> to vector<1024x512xi1>
    %select_n3A_76 = arith.select %broadcast_in_dim3A_75, %max3A_73, %select_n3A_63 : vector<1024x512xi1>, vector<1024x512xf32>
    %broadcast_in_dim3A_77 = arith.constant -1 : i32
    %broadcast_in_dim3A_78 = vector.broadcast %broadcast_in_dim3A_77 : i32 to vector<64x1xi32>
    %slice3A_79 = vector.extract_strided_slice %get3A_1 {offsets = [0, 0], sizes = [960, 1], strides = [1, 1]} : vector<1024x1xi32> to vector<960x1xi32>
    %concatenate3A_80 = tpu.concatenate %broadcast_in_dim3A_78, %slice3A_79 in 0 : vector<64x1xi32>, vector<960x1xi32> -> vector<1024x1xi32>
    %broadcast_in_dim3A_81 = arith.constant 0xFF800000 : f32
    %broadcast_in_dim3A_82 = vector.broadcast %broadcast_in_dim3A_81 : f32 to vector<64x512xf32>
    %slice3A_83 = vector.extract_strided_slice %select_n3A_76 {offsets = [0, 0], sizes = [960, 512], strides = [1, 1]} : vector<1024x512xf32> to vector<960x512xf32>
    %concatenate3A_84 = tpu.concatenate %broadcast_in_dim3A_82, %slice3A_83 in 0 : vector<64x512xf32>, vector<960x512xf32> -> vector<1024x512xf32>
    %eq3A_85 = arith.cmpi eq, %get3A_1, %concatenate3A_80 : vector<1024x1xi32>
    %max3A_86 = arith.maximumf %select_n3A_76, %concatenate3A_84 : vector<1024x512xf32>
    %broadcast_in_dim3A_87 = vector.shape_cast %eq3A_85 : vector<1024x1xi1> to vector<1024x1xi1>
    %broadcast_in_dim3A_88 = vector.broadcast %broadcast_in_dim3A_87 : vector<1024x1xi1> to vector<1024x512xi1>
    %select_n3A_89 = arith.select %broadcast_in_dim3A_88, %max3A_86, %select_n3A_76 : vector<1024x512xi1>, vector<1024x512xf32>
    %broadcast_in_dim3A_90 = arith.constant -1 : i32
    %broadcast_in_dim3A_91 = vector.broadcast %broadcast_in_dim3A_90 : i32 to vector<128x1xi32>
    %slice3A_92 = vector.extract_strided_slice %get3A_1 {offsets = [0, 0], sizes = [896, 1], strides = [1, 1]} : vector<1024x1xi32> to vector<896x1xi32>
    %concatenate3A_93 = tpu.concatenate %broadcast_in_dim3A_91, %slice3A_92 in 0 : vector<128x1xi32>, vector<896x1xi32> -> vector<1024x1xi32>
    %broadcast_in_dim3A_94 = arith.constant 0xFF800000 : f32
    %broadcast_in_dim3A_95 = vector.broadcast %broadcast_in_dim3A_94 : f32 to vector<128x512xf32>
    %slice3A_96 = vector.extract_strided_slice %select_n3A_89 {offsets = [0, 0], sizes = [896, 512], strides = [1, 1]} : vector<1024x512xf32> to vector<896x512xf32>
    %concatenate3A_97 = tpu.concatenate %broadcast_in_dim3A_95, %slice3A_96 in 0 : vector<128x512xf32>, vector<896x512xf32> -> vector<1024x512xf32>
    %eq3A_98 = arith.cmpi eq, %get3A_1, %concatenate3A_93 : vector<1024x1xi32>
    %max3A_99 = arith.maximumf %select_n3A_89, %concatenate3A_97 : vector<1024x512xf32>
    %broadcast_in_dim3A_100 = vector.shape_cast %eq3A_98 : vector<1024x1xi1> to vector<1024x1xi1>
    %broadcast_in_dim3A_101 = vector.broadcast %broadcast_in_dim3A_100 : vector<1024x1xi1> to vector<1024x512xi1>
    %select_n3A_102 = arith.select %broadcast_in_dim3A_101, %max3A_99, %select_n3A_89 : vector<1024x512xi1>, vector<1024x512xf32>
    %broadcast_in_dim3A_103 = arith.constant -1 : i32
    %broadcast_in_dim3A_104 = vector.broadcast %broadcast_in_dim3A_103 : i32 to vector<256x1xi32>
    %slice3A_105 = vector.extract_strided_slice %get3A_1 {offsets = [0, 0], sizes = [768, 1], strides = [1, 1]} : vector<1024x1xi32> to vector<768x1xi32>
    %concatenate3A_106 = tpu.concatenate %broadcast_in_dim3A_104, %slice3A_105 in 0 : vector<256x1xi32>, vector<768x1xi32> -> vector<1024x1xi32>
    %broadcast_in_dim3A_107 = arith.constant 0xFF800000 : f32
    %broadcast_in_dim3A_108 = vector.broadcast %broadcast_in_dim3A_107 : f32 to vector<256x512xf32>
    %slice3A_109 = vector.extract_strided_slice %select_n3A_102 {offsets = [0, 0], sizes = [768, 512], strides = [1, 1]} : vector<1024x512xf32> to vector<768x512xf32>
    %concatenate3A_110 = tpu.concatenate %broadcast_in_dim3A_108, %slice3A_109 in 0 : vector<256x512xf32>, vector<768x512xf32> -> vector<1024x512xf32>
    %eq3A_111 = arith.cmpi eq, %get3A_1, %concatenate3A_106 : vector<1024x1xi32>
    %max3A_112 = arith.maximumf %select_n3A_102, %concatenate3A_110 : vector<1024x512xf32>
    %broadcast_in_dim3A_113 = vector.shape_cast %eq3A_111 : vector<1024x1xi1> to vector<1024x1xi1>
    %broadcast_in_dim3A_114 = vector.broadcast %broadcast_in_dim3A_113 : vector<1024x1xi1> to vector<1024x512xi1>
    %select_n3A_115 = arith.select %broadcast_in_dim3A_114, %max3A_112, %select_n3A_102 : vector<1024x512xi1>, vector<1024x512xf32>
    %broadcast_in_dim3A_116 = arith.constant -1 : i32
    %broadcast_in_dim3A_117 = vector.broadcast %broadcast_in_dim3A_116 : i32 to vector<512x1xi32>
    %slice3A_118 = vector.extract_strided_slice %get3A_1 {offsets = [0, 0], sizes = [512, 1], strides = [1, 1]} : vector<1024x1xi32> to vector<512x1xi32>
    %concatenate3A_119 = tpu.concatenate %broadcast_in_dim3A_117, %slice3A_118 in 0 : vector<512x1xi32>, vector<512x1xi32> -> vector<1024x1xi32>
    %broadcast_in_dim3A_120 = arith.constant 0xFF800000 : f32
    %broadcast_in_dim3A_121 = vector.broadcast %broadcast_in_dim3A_120 : f32 to vector<512x512xf32>
    %slice3A_122 = vector.extract_strided_slice %select_n3A_115 {offsets = [0, 0], sizes = [512, 512], strides = [1, 1]} : vector<1024x512xf32> to vector<512x512xf32>
    %concatenate3A_123 = tpu.concatenate %broadcast_in_dim3A_121, %slice3A_122 in 0 : vector<512x512xf32>, vector<512x512xf32> -> vector<1024x512xf32>
    %eq3A_124 = arith.cmpi eq, %get3A_1, %concatenate3A_119 : vector<1024x1xi32>
    %max3A_125 = arith.maximumf %select_n3A_115, %concatenate3A_123 : vector<1024x512xf32>
    %broadcast_in_dim3A_126 = vector.shape_cast %eq3A_124 : vector<1024x1xi1> to vector<1024x1xi1>
    %broadcast_in_dim3A_127 = vector.broadcast %broadcast_in_dim3A_126 : vector<1024x1xi1> to vector<1024x512xi1>
    %select_n3A_128 = arith.select %broadcast_in_dim3A_127, %max3A_125, %select_n3A_115 : vector<1024x512xi1>, vector<1024x512xf32>
    %eq3A_129 = arith.constant 0 : i32
    %eq3A_130 = arith.cmpi eq, %arg0, %eq3A_129 : i32
    %convert_element_type3A = arith.extui %eq3A_130 : i1 to i32
    %cond3A = arith.constant 0xFF800000 : f32
    %cond3A_131 = arith.constant 0 : i32
    %cond3A_132 = arith.cmpi ne, %convert_element_type3A, %cond3A_131 : i32
    scf.if %cond3A_132 {
      %swap3A_157 = arith.constant -1 : i32
      %swap3A_158 = arith.constant 0 : index
      %swap3A_159 = memref.load %arg5[%swap3A_158] : memref<1xi32, #tpu.memory_space<smem>>
      memref.store %swap3A_157, %arg5[%swap3A_158] : memref<1xi32, #tpu.memory_space<smem>>
      %broadcast_in_dim3A_160 = vector.broadcast %cond3A : f32 to vector<1x512xf32>
      %swap3A_161 = arith.constant 0 : index
      %swap3A_162 = arith.constant 0 : index
      %swap3A_163 = vector.load %arg4[%swap3A_161, %swap3A_162] : memref<1x512xf32, #tpu.memory_space<vmem>>, vector<1x512xf32>
      tpu.vector_store %arg4[%swap3A_161, %swap3A_162], %broadcast_in_dim3A_160 {strides = array<i32>} : memref<1x512xf32, #tpu.memory_space<vmem>>, vector<1x512xf32>,
    } else {
    }
    %get3A_133 = arith.constant 0 : index
    %get3A_134 = memref.load %arg5[%get3A_133] : memref<1xi32, #tpu.memory_space<smem>>
    %eq3A_135 = vector.broadcast %get3A_134 : i32 to vector<1024x1xi32>
    %eq3A_136 = arith.cmpi eq, %get3A_1, %eq3A_135 : vector<1024x1xi32>
    %get3A_137 = arith.constant 0 : index
    %get3A_138 = arith.constant 0 : index
    %get3A_139 = vector.load %arg4[%get3A_137, %get3A_138] : memref<1x512xf32, #tpu.memory_space<vmem>>, vector<1x512xf32>
    %max3A_140 = vector.broadcast %get3A_139 : vector<1x512xf32> to vector<1024x512xf32>
    %max3A_141 = arith.maximumf %select_n3A_128, %max3A_140 : vector<1024x512xf32>
    %broadcast_in_dim3A_142 = vector.shape_cast %eq3A_136 : vector<1024x1xi1> to vector<1024x1xi1>
    %broadcast_in_dim3A_143 = vector.broadcast %broadcast_in_dim3A_142 : vector<1024x1xi1> to vector<1024x512xi1>
    %select_n3A_144 = arith.select %broadcast_in_dim3A_143, %max3A_141, %select_n3A_128 : vector<1024x512xi1>, vector<1024x512xf32>
    %swap3A = arith.constant 0 : index
    %swap3A_145 = arith.constant 0 : index
    %swap3A_146 = vector.load %arg3[%swap3A, %swap3A_145] : memref<1024x512xf32, #tpu.memory_space<vmem>>, vector<1024x512xf32>
    tpu.vector_store %arg3[%swap3A, %swap3A_145], %select_n3A_144 {strides = array<i32>} : memref<1024x512xf32, #tpu.memory_space<vmem>>, vector<1024x512xf32>,
    %slice3A_147 = vector.extract_strided_slice %select_n3A_144 {offsets = [1023, 0], sizes = [1, 512], strides = [1, 1]} : vector<1024x512xf32> to vector<1x512xf32>
    %swap3A_148 = arith.constant 0 : index
    %swap3A_149 = arith.constant 0 : index
    %swap3A_150 = vector.load %arg4[%swap3A_148, %swap3A_149] : memref<1x512xf32, #tpu.memory_space<vmem>>, vector<1x512xf32>
    tpu.vector_store %arg4[%swap3A_148, %swap3A_149], %slice3A_147 {strides = array<i32>} : memref<1x512xf32, #tpu.memory_space<vmem>>, vector<1x512xf32>,
    %get3A_151 = arith.constant 1023 : index
    %get3A_152 = arith.constant 0 : index
    %get3A_153 = vector.load %arg2[%get3A_151, %get3A_152] : memref<1024x1xi32, #tpu.memory_space<vmem>>, vector<1x1xi32>
    %get3A_154 = vector.extract %get3A_153[0, 0] : i32 from vector<1x1xi32>
    %swap3A_155 = arith.constant 0 : index
    %swap3A_156 = memref.load %arg5[%swap3A_155] : memref<1xi32, #tpu.memory_space<smem>>
    memref.store %get3A_154, %arg5[%swap3A_155] : memref<1xi32, #tpu.memory_space<smem>>
    return
  }
  func.func @transform_0(%arg0: i32) -> (i32, i32) {
    %c0_i32 = arith.constant 0 : i32
    %c0_i32_0 = arith.constant 0 : i32
    return %arg0, %c0_i32 : i32, i32
  }
  func.func @transform_1(%arg0: i32) -> (i32, i32) {
    %c0_i32 = arith.constant 0 : i32
    %c0_i32_0 = arith.constant 0 : i32
    return %arg0, %c0_i32 : i32, i32
  }
  func.func @transform_2(%arg0: i32) -> (i32, i32) {
    %c0_i32 = arith.constant 0 : i32
    %c0_i32_0 = arith.constant 0 : i32
    return %arg0, %c0_i32 : i32, i32
  }
}

module attributes {stable_mosaic.version = 14 : i64} {
  func.func @body(%arg0: i32, %arg1: memref<1024x512xf32, #tpu.memory_space<vmem>>, %arg2: memref<1024x1xi32, #tpu.memory_space<vmem>>, %arg3: memref<1024x1xi32, #tpu.memory_space<vmem>>, %arg4: memref<512x128xf32, #tpu.memory_space<vmem>>, %arg5: memref<1x128xf32, #tpu.memory_space<vmem>>, %arg6: memref<256x128xf32, #tpu.memory_space<vmem>>, %arg7: memref<256x512xf32, #tpu.memory_space<vmem>>) attributes {dimension_semantics = [#tpu.dimension_semantics<arbitrary>], iteration_bounds = array<i64: 10>, scalar_prefetch = 0 : i64, scratch_operands = 1 : i64, tpu.core_type = #tpu.core_type<tc>, window_params = [{transform_indices = @transform_0, window_bounds = array<i64: 1024, 512>}, {transform_indices = @transform_1, window_bounds = array<i64: 1024, 1>}, {transform_indices = @transform_2, window_bounds = array<i64: 1024, 1>}, {pipeline_mode = #tpu.pipeline_mode<synchronous>, transform_indices = @transform_3, window_bounds = array<i64: 512, 128>}, {pipeline_mode = #tpu.pipeline_mode<synchronous>, transform_indices = @transform_4, window_bounds = array<i64: 1, 128>}, {pipeline_mode = #tpu.pipeline_mode<synchronous>, transform_indices = @transform_5, window_bounds = array<i64: 256, 128>}]} {
    %eq3A = arith.constant 0 : i32
    %eq3A_0 = arith.cmpi eq, %arg0, %eq3A : i32
    %convert_element_type3A = arith.extui %eq3A_0 : i1 to i32
    %cond3A = arith.constant 0 : i32
    %cond3A_1 = arith.cmpi ne, %convert_element_type3A, %cond3A : i32
    scf.if %cond3A_1 {
      %broadcast_in_dim3A_28 = arith.constant 0.000000e+00 : f32
      %broadcast_in_dim3A_29 = vector.broadcast %broadcast_in_dim3A_28 : f32 to vector<256x512xf32>
      %swap3A_30 = arith.constant 0 : index
      %swap3A_31 = arith.constant 0 : index
      %swap3A_32 = vector.load %arg7[%swap3A_30, %swap3A_31] : memref<256x512xf32, #tpu.memory_space<vmem>>, vector<256x512xf32>
      tpu.vector_store %arg7[%swap3A_30, %swap3A_31], %broadcast_in_dim3A_29 {strides = array<i32>} : memref<256x512xf32, #tpu.memory_space<vmem>>, vector<256x512xf32>,
    } else {
    }
    %get3A = arith.constant 0 : index
    %get3A_2 = arith.constant 0 : index
    %get3A_3 = vector.load %arg2[%get3A, %get3A_2] : memref<1024x1xi32, #tpu.memory_space<vmem>>, vector<1024x1xi32>
    %slice3A = vector.extract_strided_slice %get3A_3 {offsets = [1, 0], sizes = [1023, 1], strides = [1, 1]} : vector<1024x1xi32> to vector<1023x1xi32>
    %get3A_4 = arith.constant 0 : index
    %get3A_5 = arith.constant 0 : index
    %get3A_6 = vector.load %arg3[%get3A_4, %get3A_5] : memref<1024x1xi32, #tpu.memory_space<vmem>>, vector<1x1xi32>
    %concatenate3A = tpu.concatenate %slice3A, %get3A_6 in 0 : vector<1023x1xi32>, vector<1x1xi32> -> vector<1024x1xi32>
    %ne3A = arith.cmpi ne, %get3A_3, %concatenate3A : vector<1024x1xi32>
    %convert_element_type3A_7 = arith.extui %ne3A : vector<1024x1xi1> to vector<1024x1xi32>
    %convert_element_type3A_8 = arith.sitofp %convert_element_type3A_7 : vector<1024x1xi32> to vector<1024x1xf32>
    %iota3A = tpu.iota {dimensions = array<i32: 0>} : vector<256x1024xi32>
    %reshape3A = vector.shape_cast %get3A_3 : vector<1024x1xi32> to vector<1x1024xi32>
    %eq3A_9 = vector.broadcast %reshape3A : vector<1x1024xi32> to vector<256x1024xi32>
    %eq3A_10 = arith.cmpi eq, %iota3A, %eq3A_9 : vector<256x1024xi32>
    %reshape3A_11 = vector.shape_cast %convert_element_type3A_8 : vector<1024x1xf32> to vector<1x1024xf32>
    %jit3A = arith.constant 0.000000e+00 : f32
    %broadcast_in_dim3A = vector.shape_cast %reshape3A_11 : vector<1x1024xf32> to vector<1x1024xf32>
    %broadcast_in_dim3A_12 = vector.broadcast %broadcast_in_dim3A : vector<1x1024xf32> to vector<256x1024xf32>
    %broadcast_in_dim3A_13 = vector.broadcast %jit3A : f32 to vector<256x1024xf32>
    %select_n3A = arith.select %eq3A_10, %broadcast_in_dim3A_12, %broadcast_in_dim3A_13 : vector<256x1024xi1>, vector<256x1024xf32>
    %get3A_14 = arith.constant 0 : index
    %get3A_15 = arith.constant 0 : index
    %get3A_16 = vector.load %arg7[%get3A_14, %get3A_15] : memref<256x512xf32, #tpu.memory_space<vmem>>, vector<256x512xf32>
    %get3A_17 = arith.constant 0 : index
    %get3A_18 = arith.constant 0 : index
    %get3A_19 = vector.load %arg1[%get3A_17, %get3A_18] : memref<1024x512xf32, #tpu.memory_space<vmem>>, vector<1024x512xf32>
    %dot_general3A = arith.constant dense<0.000000e+00> : vector<256x512xf32>
    %dot_general3A_20 = tpu.matmul %select_n3A, %get3A_19, %dot_general3A {dimension_numbers = #tpu.dot_dimension_numbers<[1], [0], [0], [1], [0, 0, 1, 1], [], []>, transpose_lhs_hint = false} : vector<256x1024xf32>, vector<1024x512xf32>, vector<256x512xf32> -> vector<256x512xf32>
    %add3A = arith.addf %get3A_16, %dot_general3A_20 : vector<256x512xf32>
    %swap3A = arith.constant 0 : index
    %swap3A_21 = arith.constant 0 : index
    %swap3A_22 = vector.load %arg7[%swap3A, %swap3A_21] : memref<256x512xf32, #tpu.memory_space<vmem>>, vector<256x512xf32>
    tpu.vector_store %arg7[%swap3A, %swap3A_21], %add3A {strides = array<i32>} : memref<256x512xf32, #tpu.memory_space<vmem>>, vector<256x512xf32>,
    %eq3A_23 = arith.constant 9 : i32
    %eq3A_24 = arith.cmpi eq, %arg0, %eq3A_23 : i32
    %convert_element_type3A_25 = arith.extui %eq3A_24 : i1 to i32
    %cond3A_26 = arith.constant 0 : i32
    %cond3A_27 = arith.cmpi ne, %convert_element_type3A_25, %cond3A_26 : i32
    scf.if %cond3A_27 {
      %get3A_28 = arith.constant 0 : index
      %get3A_29 = arith.constant 0 : index
      %get3A_30 = vector.load %arg7[%get3A_28, %get3A_29] : memref<256x512xf32, #tpu.memory_space<vmem>>, vector<256x512xf32>
      %get3A_31 = arith.constant 0 : index
      %get3A_32 = arith.constant 0 : index
      %get3A_33 = vector.load %arg4[%get3A_31, %get3A_32] : memref<512x128xf32, #tpu.memory_space<vmem>>, vector<512x128xf32>
      %dot_general3A_34 = arith.constant dense<0.000000e+00> : vector<256x128xf32>
      %dot_general3A_35 = tpu.matmul %get3A_30, %get3A_33, %dot_general3A_34 {dimension_numbers = #tpu.dot_dimension_numbers<[1], [0], [0], [1], [0, 0, 1, 1], [], []>, transpose_lhs_hint = false} : vector<256x512xf32>, vector<512x128xf32>, vector<256x128xf32> -> vector<256x128xf32>
      %get3A_36 = arith.constant 0 : index
      %get3A_37 = arith.constant 0 : index
      %get3A_38 = vector.load %arg5[%get3A_36, %get3A_37] : memref<1x128xf32, #tpu.memory_space<vmem>>, vector<1x128xf32>
      %add3A_39 = vector.broadcast %get3A_38 : vector<1x128xf32> to vector<256x128xf32>
      %add3A_40 = arith.addf %dot_general3A_35, %add3A_39 : vector<256x128xf32>
      %swap3A_41 = arith.constant 0 : index
      %swap3A_42 = arith.constant 0 : index
      %swap3A_43 = vector.load %arg6[%swap3A_41, %swap3A_42] : memref<256x128xf32, #tpu.memory_space<vmem>>, vector<256x128xf32>
      tpu.vector_store %arg6[%swap3A_41, %swap3A_42], %add3A_40 {strides = array<i32>} : memref<256x128xf32, #tpu.memory_space<vmem>>, vector<256x128xf32>,
    } else {
    }
    return
  }
  func.func @transform_0(%arg0: i32) -> (i32, i32) {
    %c0_i32 = arith.constant 0 : i32
    %c0_i32_0 = arith.constant 0 : i32
    return %arg0, %c0_i32 : i32, i32
  }
  func.func @transform_1(%arg0: i32) -> (i32, i32) {
    %c0_i32 = arith.constant 0 : i32
    %c0_i32_0 = arith.constant 0 : i32
    return %arg0, %c0_i32 : i32, i32
  }
  func.func @transform_2(%arg0: i32) -> (i32, i32) {
    %add3A = arith.constant 1 : i32
    %add3A_0 = arith.addi %arg0, %add3A : i32
    %jit3A = arith.constant 10 : i32
    %eq3A = arith.constant 0 : i32
    %eq3A_1 = arith.cmpi eq, %jit3A, %eq3A : i32
    %jit3A_2 = arith.constant 1 : i32
    %select_n3A = arith.select %eq3A_1, %jit3A_2, %jit3A : i32
    %rem3A = arith.remsi %add3A_0, %select_n3A : i32
    %ne3A = arith.constant 0 : i32
    %ne3A_3 = arith.cmpi ne, %rem3A, %ne3A : i32
    %lt3A = arith.constant 0 : i32
    %lt3A_4 = arith.cmpi slt, %rem3A, %lt3A : i32
    %lt3A_5 = arith.constant 0 : i32
    %lt3A_6 = arith.cmpi slt, %select_n3A, %lt3A_5 : i32
    %ne3A_7 = arith.xori %lt3A_4, %lt3A_6 : i1
    %and3A = arith.andi %ne3A_7, %ne3A_3 : i1
    %add3A_8 = arith.addi %rem3A, %select_n3A : i32
    %select_n3A_9 = arith.select %and3A, %add3A_8, %rem3A : i32
    %c0_i32 = arith.constant 0 : i32
    %c0_i32_10 = arith.constant 0 : i32
    return %select_n3A_9, %c0_i32 : i32, i32
  }
  func.func @transform_3(%arg0: i32) -> (i32, i32) {
    %c0_i32 = arith.constant 0 : i32
    %c0_i32_0 = arith.constant 0 : i32
    %c0_i32_1 = arith.constant 0 : i32
    return %c0_i32, %c0_i32_0 : i32, i32
  }
  func.func @transform_4(%arg0: i32) -> (i32, i32) {
    %c0_i32 = arith.constant 0 : i32
    %c0_i32_0 = arith.constant 0 : i32
    %c0_i32_1 = arith.constant 0 : i32
    return %c0_i32, %c0_i32_0 : i32, i32
  }
  func.func @transform_5(%arg0: i32) -> (i32, i32) {
    %c0_i32 = arith.constant 0 : i32
    %c0_i32_0 = arith.constant 0 : i32
    %c0_i32_1 = arith.constant 0 : i32
    return %c0_i32, %c0_i32_0 : i32, i32
  }
}

</mosaic_0001>

<sc_bundles>
// kernel: kernel.13.cloned.1.call-start
scs
__scs_entry_jumppad:
0x0: {  	(pc) =	sbr.rel $0x88, $3  }
0x1: {  	(tag) =	ssettag $0x0;
	lr =	simm.s32 $0x1  }
0x2: {  	[smem:$0x3F96] =	sst lr;
	_ =	strace $0xD0000000  }
0x3: {  	_ = 	snop  }
0x4: {  	_ = 	snop  }
0x5: {  	_ = 	snop  }
0x6: {  	_ = 	snop  }
0x7: {  	_ = 	snop  }
__scs_overlays_trampoline_lowered:
0x8: {  	[smem:$0x3FA5] =	sst s0  }
0x9: {  	[smem:$0x3FA6] =	sst s1  }
0xa: {  	[smem:$0x3FA7] =	sst s2  }
0xb: {  	[smem:$0x3FA8] =	sst s3  }
0xc: {  	[smem:$0x3FA9] =	sst s4  }
0xd: {  	[smem:$0x3FAA] =	sst s5  }
0xe: {  	[smem:$0x3FAB] =	sst s6  }
0xf: {  	[smem:$0x3FAC] =	sst s7  }
0x10: {  	[smem:$0x3FAD] =	sst s8  }
0x11: {  	[smem:$0x3FAE] =	sst s9;
	s0 =	simm.s32 @!p0 $0x0  }
0x12: {  	s1 =	sld [smem:$0x3F94];
	s0 =	simm.s32 @p0 $0x1  }
0x13: {  	[smem:$0x3FAF] =	sst s0;
	s0 =	simm.s32 @!p1 $0x0  }
0x14: {  	s2 =	sld [smem:$0x3F93];
	s0 =	simm.s32 @p1 $0x1  }
0x15: {  	[smem:$0x3FB0] =	sst s0;
	s0 =	simm.s32 @!p2 $0x0  }
0x16: {  	s3 =	sld [smem:$0x3FDB];
	s0 =	simm.s32 @p2 $0x1  }
0x17: {  	s4 =	simm.s32 $0x1BF5;
	[smem:$0x3FB2] =	sst s0  }
0x18: {  	s0 =	sld [smem:$0x3F95];
	_ =	swait.ge [sflag:s4], $0x0  }
0x19: {  	s7 =	sld [smem:$0x3F96]  }
0x1a: {  	s8 =	sadd.s32 $0xFFFFE003, lr  }
0x1b: {  	s9 =	sadd.s32 $0xFFFFFEF7, lr;
	s5 =	simm.s32 $0xFFFFFFFF;
	p2 =	slt.u32 s8, $0xFFFFF086  }
0x1c: {  	p1 =	slt.u32 s9, $0xF7A;
	s5 =	simm.s32 @!p2 $0x0  }
0x1d: {  	s5 =	simm.s32 @p1 $0x1;
	p0 =	seq.s32 s7, s2  }
0x1e: {  	s7 =	smul.u32 @!p0 $0xF7A, s2;
	p2 =	seq.s32 @!p0 s5, $0x0  }
0x1f: {  	s9 =	smul.u32 $0xF7A, s1;
	s8 =	simm.s32 @!p0 $0x1BF5;
	p2 =	por !p2, p0  }
0x20: {  	[sflag:s8] =	ssyncset.s32 @!p0 $0xFFFFF086;
	s6 =	sadd.s32 @!p0 s3, s7;
	s7 =	simm.s32 @!p0 $0x108  }
0x21: {  	s3 =	sadd.s32 s3, s9;
	s6 =	sadd.s32 @!p0 $0x88, s6;
	s7 =	simm.s32 @p2 $0x1082  }
0x22: {  	[simem:s7], [sflag:s8] =	dma.local @!p0 [hbm:s6], $0xF7A  }
0x23: {  	s9 =	sor.u32 $0xD0000000, s2;
	s6 =	simm.s32 $0x108;
	_ =	swait.ge @!p0 [sflag:s8], $0x0  }
0x24: {  	s3 =	sadd.s32 $0x88, s3;
	s6 =	simm.s32 @!p1 $0x1082;
	[sflag:s4] =	ssyncset.s32 $0xFFFFF086  }
0x25: {  	[simem:s6], [sflag:s4] =	dma.local [hbm:s3], $0xF7A  }
0x26: {  	[smem:$0x3F96] =	sst s1;
	(tag) =	ssettag s2;
	_ =	strace s9  }
0x27: {  	s1 =	sld [smem:$0x3FA6]  }
0x28: {  	s2 =	sld [smem:$0x3FA7]  }
0x29: {  	s4 =	sld [smem:$0x3FA9]  }
0x2a: {  	p0 =	seq.s32 s5, $0x0;
	s5 =	sld [smem:$0x3FAA]  }
0x2b: {  	s6 =	sld [smem:$0x3FAB]  }
0x2c: {  	s7 =	sld [smem:$0x3FAC]  }
0x2d: {  	s3 =	simm.s32 $0x108;
	s8 =	sld [smem:$0x3FAD]  }
0x2e: {  	s3 =	simm.s32 @!p0 $0x1082;
	s9 =	sld [smem:$0x3FAE]  }
0x2f: {  	lr =	sadd.s32 s0, s3;
	s0 =	sld [smem:$0x3FA5]  }
0x30: {  	s3 =	sld [smem:$0x3FA8]  }
0x31: {  	[smem:$0x3FB1] =	sst s10  }
0x32: {  	s10 =	sld [smem:$0x3FAF];
	_ =	sdelay $0x3  }
0x33: {  	p0 =	seq.s32 s10, $0x1;
	s10 =	sld [smem:$0x3FB1];
	_ =	sdelay $0x3  }
0x34: {  	[smem:$0x3FB1] =	sst s10  }
0x35: {  	s10 =	sld [smem:$0x3FB0];
	_ =	sdelay $0x3  }
0x36: {  	p1 =	seq.s32 s10, $0x1;
	s10 =	sld [smem:$0x3FB1];
	_ =	sdelay $0x3  }
0x37: {  	[smem:$0x3FB1] =	sst s10  }
0x38: {  	s10 =	sld [smem:$0x3FB2]  }
0x39: {  	_ = 	snop;
	(pc) =	sbr.ind lr, $3  }
0x3a: {  	_ = 	snop  }
0x3b: {  	_ = 	snop  }
0x3c: {  	p2 =	seq.s32 s10, $0x1;
	s10 =	sld [smem:$0x3FB1]  }
0x3d: {  	_ =	shalt  }
0x3e: {  	_ =	shalt  }
0x3f: {  	_ =	shalt  }
0x40: {  	_ =	shalt  }
0x41: {  	_ =	shalt  }
0x42: {  	_ =	shalt  }
0x43: {  	_ =	shalt  }
0x44: {  	_ =	shalt  }
0x45: {  	_ =	shalt  }
0x46: {  	_ =	shalt  }
0x47: {  	_ =	shalt  }
0x48: {  	_ =	shalt  }
0x49: {  	_ =	shalt  }
0x4a: {  	_ =	shalt  }
0x4b: {  	_ =	shalt  }
0x4c: {  	_ =	shalt  }
0x4d: {  	_ =	shalt  }
0x4e: {  	_ =	shalt  }
0x4f: {  	_ =	shalt  }
0x50: {  	_ =	shalt  }
0x51: {  	_ =	shalt  }
0x52: {  	_ =	shalt  }
0x53: {  	_ =	shalt  }
0x54: {  	_ =	shalt  }
0x55: {  	_ =	shalt  }
0x56: {  	_ =	shalt  }
0x57: {  	_ =	shalt  }
0x58: {  	_ =	shalt  }
0x59: {  	_ =	shalt  }
0x5a: {  	_ =	shalt  }
0x5b: {  	_ =	shalt  }
0x5c: {  	_ =	shalt  }
0x5d: {  	_ =	shalt  }
0x5e: {  	_ =	shalt  }
0x5f: {  	_ =	shalt  }
0x60: {  	_ =	shalt  }
0x61: {  	_ =	shalt  }
0x62: {  	_ =	shalt  }
0x63: {  	_ =	shalt  }
0x64: {  	_ =	shalt  }
0x65: {  	_ =	shalt  }
0x66: {  	_ =	shalt  }
0x67: {  	_ =	shalt  }
0x68: {  	_ =	shalt  }
0x69: {  	_ =	shalt  }
0x6a: {  	_ =	shalt  }
0x6b: {  	_ =	shalt  }
0x6c: {  	_ =	shalt  }
0x6d: {  	_ =	shalt  }
0x6e: {  	_ =	shalt  }
0x6f: {  	_ =	shalt  }
0x70: {  	_ =	shalt  }
0x71: {  	_ =	shalt  }
0x72: {  	_ =	shalt  }
0x73: {  	_ =	shalt  }
0x74: {  	_ =	shalt  }
0x75: {  	_ =	shalt  }
0x76: {  	_ =	shalt  }
0x77: {  	_ =	shalt  }
0x78: {  	_ =	shalt  }
0x79: {  	_ =	shalt  }
0x7a: {  	_ =	shalt  }
0x7b: {  	_ =	shalt  }
0x7c: {  	_ =	shalt  }
0x7d: {  	_ =	shalt  }
0x7e: {  	_ =	shalt  }
0x7f: {  	_ =	shalt  }
0x80: {  	_ =	shalt  }
0x81: {  	_ =	shalt  }
0x82: {  	_ =	shalt  }
0x83: {  	_ =	shalt  }
0x84: {  	_ =	shalt  }
0x85: {  	_ =	shalt  }
0x86: {  	_ =	shalt  }
0x87: {  	_ =	shalt  }
.Lfunc_end0:
.L_simem_size_0:
called_computation_lowered:
.L_overlay_start_0:
0x88: {  	s2 =	sld [smem:$0x3FD9]  }
0x89: {  	s3 =	sld [smem:$0x3FFE];
	_ =	sdelay $0x1  }
0x8a: {  	s1 =	srdreg.scid  }
0x8b: {  	s0 =	sand.u32 $0x1, s1  }
0x8c: {  	s16 =	sshll.u32 s0, $0xA;
	s2 =	sadd.s32 s3, s2  }
0x8d: {  	s2 =	sadd.s32 s2, s16  }
0x8e: {  	[smem:$0x3FBD] =	sst s2  }
0x8f: {  	_ = 	snop  }
0x90: {  	(tm) =	ssettm $0x1  }
0x91: {  	s17 =	sld [smem:$0x3FFB];
	_ =	sdelay $0x3  }
0x92: {  	_ =	strace s17  }
0x93: {  	s2 =	sld [smem:$0x3FFC];
	_ =	sdelay $0x3  }
0x94: {  	_ =	strace s2  }
0x95: {  	s2 =	sld [smem:$0x3FFD];
	_ =	sdelay $0x3  }
0x96: {  	_ =	strace s2  }
0x97: {  	_ =	strace $0x8FFFFFFF  }
0x98: {  	s18 =	sld [smem:$0x3FDB];
	_ =	sdelay $0x1  }
0x99: {  	s19 =	simm.s32 $_scs_section_size  }
0x9a: {  	s4 =	simm.s32 $_size__tile_overlayer_lowered;
	s5 =	simm.s32 $_tile_overlayer_lowered  }
0x9b: {  	s22 =	simm.s32 $0x1BFF;
	s21 =	sshll.u32 s5, $0x1;
	s2 =	sadd.s32 s19, s18  }
0x9c: {  	s6 =	simm.s32 $0x0;
	s20 =	sshll.u32 s4, $0x1;
	s4 =	sadd.s32 s21, s2  }
0x9d: {  	[timem:s6], [sflag:s22] =	dma.local [hbm:s4], s20  }
0x9e: {  	_ =	swait.ge [sflag:s22], s20  }
0x9f: {  	s3 =	ssub.s32 $0x0, s20;
	[sflag:s22] =	ssyncset.done $0x0  }
0xa0: {  	[sflag:s22] =	ssyncadd.s32 s3;
	_ =	sdelay $0x1  }
0xa1: {  	s23 =	simm.s32 $0x1B8B  }
0xa2: {  	_ =	swait.ge [sflag:s23], $0x1  }
0xa3: {  	[sflag:s23] =	ssyncset.done $0x0  }
0xa4: {  	s25 =	simm.s32 $0x1B8E;
	s24 =	sld [smem:$0x3FFE];
	[sflag:s23] =	ssyncadd.s32 $0xFFFFFFFF  }
0xa5: {  	s26 =	simm.s32 $execute0_lowered;
	[smem:$0x3FD2] =	sst s25  }
0xa6: {  	s4 =	sshll.u32 s26, $0x1;
	_ =	strace $0x80000046;
	[dreg:$0x1] =	wrdreg $0xFFFFFFFF  }
0xa7: {  	s28 =	simm.s32 $_size_execute0_lowered;
	s2 =	sadd.s32 s2, s4;
	[dreg:$0x0] =	wrdreg $0x0  }
0xa8: {  	s4 =	sshll.u32 s28, $0x1;
	[dreg:$0x2] =	wrdreg s2  }
0xa9: {  	[dreg:$0x3] =	wrdreg s4  }
0xaa: {  	[dreg:$0x4] =	wrdreg $0xC0  }
0xab: {  	_ =	task [dreg:s6], $0x5FFFF  }
0xac: {  	[dreg:$0x1] =	wrdreg $0xFFFFFFFF  }
0xad: {  	[dreg:$0x0] =	wrdreg $0x60  }
0xae: {  	[dreg:$0x2] =	wrdreg s24  }
0xaf: {  	[dreg:$0x3] =	wrdreg $0x9  }
0xb0: {  	_ =	task.clear_ibuf [dreg:s6], $0x4FFFF;
	_ =	strace $0x90000046  }
0xb1: {  	s29 =	simm.s32 $0x9;
	_ =	strace $0x80000048  }
0xb2: {  	_ =	swait.ge [sflag:s29], $0x1  }
0xb3: {  	[sflag:s29] =	ssyncadd.s32 $0xFFFFFFFF  }
0xb4: {  	_ =	strace $0x90000048  }
0xb5: {  	_ =	sfence  }
0xb6: {  	s30 =	sld [smem:$0x0];
	_ =	sdelay $0x2  }
0xb7: {  	s31 =	sshll.u32 s1, $0xD;
	s1 =	sshrl.u32 s1, $0x2  }
0xb8: {  	s3 =	sand.u32 $0x4000, s31;
	s1 =	sadd.s32 s1, s30  }
0xb9: {  	s0 =	sor.u32 s3, s0;
	s1 =	sshll.u32 s1, $0x11  }
0xba: {  	s0 =	sor.u32 s1, s0  }
0xbb: {  	s0 =	sadd.s32 $0x8F2B, s0  }
0xbc: {  	[sflag:s0] =	ssyncadd.remote.s32 $0x1  }
0xbd: {  	_ =	sfence.sel $0xFFFF  }
0xbe: {  	[dreg:$0x0] =	wrdreg $0xFFFFFFFF;
	(pc) =	sbr.abs _section_cstart, $3  }
0xbf: {  	[dreg:$0x1] =	wrdreg $0xFFFFFFFF  }
0xc0: {  	_ =	task.clear_ibuf [dreg:s6], $0x2FFFF;
	_ =	strace $0x9FFFFFFF  }
0xc1: {  	(tm) =	ssettm $0x7FFFFFFF  }
tec
execute0_lowered:
.L_overlay_start_1:
0x0: {  	(tag) =	ssettag $0x1  }
0x1: {  	s0 =	srdreg.scid  }
0x2: {  	s4 =	rddreg [dreg:$0x0];
	s2 =	simm.s32 $0x0;
	s9 =	simm.s32 $0x2780  }
0x3: {  	s10 =	simm.s32 $0x2710;
	s11 =	simm.s32 $0x4F00;
	s3 =	sand.u32 $0x1, s0  }
0x4: {  	s12 =	simm.s32 $0x0;
	s0 =	stileid.u32;
	s1 =	sshll.u32 s3, $0x4  }
0x5: {  	[smem:$0x7FF] =	sst s2;
	s8 =	smul.u32 $0x27100, s3;
	s5 =	sor.u32 s0, s1  }
0x6: {  	s6 =	ssub.s32 $0x2, s3;
	s3 =	sadd.s32 $0x17400, s4;
	s5 =	smul.u32 $0x2710, s5  }
0x7: {  	s31 =	smul.u32 $0x2710, s0;
	s1 =	rddreg [dreg:$0x1];
	s7 =	sshrl.u32 s6, $0x1  }
0x8: {  	_ =	strace $0x80000047;
	s6 =	ssub.s32 s6, s7;
	s5 =	sshrl.u32 s5, $0x3  }
0x9: {  	s7 =	sadd.s32 s31, s8;
	s8 =	simm.s32 $0x1;
	s5 =	sadd.s32 s5, s4  }
0xa: {  	v0 =	vlaneseq.u32;
	s6 =	smax.u32 s6, $0x1;
	s4 =	sadd.s32 $0x3A00, s5;
	s5 =	sadd.s32 $0xD640, s5  }
.LBB2_1:
0xb: {  	[tilespmem:s2], [sflag:$0x1] =	stream.linear.gather [hbm4b:s4+s2], $0x2710, $0x38;
	[tilespmem:$0x7680] =	vst v63  }
0xc: {  	_ =	swait.ge [sflag:s8], $0x2710  }
0xd: {  	[sflag:s8] =	ssyncset.done $0x0  }
0xe: {  	[sflag:s8] =	ssyncadd.s32 $0xFFFFD8F0  }
0xf: {  	[tilespmem:s9], [sflag:$0x1] =	stream.linear.gather [hbm4b:s5+s2], $0x2710, $0x38;
	[tilespmem:$0x7680] =	vst v63  }
0x10: {  	_ =	swait.ge [sflag:s8], $0x2710  }
0x11: {  	[sflag:s8] =	ssyncset.done $0x0  }
0x12: {  	s13 =	simm.s32 $0x20;
	[sflag:s8] =	ssyncadd.s32 $0xFFFFD8F0  }
0x13: {  	s14 =	simm.s32 $0x27A0;
	v1 =	vld [tilespmem:s13+$0xFFFFFFE0]  }
0x14: {  	v2 =	vld [tilespmem:s14+$0xFFFFFFE0]  }
0x15: {  	v3 =	vld [tilespmem:s14+$0x0]  }
0x16: {  	v4 =	vld [tilespmem:s13+$0x0]  }
0x17: {  	v5 =	vld [tilespmem:s14+$0x10]  }
0x18: {  	v6 =	vld [tilespmem:s14+$0x20]  }
0x19: {  	v7 =	vld [tilespmem:s13+$0x10];
	v2 =	vmul.u32 $0x2800, v2  }
0x1a: {  	v8 =	vld [tilespmem:s13+$0x20];
	v3 =	vmul.u32 $0x2800, v3  }
0x1b: {  	s17 =	sadd.s32 $0x0, s7;
	v9 =	vld [tilespmem:s14+$0xFFFFFFF0];
	v1 =	vadd.s32 v1, v2  }
0x1c: {  	s15 =	simm.s32 $0x70;
	s19 =	sadd.s32 $0x20, s17;
	v10 =	vld [tilespmem:s13+$0xFFFFFFF0];
	v2 =	vmul.u32 $0x2800, v5;
	[tilespmem:s14+$0xFFFFFFE0] =	vst v1;
	v1 =	vadd.s32 v4, v3  }
0x1d: {  	s16 =	simm.s32 $0x4F20;
	v11 =	vor.u32 s19, v0;
	s13 =	simm.s32 $0x27F0;
	v3 =	vmul.u32 $0x2800, v6;
	[tilespmem:s14+$0x0] =	vst v1;
	v1 =	vld [tilespmem:s15+$0xFFFFFFE0]  }
0x1e: {  	[tilespmem:s16+$0x0] =	vst v11;
	v2 =	vadd.s32 v7, v2;
	v7 =	vld [tilespmem:s13+$0xFFFFFFE0]  }
0x1f: {  	s18 =	sadd.s32 $0x40, s17;
	[tilespmem:s14+$0x10] =	vst v2;
	v3 =	vadd.s32 v8, v3;
	v2 =	vld [tilespmem:s15+$0x0]  }
0x20: {  	s31 =	sadd.s32 $0x10, s17;
	v9 =	vmul.u32 $0x2800, v9;
	v4 =	vor.u32 s18, v0;
	v6 =	vld [tilespmem:s13+$0x0];
	[tilespmem:s14+$0x20] =	vst v3  }
0x21: {  	s20 =	sadd.s32 $0x30, s17;
	[tilespmem:s16+$0x20] =	vst v4;
	v4 =	vor.u32 s31, v0;
	v5 =	vld [tilespmem:s13+$0x10]  }
0x22: {  	v9 =	vadd.s32 v10, v9;
	s18 =	simm.s32 $0x50;
	[tilespmem:s16+$0xFFFFFFF0] =	vst v4;
	v8 =	vor.u32 s20, v0;
	v3 =	vor.u32 s17, v0;
	s17 =	simm.s32 $0xA0;
	v4 =	vld [tilespmem:s13+$0x20]  }
.LBB2_2:
0x23: {  	p0 =	sne.s32 s17, $0x26C0;
	s18 =	sadd.s32 s18, s7;
	v10 =	vld [tilespmem:s15+$0x10];
	[tilespmem:s14+$0xFFFFFFF0] =	vst v9;
	s14 =	smov.u32 s13  }
0x24: {  	v7 =	vmul.u32 $0x2800, v7;
	v9 =	vor.u32 s18, v0;
	s19 =	sadd.s32 $0x10, s18;
	s20 =	sadd.s32 $0x20, s18;
	v11 =	vld [tilespmem:s15+$0x20];
	s21 =	sadd.s32 $0x40, s18;
	[tilespmem:s16+$0x10] =	vst v8  }
0x25: {  	v12 =	vld [tilespmem:s13+$0xFFFFFFF0];
	v13 =	vor.u32 s19, v0;
	v6 =	vmul.u32 $0x2800, v6;
	s19 =	sadd.s32 $0x30, s18;
	v8 =	vor.u32 s21, v0;
	[tilespmem:s16+$0xFFFFFFE0] =	vst v3;
	s16 =	sadd.s32 $0x50, s16;
	v3 =	vmovc v9;
	s18 =	smov.u32 s17  }
0x26: {  	v14 =	vor.u32 s20, v0;
	v7 =	vadd.s32 v1, v7;
	v9 =	vld [tilespmem:s15+$0xFFFFFFF0];
	v5 =	vmul.u32 $0x2800, v5;
	[tilespmem:s16+$0x20] =	vst v8;
	s15 =	sadd.s32 $0x50, s15  }
0x27: {  	v8 =	vor.u32 s19, v0;
	v1 =	vld [tilespmem:s15+$0xFFFFFFE0];
	[tilespmem:s13+$0xFFFFFFE0] =	vst v7;
	v6 =	vadd.s32 v2, v6;
	v4 =	vmul.u32 $0x2800, v4  }
.Ltmp0:
0x28: {  	s13 =	sadd.s32 $0x50, s13;
	v2 =	vld [tilespmem:s15+$0x0];
	[tilespmem:s14+$0x0] =	vst v6;
	v5 =	vadd.s32 v10, v5;
	(pc) =	sbr.rel @p0 .LBB2_2-.Ltmp0, $4  }
0x29: {  	v7 =	vld [tilespmem:s13+$0xFFFFFFE0];
	[tilespmem:s14+$0x10] =	vst v5;
	v4 =	vadd.s32 v11, v4  }
0x2a: {  	v6 =	vld [tilespmem:s13+$0x0];
	v10 =	vmul.u32 $0x2800, v12;
	[tilespmem:s14+$0x20] =	vst v4  }
0x2b: {  	v5 =	vld [tilespmem:s13+$0x10];
	[tilespmem:s16+$0xFFFFFFF0] =	vst v13  }
0x2c: {  	s17 =	sadd.s32 $0x50, s17;
	v4 =	vld [tilespmem:s13+$0x20];
	v9 =	vadd.s32 v9, v10;
	[tilespmem:s16+$0x0] =	vst v14  }
0x2d: {  	s17 =	sadd.s32 s18, s7;
	v10 =	vld [tilespmem:s15+$0x10];
	[tilespmem:s14+$0xFFFFFFF0] =	vst v9  }
0x2e: {  	v61 =	vld [tilespmem:s15+$0x20];
	[tilespmem:s16+$0x10] =	vst v8;
	v7 =	vmul.u32 $0x2800, v7;
	s26 =	sadd.s32 $0x40, s17  }
0x2f: {  	[tilespmem:s16+$0xFFFFFFE0] =	vst v3;
	s28 =	sadd.s32 $0x50, s16;
	v62 =	vld [tilespmem:s13+$0xFFFFFFF0];
	v6 =	vmul.u32 $0x2800, v6;
	v11 =	vor.u32 s26, v0  }
0x30: {  	v1 =	vadd.s32 v1, v7;
	v3 =	vmul.u32 $0x2800, v5;
	[tilespmem:s28+$0x20] =	vst v11  }
0x31: {  	v63 =	vld [tilespmem:s15+$0xFFFFFFF0];
	[tilespmem:s13+$0xFFFFFFE0] =	vst v1;
	v1 =	vadd.s32 v2, v6;
	v2 =	vmul.u32 $0x2800, v4  }
0x32: {  	[tilespmem:s13+$0x0] =	vst v1;
	v1 =	vadd.s32 v10, v3  }
0x33: {  	s29 =	sadd.s32 $0x10, s17;
	[tilespmem:s13+$0x10] =	vst v1;
	v1 =	vadd.s32 v61, v2  }
0x34: {  	s30 =	sadd.s32 $0x20, s17;
	v2 =	vor.u32 s29, v0;
	v3 =	vmul.u32 $0x2800, v62;
	[tilespmem:s13+$0x20] =	vst v1  }
0x35: {  	v1 =	vor.u32 s30, v0;
	[tilespmem:s28+$0xFFFFFFF0] =	vst v2  }
0x36: {  	s31 =	sadd.s32 $0x30, s17;
	v2 =	vadd.s32 v63, v3;
	[tilespmem:s28+$0x0] =	vst v1  }
0x37: {  	s12 =	sadd.s32 $0x1, s12;
	v1 =	vor.u32 s31, v0;
	[tilespmem:s13+$0xFFFFFFF0] =	vst v2  }
0x38: {  	p0 =	sne.s32 s12, s6;
	v2 =	vor.u32 s17, v0;
	[tilespmem:s28+$0x10] =	vst v1  }
.Ltmp1:
0x39: {  	[tilespmem:s28+$0xFFFFFFE0] =	vst v2;
	(pc) =	sbr.rel @p0 .LBB2_1-.Ltmp1, $4  }
0x3a: {  	[hbm4b:s3+s10] =	stream.indirect.scatter [tilespmem:s11], [sflag:$0x1], $0x1, s9, s10, $0xb8;
	[tilespmem:$0x7680] =	vst v63  }
0x3b: {  	_ =	swait.ge [sflag:s8], $0x2710  }
0x3c: {  	[sflag:s8] =	ssyncset.done $0x0  }
0x3d: {  	[sflag:s8] =	ssyncadd.s32 $0xFFFFD8F0  }
0x3e: {  	_ =	sfence.sel $0x180000  }
0x3f: {  	[bflag:$0x0] =	sbarrier.arrive $0xFFFF  }
0x40: {  	p0 =	sne.s32 s0, $0x0;
	_ =	strace $0x90000047  }
0x41: {  	s0 =	sadd.s32 @!p0 $0x100000, s1;
	[bflag:$0x2] =	sbarrier.arrive $0xFFFF  }
0x42: {  	[sflag:s0] =	ssyncadd.tile.s32 @!p0 $0x1;
	_ =	shalt  }
.Lfunc_end2:
_tile_overlayer_lowered:
.L_overlay_start_2:
0x43: {  	(tag) =	ssettag $0x2  }
0x44: {  	s0 =	rddreg [dreg:$0x0];
	s2 =	stileid.u32  }
0x45: {  	s1 =	rddreg [dreg:$0x1];
	p0 =	sne.s32 s2, $0x0  }
0x46: {  	s3 =	rddreg [dreg:$0x2];
	[bflag:$0x3] =	sbarrier.arrive $0xFFFF;
	s2 =	simm.s32 @!p0 $0x1C01  }
0x47: {  	[timem:s3], [sflag:s2] =	dma.local @!p0 [hbm:s0], s1  }
0x48: {  	s0 =	simm.s32 @!p0 $0x1  }
0x49: {  	_ =	swait.ge @!p0 [sflag:s0], s1  }
0x4a: {  	s1 =	ssub.s32 @!p0 $0x0, s1;
	[sflag:s0] =	ssyncset.done @!p0 $0x0  }
0x4b: {  	[sflag:s0] =	ssyncadd.s32 @!p0 s1  }
0x4c: {  	[bflag:$0x3] =	sbarrier.arrive $0xFFFF  }
0x4d: {  	_ =	shalt  }

// kernel: kernel.16.cloned.1.call-start
scs
__scs_entry_jumppad:
0x0: {  	(pc) =	sbr.rel $0x88, $3  }
0x1: {  	(tag) =	ssettag $0x0;
	lr =	simm.s32 $0x1  }
0x2: {  	[smem:$0x3F96] =	sst lr;
	_ =	strace $0xD0000000  }
0x3: {  	_ = 	snop  }
0x4: {  	_ = 	snop  }
0x5: {  	_ = 	snop  }
0x6: {  	_ = 	snop  }
0x7: {  	_ = 	snop  }
__scs_overlays_trampoline_lowered:
0x8: {  	[smem:$0x3FA5] =	sst s0  }
0x9: {  	[smem:$0x3FA6] =	sst s1  }
0xa: {  	[smem:$0x3FA7] =	sst s2  }
0xb: {  	[smem:$0x3FA8] =	sst s3  }
0xc: {  	[smem:$0x3FA9] =	sst s4  }
0xd: {  	[smem:$0x3FAA] =	sst s5  }
0xe: {  	[smem:$0x3FAB] =	sst s6  }
0xf: {  	[smem:$0x3FAC] =	sst s7  }
0x10: {  	[smem:$0x3FAD] =	sst s8  }
0x11: {  	[smem:$0x3FAE] =	sst s9;
	s0 =	simm.s32 @!p0 $0x0  }
0x12: {  	s1 =	sld [smem:$0x3F94];
	s0 =	simm.s32 @p0 $0x1  }
0x13: {  	[smem:$0x3FAF] =	sst s0;
	s0 =	simm.s32 @!p1 $0x0  }
0x14: {  	s2 =	sld [smem:$0x3F93];
	s0 =	simm.s32 @p1 $0x1  }
0x15: {  	[smem:$0x3FB0] =	sst s0;
	s0 =	simm.s32 @!p2 $0x0  }
0x16: {  	s3 =	sld [smem:$0x3FDB];
	s0 =	simm.s32 @p2 $0x1  }
0x17: {  	s4 =	simm.s32 $0x1BF5;
	[smem:$0x3FB2] =	sst s0  }
0x18: {  	s0 =	sld [smem:$0x3F95];
	_ =	swait.ge [sflag:s4], $0x0  }
0x19: {  	s7 =	sld [smem:$0x3F96]  }
0x1a: {  	s8 =	sadd.s32 $0xFFFFE003, lr  }
0x1b: {  	s9 =	sadd.s32 $0xFFFFFEF7, lr;
	s5 =	simm.s32 $0xFFFFFFFF;
	p2 =	slt.u32 s8, $0xFFFFF086  }
0x1c: {  	p1 =	slt.u32 s9, $0xF7A;
	s5 =	simm.s32 @!p2 $0x0  }
0x1d: {  	s5 =	simm.s32 @p1 $0x1;
	p0 =	seq.s32 s7, s2  }
0x1e: {  	s7 =	smul.u32 @!p0 $0xF7A, s2;
	p2 =	seq.s32 @!p0 s5, $0x0  }
0x1f: {  	s9 =	smul.u32 $0xF7A, s1;
	s8 =	simm.s32 @!p0 $0x1BF5;
	p2 =	por !p2, p0  }
0x20: {  	[sflag:s8] =	ssyncset.s32 @!p0 $0xFFFFF086;
	s6 =	sadd.s32 @!p0 s3, s7;
	s7 =	simm.s32 @!p0 $0x108  }
0x21: {  	s3 =	sadd.s32 s3, s9;
	s6 =	sadd.s32 @!p0 $0x88, s6;
	s7 =	simm.s32 @p2 $0x1082  }
0x22: {  	[simem:s7], [sflag:s8] =	dma.local @!p0 [hbm:s6], $0xF7A  }
0x23: {  	s9 =	sor.u32 $0xD0000000, s2;
	s6 =	simm.s32 $0x108;
	_ =	swait.ge @!p0 [sflag:s8], $0x0  }
0x24: {  	s3 =	sadd.s32 $0x88, s3;
	s6 =	simm.s32 @!p1 $0x1082;
	[sflag:s4] =	ssyncset.s32 $0xFFFFF086  }
0x25: {  	[simem:s6], [sflag:s4] =	dma.local [hbm:s3], $0xF7A  }
0x26: {  	[smem:$0x3F96] =	sst s1;
	(tag) =	ssettag s2;
	_ =	strace s9  }
0x27: {  	s1 =	sld [smem:$0x3FA6]  }
0x28: {  	s2 =	sld [smem:$0x3FA7]  }
0x29: {  	s4 =	sld [smem:$0x3FA9]  }
0x2a: {  	p0 =	seq.s32 s5, $0x0;
	s5 =	sld [smem:$0x3FAA]  }
0x2b: {  	s6 =	sld [smem:$0x3FAB]  }
0x2c: {  	s7 =	sld [smem:$0x3FAC]  }
0x2d: {  	s3 =	simm.s32 $0x108;
	s8 =	sld [smem:$0x3FAD]  }
0x2e: {  	s3 =	simm.s32 @!p0 $0x1082;
	s9 =	sld [smem:$0x3FAE]  }
0x2f: {  	lr =	sadd.s32 s0, s3;
	s0 =	sld [smem:$0x3FA5]  }
0x30: {  	s3 =	sld [smem:$0x3FA8]  }
0x31: {  	[smem:$0x3FB1] =	sst s10  }
0x32: {  	s10 =	sld [smem:$0x3FAF];
	_ =	sdelay $0x3  }
0x33: {  	p0 =	seq.s32 s10, $0x1;
	s10 =	sld [smem:$0x3FB1];
	_ =	sdelay $0x3  }
0x34: {  	[smem:$0x3FB1] =	sst s10  }
0x35: {  	s10 =	sld [smem:$0x3FB0];
	_ =	sdelay $0x3  }
0x36: {  	p1 =	seq.s32 s10, $0x1;
	s10 =	sld [smem:$0x3FB1];
	_ =	sdelay $0x3  }
0x37: {  	[smem:$0x3FB1] =	sst s10  }
0x38: {  	s10 =	sld [smem:$0x3FB2]  }
0x39: {  	_ = 	snop;
	(pc) =	sbr.ind lr, $3  }
0x3a: {  	_ = 	snop  }
0x3b: {  	_ = 	snop  }
0x3c: {  	p2 =	seq.s32 s10, $0x1;
	s10 =	sld [smem:$0x3FB1]  }
0x3d: {  	_ =	shalt  }
0x3e: {  	_ =	shalt  }
0x3f: {  	_ =	shalt  }
0x40: {  	_ =	shalt  }
0x41: {  	_ =	shalt  }
0x42: {  	_ =	shalt  }
0x43: {  	_ =	shalt  }
0x44: {  	_ =	shalt  }
0x45: {  	_ =	shalt  }
0x46: {  	_ =	shalt  }
0x47: {  	_ =	shalt  }
0x48: {  	_ =	shalt  }
0x49: {  	_ =	shalt  }
0x4a: {  	_ =	shalt  }
0x4b: {  	_ =	shalt  }
0x4c: {  	_ =	shalt  }
0x4d: {  	_ =	shalt  }
0x4e: {  	_ =	shalt  }
0x4f: {  	_ =	shalt  }
0x50: {  	_ =	shalt  }
0x51: {  	_ =	shalt  }
0x52: {  	_ =	shalt  }
0x53: {  	_ =	shalt  }
0x54: {  	_ =	shalt  }
0x55: {  	_ =	shalt  }
0x56: {  	_ =	shalt  }
0x57: {  	_ =	shalt  }
0x58: {  	_ =	shalt  }
0x59: {  	_ =	shalt  }
0x5a: {  	_ =	shalt  }
0x5b: {  	_ =	shalt  }
0x5c: {  	_ =	shalt  }
0x5d: {  	_ =	shalt  }
0x5e: {  	_ =	shalt  }
0x5f: {  	_ =	shalt  }
0x60: {  	_ =	shalt  }
0x61: {  	_ =	shalt  }
0x62: {  	_ =	shalt  }
0x63: {  	_ =	shalt  }
0x64: {  	_ =	shalt  }
0x65: {  	_ =	shalt  }
0x66: {  	_ =	shalt  }
0x67: {  	_ =	shalt  }
0x68: {  	_ =	shalt  }
0x69: {  	_ =	shalt  }
0x6a: {  	_ =	shalt  }
0x6b: {  	_ =	shalt  }
0x6c: {  	_ =	shalt  }
0x6d: {  	_ =	shalt  }
0x6e: {  	_ =	shalt  }
0x6f: {  	_ =	shalt  }
0x70: {  	_ =	shalt  }
0x71: {  	_ =	shalt  }
0x72: {  	_ =	shalt  }
0x73: {  	_ =	shalt  }
0x74: {  	_ =	shalt  }
0x75: {  	_ =	shalt  }
0x76: {  	_ =	shalt  }
0x77: {  	_ =	shalt  }
0x78: {  	_ =	shalt  }
0x79: {  	_ =	shalt  }
0x7a: {  	_ =	shalt  }
0x7b: {  	_ =	shalt  }
0x7c: {  	_ =	shalt  }
0x7d: {  	_ =	shalt  }
0x7e: {  	_ =	shalt  }
0x7f: {  	_ =	shalt  }
0x80: {  	_ =	shalt  }
0x81: {  	_ =	shalt  }
0x82: {  	_ =	shalt  }
0x83: {  	_ =	shalt  }
0x84: {  	_ =	shalt  }
0x85: {  	_ =	shalt  }
0x86: {  	_ =	shalt  }
0x87: {  	_ =	shalt  }
.Lfunc_end0:
.L_simem_size_0:
called_computation.1_lowered:
.L_overlay_start_0:
0x88: {  	s2 =	sld [smem:$0x3FD9]  }
0x89: {  	s3 =	sld [smem:$0x3FFE];
	_ =	sdelay $0x1  }
0x8a: {  	s1 =	srdreg.scid  }
0x8b: {  	s0 =	sand.u32 $0x1, s1  }
0x8c: {  	s17 =	sshll.u32 s0, $0xA;
	s2 =	sadd.s32 s3, s2  }
0x8d: {  	s2 =	sadd.s32 s2, s17  }
0x8e: {  	[smem:$0x3FBD] =	sst s2  }
0x8f: {  	_ = 	snop  }
0x90: {  	s2 =	sld [smem:$0x3FD0];
	(tm) =	ssettm $0x1  }
0x91: {  	s18 =	sld [smem:$0x3FFB];
	_ =	sdelay $0x3  }
0x92: {  	_ =	strace s18  }
0x93: {  	s3 =	sld [smem:$0x3FFC];
	_ =	sdelay $0x3  }
0x94: {  	_ =	strace s3  }
0x95: {  	s3 =	sld [smem:$0x3FFD];
	_ =	sdelay $0x3  }
0x96: {  	_ =	strace s3  }
0x97: {  	_ =	strace $0x8FFFFFFF  }
0x98: {  	s19 =	sld [smem:$0x3FDB];
	_ =	sdelay $0x1  }
0x99: {  	s4 =	simm.s32 $_scs_section_size  }
0x9a: {  	s5 =	simm.s32 $_size__tile_overlayer_lowered;
	s6 =	simm.s32 $_tile_overlayer_lowered  }
0x9b: {  	s22 =	simm.s32 $0x1BFF;
	s21 =	sshll.u32 s6, $0x1;
	s3 =	sadd.s32 s4, s19  }
0x9c: {  	s7 =	simm.s32 $0x0;
	s20 =	sshll.u32 s5, $0x1;
	s5 =	sadd.s32 s21, s3  }
0x9d: {  	[timem:s7], [sflag:s22] =	dma.local [hbm:s5], s20  }
0x9e: {  	_ =	swait.ge [sflag:s22], s20  }
0x9f: {  	s4 =	ssub.s32 $0x0, s20;
	[sflag:s22] =	ssyncset.done $0x0  }
0xa0: {  	[sflag:s22] =	ssyncadd.s32 s4;
	_ =	sdelay $0x1  }
0xa1: {  	s23 =	simm.s32 $0x1B8B  }
0xa2: {  	_ =	swait.ge [sflag:s23], $0x1  }
0xa3: {  	[sflag:s23] =	ssyncset.done $0x0  }
0xa4: {  	s25 =	simm.s32 $0x1B8E;
	s24 =	sld [smem:$0x3FFE];
	[sflag:s23] =	ssyncadd.s32 $0xFFFFFFFF  }
0xa5: {  	s26 =	simm.s32 $execute0_lowered;
	[smem:$0x3FD2] =	sst s25  }
0xa6: {  	s5 =	sshll.u32 s26, $0x1;
	_ =	strace $0x80000049;
	[dreg:$0x1] =	wrdreg $0xFFFFFFFF  }
0xa7: {  	s28 =	simm.s32 $_size_execute0_lowered;
	s3 =	sadd.s32 s3, s5;
	[dreg:$0x0] =	wrdreg $0x0  }
0xa8: {  	s5 =	sshll.u32 s28, $0x1;
	[dreg:$0x2] =	wrdreg s3  }
0xa9: {  	[dreg:$0x3] =	wrdreg s5  }
0xaa: {  	[dreg:$0x4] =	wrdreg $0xC0  }
0xab: {  	_ =	task [dreg:s7], $0x5FFFF  }
0xac: {  	[dreg:$0x1] =	wrdreg $0xFFFFFFFF  }
0xad: {  	[dreg:$0x0] =	wrdreg $0x60  }
0xae: {  	[dreg:$0x2] =	wrdreg s24  }
0xaf: {  	[dreg:$0x3] =	wrdreg s2  }
0xb0: {  	[dreg:$0x4] =	wrdreg $0x0  }
0xb1: {  	[dreg:$0x5] =	wrdreg $0x50000  }
0xb2: {  	[dreg:$0x6] =	wrdreg $0x9  }
0xb3: {  	_ =	task.clear_ibuf [dreg:s7], $0x7FFFF;
	_ =	strace $0x90000049  }
0xb4: {  	s29 =	simm.s32 $0x9;
	_ =	strace $0x8000004B  }
0xb5: {  	_ =	swait.ge [sflag:s29], $0x1  }
0xb6: {  	[sflag:s29] =	ssyncadd.s32 $0xFFFFFFFF  }
0xb7: {  	_ =	strace $0x9000004B  }
0xb8: {  	_ =	sfence  }
0xb9: {  	s30 =	sld [smem:$0x0];
	_ =	sdelay $0x2  }
0xba: {  	s31 =	sshll.u32 s1, $0xD;
	s1 =	sshrl.u32 s1, $0x2  }
0xbb: {  	s3 =	sand.u32 $0x4000, s31;
	s1 =	sadd.s32 s1, s30  }
0xbc: {  	s0 =	sor.u32 s3, s0;
	s1 =	sshll.u32 s1, $0x11  }
0xbd: {  	s0 =	sor.u32 s1, s0  }
0xbe: {  	s0 =	sadd.s32 $0x8F2B, s0  }
0xbf: {  	[sflag:s0] =	ssyncadd.remote.s32 $0x1  }
0xc0: {  	_ =	sfence.sel $0xFFFF  }
0xc1: {  	[dreg:$0x0] =	wrdreg $0xFFFFFFFF;
	(pc) =	sbr.abs _section_cstart, $3  }
0xc2: {  	[dreg:$0x1] =	wrdreg $0xFFFFFFFF  }
0xc3: {  	_ =	task.clear_ibuf [dreg:s7], $0x2FFFF;
	_ =	strace $0x9FFFFFFF  }
0xc4: {  	(tm) =	ssettm $0x7FFFFFFF  }
0xc5: {  	_ =	shalt  }
tec
execute0_lowered:
.L_overlay_start_1:
0x0: {  	(tag) =	ssettag $0x1  }
0x1: {  	s6 =	rddreg [dreg:$0x0]  }
0x2: {  	s18 =	rddreg [dreg:$0x1]  }
0x3: {  	s2 =	rddreg [dreg:$0x2];
	s1 =	srdreg.scid  }
0x4: {  	s0 =	stileid.u32;
	s3 =	rddreg [dreg:$0x3];
	s4 =	simm.s32 $0x0  }
0x5: {  	s21 =	simm.s32 $0x1;
	s22 =	simm.s32 $0x7A20;
	s23 =	simm.s32 $0x2710  }
0x6: {  	s24 =	simm.s32 $0xA1A0;
	s25 =	simm.s32 $0xF0A0;
	s9 =	smul.u32 $0x5000, s0  }
0x7: {  	s10 =	sand.u32 $0x1, s1;
	s1 =	rddreg [dreg:$0x4];
	s14 =	smul.u32 $0xA80, s0  }
0x8: {  	s28 =	simm.s32 $0x0;
	[smem:$0x7FF] =	sst s4;
	s17 =	smul.u32 $0x280, s0  }
0x9: {  	s8 =	sadd.s32 $0x3A00, s6;
	s12 =	sadd.s32 $0xCAB400, s6;
	s5 =	smul.u32 $0x50000, s10  }
0xa: {  	s7 =	sshll.u32 s10, $0x4;
	_ =	strace $0x8000004A;
	s26 =	ssub.s32 $0x2, s10  }
0xb: {  	s15 =	smul.u32 $0x2800, s10;
	s7 =	sor.u32 s0, s7;
	s29 =	sshrl.u32 s26, $0x1  }
0xc: {  	s31 =	sshrl.u32 s14, $0x2;
	s5 =	sadd.s32 s9, s5;
	s7 =	smul.u32 $0x2710, s7  }
0xd: {  	s19 =	ssub.s32 s26, s29;
	s9 =	sadd.s32 s9, s2;
	s20 =	sadd.s32 s17, s15  }
0xe: {  	s17 =	sadd.s32 s17, s3;
	s26 =	simm.s32 $0xC920;
	s11 =	sshrl.u32 s5, $0x3  }
0xf: {  	s5 =	sadd.s32 $0x17400, s6;
	s20 =	sshrl.u32 s20, $0x3;
	s19 =	smax.u32 s19, $0x1  }
0x10: {  	s16 =	sadd.s32 s11, s6;
	s13 =	sshrl.u32 s7, $0x3;
	s11 =	sadd.s32 $0x2000, s9  }
0x11: {  	s18 =	sadd.s32 s18, s20;
	s20 =	simm.s32 $0x52A0;
	s30 =	sadd.s32 $0x9C40, s13  }
0x12: {  	s6 =	sadd.s32 s8, s13;
	s14 =	sadd.s32 $0xC97400, s16;
	s15 =	sadd.s32 $0xC97800, s16  }
0x13: {  	s16 =	sadd.s32 $0xC97C00, s16;
	s7 =	sadd.s32 s8, s30;
	s8 =	sadd.s32 s12, s13  }
0x14: {  	v0 =	vimm.f32 $0.0e+00;
	v1 =	vimm.f32 $1.000000000e+00;
	s10 =	sadd.s32 s12, s30;
	s12 =	sadd.s32 $0x4000, s9;
	s13 =	sadd.s32 s31, s3  }
.LBB2_1:
0x15: {  	s29 =	simm.s32 $0x0  }
.LBB2_2:
0x16: {  	p0 =	sne.s32 s29, $0x7F00  }
.Ltmp0:
0x17: {  	s30 =	sshra.s32 s29, $0x2;
	(pc) =	sbr.rel @p0 .LBB2_2-.Ltmp0, $4  }
0x18: {  	[tilespmem:s30+$0xF0A0] =	vst v0  }
0x19: {  	[tilespmem:s30+$0xF0B0] =	vst v0  }
0x1a: {  	[tilespmem:s30+$0xF0C0] =	vst v0  }
0x1b: {  	s29 =	sadd.s32 $0x100, s29;
	[tilespmem:s30+$0xF0D0] =	vst v0  }
0x1c: {  	s30 =	simm.s32 $0x140;
	s29 =	simm.s32 $0x0  }
.LBB2_4:
0x1d: {  	p0 =	sne.s32 s30, $0x9B00;
	[tilespmem:s29+$0xC960] =	vst v1;
	s31 =	smov.u32 s30;
	s30 =	sadd.s32 $0x140, s30  }
.Ltmp1:
0x1e: {  	[tilespmem:s29+$0xC950] =	vst v1;
	(pc) =	sbr.rel @p0 .LBB2_4-.Ltmp1, $4  }
0x1f: {  	[tilespmem:s29+$0xC940] =	vst v1  }
0x20: {  	[tilespmem:s29+$0xC920] =	vst v1  }
0x21: {  	[tilespmem:s29+$0xC930] =	vst v1  }
0x22: {  	s29 =	sshra.s32 s31, $0x2  }
0x23: {  	[tilespmem:s29+$0xC960] =	vst v1  }
0x24: {  	[tilespmem:s29+$0xC950] =	vst v1  }
0x25: {  	[tilespmem:s29+$0xC940] =	vst v1  }
0x26: {  	[tilespmem:s29+$0xC920] =	vst v1  }
0x27: {  	[tilespmem:s29+$0xC930] =	vst v1;
	s29 =	simm.s32 $0x0  }
0x28: {  	[tilespmem:s20], [sflag:$0x1] =	stream.linear.gather [hbm4b:s6+s29], $0x2710, $0x38;
	[tilespmem:$0x110A0] =	vst v63  }
0x29: {  	_ =	swait.ge [sflag:s21], $0x2710  }
0x2a: {  	[sflag:s21] =	ssyncset.done $0x0  }
0x2b: {  	[sflag:s21] =	ssyncadd.s32 $0xFFFFD8F0  }
0x2c: {  	[tilespmem:s22], [sflag:$0x1] =	stream.linear.gather [hbm4b:s7+s29], $0x2710, $0x38;
	[tilespmem:$0x110A0] =	vst v63  }
0x2d: {  	_ =	swait.ge [sflag:s21], $0x2710  }
0x2e: {  	[sflag:s21] =	ssyncset.done $0x0  }
0x2f: {  	s29 =	simm.s32 $0x0;
	[sflag:s21] =	ssyncadd.s32 $0xFFFFD8F0  }
0x30: {  	v6 =	vld [tilespmem:s29+$0x7A20]  }
0x31: {  	v5 =	vld [tilespmem:s29+$0x7A30]  }
0x32: {  	v4 =	vld [tilespmem:s29+$0x7A40]  }
0x33: {  	v3 =	vld [tilespmem:s29+$0x7A50]  }
0x34: {  	v2 =	vld [tilespmem:s29+$0x7A60]  }
0x35: {  	v8 =	vld [tilespmem:s29+$0x52A0]  }
0x36: {  	s30 =	simm.s32 $0x140;
	v7 =	vld [tilespmem:s29+$0x52B0]  }
.LBB2_6:
0x37: {  	p0 =	sne.s32 s30, $0x9B00;
	v9 =	vld [tilespmem:s29+$0x52C0]  }
0x38: {  	v10 =	vmul.u32 $0x2800, v6;
	v11 =	vld [tilespmem:s29+$0x52D0]  }
0x39: {  	s31 =	sshra.s32 s30, $0x2;
	v12 =	vmul.u32 $0x2800, v5;
	v13 =	vld [tilespmem:s29+$0x52E0]  }
0x3a: {  	v6 =	vld [tilespmem:s31+$0x7A20];
	v8 =	vadd.s32 v8, v10;
	v10 =	vmul.u32 $0x2800, v4  }
0x3b: {  	v5 =	vld [tilespmem:s31+$0x7A30];
	[tilespmem:s29+$0x52A0] =	vst v8;
	v7 =	vadd.s32 v7, v12;
	v8 =	vmul.u32 $0x2800, v3  }
.Ltmp2:
0x3c: {  	v4 =	vld [tilespmem:s31+$0x7A40];
	[tilespmem:s29+$0x52B0] =	vst v7;
	v7 =	vadd.s32 v9, v10;
	v9 =	vmul.u32 $0x2800, v2;
	(pc) =	sbr.rel @p0 .LBB2_6-.Ltmp2, $4  }
0x3d: {  	v3 =	vld [tilespmem:s31+$0x7A50];
	[tilespmem:s29+$0x52C0] =	vst v7;
	v7 =	vadd.s32 v11, v8  }
0x3e: {  	v2 =	vld [tilespmem:s31+$0x7A60];
	[tilespmem:s29+$0x52D0] =	vst v7;
	v7 =	vadd.s32 v13, v9  }
0x3f: {  	v8 =	vld [tilespmem:s31+$0x52A0];
	[tilespmem:s29+$0x52E0] =	vst v7;
	s29 =	smov.u32 s31  }
0x40: {  	s30 =	sadd.s32 $0x140, s30;
	v7 =	vld [tilespmem:s29+$0x52B0]  }
0x41: {  	v9 =	vld [tilespmem:s29+$0x52C0]  }
0x42: {  	v6 =	vmul.u32 $0x2800, v6;
	v10 =	vld [tilespmem:s29+$0x52D0]  }
0x43: {  	v5 =	vmul.u32 $0x2800, v5;
	v11 =	vld [tilespmem:s29+$0x52E0]  }
0x44: {  	v4 =	vmul.u32 $0x2800, v4;
	v6 =	vadd.s32 v8, v6  }
0x45: {  	v3 =	vmul.u32 $0x2800, v3;
	[tilespmem:s29+$0x52A0] =	vst v6;
	v5 =	vadd.s32 v7, v5  }
0x46: {  	v2 =	vmul.u32 $0x2800, v2;
	[tilespmem:s29+$0x52B0] =	vst v5;
	v4 =	vadd.s32 v9, v4  }
0x47: {  	v3 =	vadd.s32 v10, v3;
	[tilespmem:s29+$0x52C0] =	vst v4  }
0x48: {  	v2 =	vadd.s32 v11, v2;
	[tilespmem:s29+$0x52D0] =	vst v3  }
0x49: {  	[tilespmem:s29+$0x52E0] =	vst v2  }
0x4a: {  	[tilespmem:s24], [sflag:$0x1] =	stream.indirect.gather [hbm4b:s5+s23], $0x1, s20, s23, $0xb8;
	[tilespmem:$0x110A0] =	vst v63  }
0x4b: {  	_ =	swait.ge [sflag:s21], $0x2710  }
0x4c: {  	[sflag:s21] =	ssyncset.done $0x0  }
0x4d: {  	[sflag:s21] =	ssyncadd.s32 $0xFFFFD8F0  }
0x4e: {  	[hbm4b:s8+s4] =	stream.linear.scatter [tilespmem:s24], [sflag:$0x1], $0x2710, $0x38;
	[tilespmem:$0x110A0] =	vst v63  }
0x4f: {  	_ =	swait.ge [sflag:s21], $0x2710  }
0x50: {  	[sflag:s21] =	ssyncset.done $0x0  }
0x51: {  	[sflag:s21] =	ssyncadd.s32 $0xFFFFD8F0  }
0x52: {  	[hbm4b:s10+s4] =	stream.linear.scatter [tilespmem:s20], [sflag:$0x1], $0x2710, $0x38;
	[tilespmem:$0x110A0] =	vst v63  }
0x53: {  	_ =	swait.ge [sflag:s21], $0x2710  }
0x54: {  	[sflag:s21] =	ssyncset.done $0x0  }
0x55: {  	[sflag:s21] =	ssyncadd.s32 $0xFFFFD8F0  }
0x56: {  	[spmem:s9] =	stream.linear.scatter [tilespmem:s25], [sflag:$0x1], $0x2000, $0x38;
	[tilespmem:$0x110A0] =	vst v63  }
0x57: {  	_ =	swait.ge [sflag:s21], $0x2000  }
0x58: {  	[sflag:s21] =	ssyncset.done $0x0  }
0x59: {  	[sflag:s21] =	ssyncadd.s32 $0xFFFFE000  }
0x5a: {  	[spmem:s11] =	stream.linear.scatter [tilespmem:s25], [sflag:$0x1], $0x2000, $0x38;
	[tilespmem:$0x110A0] =	vst v63  }
0x5b: {  	_ =	swait.ge [sflag:s21], $0x2000  }
0x5c: {  	[sflag:s21] =	ssyncset.done $0x0  }
0x5d: {  	[sflag:s21] =	ssyncadd.s32 $0xFFFFE000  }
0x5e: {  	[spmem:s12] =	stream.linear.scatter [tilespmem:s25], [sflag:$0x1], $0x1000, $0x38;
	[tilespmem:$0x110A0] =	vst v63  }
0x5f: {  	_ =	swait.ge [sflag:s21], $0x1000  }
0x60: {  	[sflag:s21] =	ssyncset.done $0x0  }
0x61: {  	[sflag:s21] =	ssyncadd.s32 $0xFFFFF000  }
0x62: {  	[spmem:s13] =	stream.linear.scatter [tilespmem:s25], [sflag:$0x1], $0x2A0, $0x38;
	[tilespmem:$0x110A0] =	vst v63  }
0x63: {  	_ =	swait.ge [sflag:s21], $0x2A0  }
0x64: {  	[sflag:s21] =	ssyncset.done $0x0  }
0x65: {  	[sflag:s21] =	ssyncadd.s32 $0xFFFFFD60  }
0x66: {  	[bflag:$0x0] =	sbarrier.arrive $0xFFFF  }
0x67: {  	[spmem:s2] =	stream.indirect.scatter.add.f32 [tilespmem:s26], [sflag:$0x1], $0x1, s24, s23, $0xb8;
	[tilespmem:$0x110A0] =	vst v63  }
0x68: {  	_ =	swait.ge [sflag:s21], $0x2710  }
0x69: {  	[sflag:s21] =	ssyncset.done $0x0  }
0x6a: {  	[sflag:s21] =	ssyncadd.s32 $0xFFFFD8F0  }
0x6b: {  	[spmem:s3] =	stream.indirect.scatter.add.f32 [tilespmem:s26], [sflag:$0x1], $0x1, s22, s23, $0xb8;
	[tilespmem:$0x110A0] =	vst v63  }
0x6c: {  	_ =	swait.ge [sflag:s21], $0x2710  }
0x6d: {  	[sflag:s21] =	ssyncset.done $0x0  }
0x6e: {  	[sflag:s21] =	ssyncadd.s32 $0xFFFFD8F0  }
0x6f: {  	[bflag:$0x0] =	sbarrier.arrive $0xFFFF  }
0x70: {  	[tilespmem:s25], [sflag:$0x1] =	stream.linear.gather [spmem:s9], $0x2000, $0x38;
	[tilespmem:$0x110A0] =	vst v63  }
0x71: {  	_ =	swait.ge [sflag:s21], $0x2000  }
0x72: {  	[sflag:s21] =	ssyncset.done $0x0  }
0x73: {  	[sflag:s21] =	ssyncadd.s32 $0xFFFFE000  }
0x74: {  	[hbm4b:s14+s4] =	stream.linear.scatter [tilespmem:s25], [sflag:$0x1], $0x2000, $0x38;
	[tilespmem:$0x110A0] =	vst v63  }
0x75: {  	_ =	swait.ge [sflag:s21], $0x2000  }
0x76: {  	[sflag:s21] =	ssyncset.done $0x0  }
0x77: {  	[sflag:s21] =	ssyncadd.s32 $0xFFFFE000  }
0x78: {  	[tilespmem:s25], [sflag:$0x1] =	stream.linear.gather [spmem:s11], $0x2000, $0x38;
	[tilespmem:$0x110A0] =	vst v63  }
0x79: {  	_ =	swait.ge [sflag:s21], $0x2000  }
0x7a: {  	[sflag:s21] =	ssyncset.done $0x0  }
0x7b: {  	[sflag:s21] =	ssyncadd.s32 $0xFFFFE000  }
0x7c: {  	[hbm4b:s15+s4] =	stream.linear.scatter [tilespmem:s25], [sflag:$0x1], $0x2000, $0x38;
	[tilespmem:$0x110A0] =	vst v63  }
0x7d: {  	_ =	swait.ge [sflag:s21], $0x2000  }
0x7e: {  	[sflag:s21] =	ssyncset.done $0x0  }
0x7f: {  	[sflag:s21] =	ssyncadd.s32 $0xFFFFE000  }
0x80: {  	[tilespmem:s25], [sflag:$0x1] =	stream.linear.gather [spmem:s12], $0x1000, $0x38;
	[tilespmem:$0x110A0] =	vst v63  }
0x81: {  	_ =	swait.ge [sflag:s21], $0x1000  }
0x82: {  	[sflag:s21] =	ssyncset.done $0x0  }
0x83: {  	[sflag:s21] =	ssyncadd.s32 $0xFFFFF000  }
0x84: {  	[hbm4b:s16+s4] =	stream.linear.scatter [tilespmem:s25], [sflag:$0x1], $0x1000, $0x38;
	[tilespmem:$0x110A0] =	vst v63  }
0x85: {  	_ =	swait.ge [sflag:s21], $0x1000  }
0x86: {  	[sflag:s21] =	ssyncset.done $0x0  }
0x87: {  	[sflag:s21] =	ssyncadd.s32 $0xFFFFF000  }
0x88: {  	[tilespmem:s25], [sflag:$0x1] =	stream.linear.gather [spmem:s17], $0x280, $0x38;
	[tilespmem:$0x110A0] =	vst v63  }
0x89: {  	s28 =	sadd.s32 $0x1, s28;
	_ =	swait.ge [sflag:s21], $0x280  }
0x8a: {  	p0 =	sne.s32 s28, s19;
	[sflag:s21] =	ssyncset.done $0x0  }
.Ltmp3:
0x8b: {  	[sflag:s21] =	ssyncadd.s32 $0xFFFFFD80;
	(pc) =	sbr.rel @p0 .LBB2_1-.Ltmp3, $4  }
0x8c: {  	[hbm4b:s18+s4] =	stream.linear.scatter [tilespmem:s25], [sflag:$0x1], $0x280, $0x38;
	[tilespmem:$0x110A0] =	vst v63  }
0x8d: {  	_ =	swait.ge [sflag:s21], $0x280  }
0x8e: {  	[sflag:s21] =	ssyncset.done $0x0  }
0x8f: {  	[sflag:s21] =	ssyncadd.s32 $0xFFFFFD80  }
0x90: {  	_ =	sfence.sel $0x180000  }
0x91: {  	[bflag:$0x0] =	sbarrier.arrive $0xFFFF  }
0x92: {  	p0 =	sne.s32 s0, $0x0;
	_ =	strace $0x9000004A  }
0x93: {  	s0 =	sadd.s32 @!p0 $0x100000, s1;
	[bflag:$0x2] =	sbarrier.arrive $0xFFFF  }
0x94: {  	[sflag:s0] =	ssyncadd.tile.s32 @!p0 $0x1;
	_ =	shalt  }
.Lfunc_end2:
_tile_overlayer_lowered:
.L_overlay_start_2:
0x95: {  	(tag) =	ssettag $0x2  }
0x96: {  	s0 =	rddreg [dreg:$0x0];
	s2 =	stileid.u32  }
0x97: {  	s1 =	rddreg [dreg:$0x1];
	p0 =	sne.s32 s2, $0x0  }
0x98: {  	s3 =	rddreg [dreg:$0x2];
	[bflag:$0x3] =	sbarrier.arrive $0xFFFF;
	s2 =	simm.s32 @!p0 $0x1C01  }
0x99: {  	[timem:s3], [sflag:s2] =	dma.local @!p0 [hbm:s0], s1  }
0x9a: {  	s0 =	simm.s32 @!p0 $0x1  }
0x9b: {  	_ =	swait.ge @!p0 [sflag:s0], s1  }
0x9c: {  	s1 =	ssub.s32 @!p0 $0x0, s1;
	[sflag:s0] =	ssyncset.done @!p0 $0x0  }
0x9d: {  	[sflag:s0] =	ssyncadd.s32 @!p0 s1  }
0x9e: {  	[bflag:$0x3] =	sbarrier.arrive $0xFFFF  }
0x9f: {  	_ =	shalt  }

// kernel: kernel.19.cloned.1.call-start
scs
__scs_entry_jumppad:
0x0: {  	(pc) =	sbr.rel $0x88, $3  }
0x1: {  	(tag) =	ssettag $0x0;
	lr =	simm.s32 $0x1  }
0x2: {  	[smem:$0x3F96] =	sst lr;
	_ =	strace $0xD0000000  }
0x3: {  	_ = 	snop  }
0x4: {  	_ = 	snop  }
0x5: {  	_ = 	snop  }
0x6: {  	_ = 	snop  }
0x7: {  	_ = 	snop  }
__scs_overlays_trampoline_lowered:
0x8: {  	[smem:$0x3FA5] =	sst s0  }
0x9: {  	[smem:$0x3FA6] =	sst s1  }
0xa: {  	[smem:$0x3FA7] =	sst s2  }
0xb: {  	[smem:$0x3FA8] =	sst s3  }
0xc: {  	[smem:$0x3FA9] =	sst s4  }
0xd: {  	[smem:$0x3FAA] =	sst s5  }
0xe: {  	[smem:$0x3FAB] =	sst s6  }
0xf: {  	[smem:$0x3FAC] =	sst s7  }
0x10: {  	[smem:$0x3FAD] =	sst s8  }
0x11: {  	[smem:$0x3FAE] =	sst s9;
	s0 =	simm.s32 @!p0 $0x0  }
0x12: {  	s1 =	sld [smem:$0x3F94];
	s0 =	simm.s32 @p0 $0x1  }
0x13: {  	[smem:$0x3FAF] =	sst s0;
	s0 =	simm.s32 @!p1 $0x0  }
0x14: {  	s2 =	sld [smem:$0x3F93];
	s0 =	simm.s32 @p1 $0x1  }
0x15: {  	[smem:$0x3FB0] =	sst s0;
	s0 =	simm.s32 @!p2 $0x0  }
0x16: {  	s3 =	sld [smem:$0x3FDB];
	s0 =	simm.s32 @p2 $0x1  }
0x17: {  	s4 =	simm.s32 $0x1BF5;
	[smem:$0x3FB2] =	sst s0  }
0x18: {  	s0 =	sld [smem:$0x3F95];
	_ =	swait.ge [sflag:s4], $0x0  }
0x19: {  	s7 =	sld [smem:$0x3F96]  }
0x1a: {  	s8 =	sadd.s32 $0xFFFFE003, lr  }
0x1b: {  	s9 =	sadd.s32 $0xFFFFFEF7, lr;
	s5 =	simm.s32 $0xFFFFFFFF;
	p2 =	slt.u32 s8, $0xFFFFF086  }
0x1c: {  	p1 =	slt.u32 s9, $0xF7A;
	s5 =	simm.s32 @!p2 $0x0  }
0x1d: {  	s5 =	simm.s32 @p1 $0x1;
	p0 =	seq.s32 s7, s2  }
0x1e: {  	s7 =	smul.u32 @!p0 $0xF7A, s2;
	p2 =	seq.s32 @!p0 s5, $0x0  }
0x1f: {  	s9 =	smul.u32 $0xF7A, s1;
	s8 =	simm.s32 @!p0 $0x1BF5;
	p2 =	por !p2, p0  }
0x20: {  	[sflag:s8] =	ssyncset.s32 @!p0 $0xFFFFF086;
	s6 =	sadd.s32 @!p0 s3, s7;
	s7 =	simm.s32 @!p0 $0x108  }
0x21: {  	s3 =	sadd.s32 s3, s9;
	s6 =	sadd.s32 @!p0 $0x88, s6;
	s7 =	simm.s32 @p2 $0x1082  }
0x22: {  	[simem:s7], [sflag:s8] =	dma.local @!p0 [hbm:s6], $0xF7A  }
0x23: {  	s9 =	sor.u32 $0xD0000000, s2;
	s6 =	simm.s32 $0x108;
	_ =	swait.ge @!p0 [sflag:s8], $0x0  }
0x24: {  	s3 =	sadd.s32 $0x88, s3;
	s6 =	simm.s32 @!p1 $0x1082;
	[sflag:s4] =	ssyncset.s32 $0xFFFFF086  }
0x25: {  	[simem:s6], [sflag:s4] =	dma.local [hbm:s3], $0xF7A  }
0x26: {  	[smem:$0x3F96] =	sst s1;
	(tag) =	ssettag s2;
	_ =	strace s9  }
0x27: {  	s1 =	sld [smem:$0x3FA6]  }
0x28: {  	s2 =	sld [smem:$0x3FA7]  }
0x29: {  	s4 =	sld [smem:$0x3FA9]  }
0x2a: {  	p0 =	seq.s32 s5, $0x0;
	s5 =	sld [smem:$0x3FAA]  }
0x2b: {  	s6 =	sld [smem:$0x3FAB]  }
0x2c: {  	s7 =	sld [smem:$0x3FAC]  }
0x2d: {  	s3 =	simm.s32 $0x108;
	s8 =	sld [smem:$0x3FAD]  }
0x2e: {  	s3 =	simm.s32 @!p0 $0x1082;
	s9 =	sld [smem:$0x3FAE]  }
0x2f: {  	lr =	sadd.s32 s0, s3;
	s0 =	sld [smem:$0x3FA5]  }
0x30: {  	s3 =	sld [smem:$0x3FA8]  }
0x31: {  	[smem:$0x3FB1] =	sst s10  }
0x32: {  	s10 =	sld [smem:$0x3FAF];
	_ =	sdelay $0x3  }
0x33: {  	p0 =	seq.s32 s10, $0x1;
	s10 =	sld [smem:$0x3FB1];
	_ =	sdelay $0x3  }
0x34: {  	[smem:$0x3FB1] =	sst s10  }
0x35: {  	s10 =	sld [smem:$0x3FB0];
	_ =	sdelay $0x3  }
0x36: {  	p1 =	seq.s32 s10, $0x1;
	s10 =	sld [smem:$0x3FB1];
	_ =	sdelay $0x3  }
0x37: {  	[smem:$0x3FB1] =	sst s10  }
0x38: {  	s10 =	sld [smem:$0x3FB2]  }
0x39: {  	_ = 	snop;
	(pc) =	sbr.ind lr, $3  }
0x3a: {  	_ = 	snop  }
0x3b: {  	_ = 	snop  }
0x3c: {  	p2 =	seq.s32 s10, $0x1;
	s10 =	sld [smem:$0x3FB1]  }
0x3d: {  	_ =	shalt  }
0x3e: {  	_ =	shalt  }
0x3f: {  	_ =	shalt  }
0x40: {  	_ =	shalt  }
0x41: {  	_ =	shalt  }
0x42: {  	_ =	shalt  }
0x43: {  	_ =	shalt  }
0x44: {  	_ =	shalt  }
0x45: {  	_ =	shalt  }
0x46: {  	_ =	shalt  }
0x47: {  	_ =	shalt  }
0x48: {  	_ =	shalt  }
0x49: {  	_ =	shalt  }
0x4a: {  	_ =	shalt  }
0x4b: {  	_ =	shalt  }
0x4c: {  	_ =	shalt  }
0x4d: {  	_ =	shalt  }
0x4e: {  	_ =	shalt  }
0x4f: {  	_ =	shalt  }
0x50: {  	_ =	shalt  }
0x51: {  	_ =	shalt  }
0x52: {  	_ =	shalt  }
0x53: {  	_ =	shalt  }
0x54: {  	_ =	shalt  }
0x55: {  	_ =	shalt  }
0x56: {  	_ =	shalt  }
0x57: {  	_ =	shalt  }
0x58: {  	_ =	shalt  }
0x59: {  	_ =	shalt  }
0x5a: {  	_ =	shalt  }
0x5b: {  	_ =	shalt  }
0x5c: {  	_ =	shalt  }
0x5d: {  	_ =	shalt  }
0x5e: {  	_ =	shalt  }
0x5f: {  	_ =	shalt  }
0x60: {  	_ =	shalt  }
0x61: {  	_ =	shalt  }
0x62: {  	_ =	shalt  }
0x63: {  	_ =	shalt  }
0x64: {  	_ =	shalt  }
0x65: {  	_ =	shalt  }
0x66: {  	_ =	shalt  }
0x67: {  	_ =	shalt  }
0x68: {  	_ =	shalt  }
0x69: {  	_ =	shalt  }
0x6a: {  	_ =	shalt  }
0x6b: {  	_ =	shalt  }
0x6c: {  	_ =	shalt  }
0x6d: {  	_ =	shalt  }
0x6e: {  	_ =	shalt  }
0x6f: {  	_ =	shalt  }
0x70: {  	_ =	shalt  }
0x71: {  	_ =	shalt  }
0x72: {  	_ =	shalt  }
0x73: {  	_ =	shalt  }
0x74: {  	_ =	shalt  }
0x75: {  	_ =	shalt  }
0x76: {  	_ =	shalt  }
0x77: {  	_ =	shalt  }
0x78: {  	_ =	shalt  }
0x79: {  	_ =	shalt  }
0x7a: {  	_ =	shalt  }
0x7b: {  	_ =	shalt  }
0x7c: {  	_ =	shalt  }
0x7d: {  	_ =	shalt  }
0x7e: {  	_ =	shalt  }
0x7f: {  	_ =	shalt  }
0x80: {  	_ =	shalt  }
0x81: {  	_ =	shalt  }
0x82: {  	_ =	shalt  }
0x83: {  	_ =	shalt  }
0x84: {  	_ =	shalt  }
0x85: {  	_ =	shalt  }
0x86: {  	_ =	shalt  }
0x87: {  	_ =	shalt  }
.Lfunc_end0:
.L_simem_size_0:
called_computation.2_lowered:
.L_overlay_start_0:
0x88: {  	s2 =	sld [smem:$0x3FD9]  }
0x89: {  	s3 =	sld [smem:$0x3FFE];
	_ =	sdelay $0x1  }
0x8a: {  	s1 =	srdreg.scid  }
0x8b: {  	s0 =	sand.u32 $0x1, s1  }
0x8c: {  	s16 =	sshll.u32 s0, $0xA;
	s2 =	sadd.s32 s3, s2  }
0x8d: {  	s2 =	sadd.s32 s2, s16  }
0x8e: {  	[smem:$0x3FBD] =	sst s2  }
0x8f: {  	_ = 	snop  }
0x90: {  	(tm) =	ssettm $0x1  }
0x91: {  	s17 =	sld [smem:$0x3FFB];
	_ =	sdelay $0x3  }
0x92: {  	_ =	strace s17  }
0x93: {  	s2 =	sld [smem:$0x3FFC];
	_ =	sdelay $0x3  }
0x94: {  	_ =	strace s2  }
0x95: {  	s2 =	sld [smem:$0x3FFD];
	_ =	sdelay $0x3  }
0x96: {  	_ =	strace s2  }
0x97: {  	_ =	strace $0x8FFFFFFF  }
0x98: {  	s18 =	sld [smem:$0x3FDB];
	_ =	sdelay $0x1  }
0x99: {  	s19 =	simm.s32 $_scs_section_size  }
0x9a: {  	s4 =	simm.s32 $_size__tile_overlayer_lowered;
	s5 =	simm.s32 $_tile_overlayer_lowered  }
0x9b: {  	s22 =	simm.s32 $0x1BFF;
	s21 =	sshll.u32 s5, $0x1;
	s2 =	sadd.s32 s19, s18  }
0x9c: {  	s6 =	simm.s32 $0x0;
	s20 =	sshll.u32 s4, $0x1;
	s4 =	sadd.s32 s21, s2  }
0x9d: {  	[timem:s6], [sflag:s22] =	dma.local [hbm:s4], s20  }
0x9e: {  	_ =	swait.ge [sflag:s22], s20  }
0x9f: {  	s3 =	ssub.s32 $0x0, s20;
	[sflag:s22] =	ssyncset.done $0x0  }
0xa0: {  	[sflag:s22] =	ssyncadd.s32 s3;
	_ =	sdelay $0x1  }
0xa1: {  	s23 =	simm.s32 $0x1B8B  }
0xa2: {  	_ =	swait.ge [sflag:s23], $0x1  }
0xa3: {  	[sflag:s23] =	ssyncset.done $0x0  }
0xa4: {  	s25 =	simm.s32 $0x1B8E;
	s24 =	sld [smem:$0x3FFE];
	[sflag:s23] =	ssyncadd.s32 $0xFFFFFFFF  }
0xa5: {  	s26 =	simm.s32 $execute0_lowered;
	[smem:$0x3FD2] =	sst s25  }
0xa6: {  	s4 =	sshll.u32 s26, $0x1;
	_ =	strace $0x8000004C;
	[dreg:$0x1] =	wrdreg $0xFFFFFFFF  }
0xa7: {  	s28 =	simm.s32 $_size_execute0_lowered;
	s2 =	sadd.s32 s2, s4;
	[dreg:$0x0] =	wrdreg $0x0  }
0xa8: {  	s4 =	sshll.u32 s28, $0x1;
	[dreg:$0x2] =	wrdreg s2  }
0xa9: {  	[dreg:$0x3] =	wrdreg s4  }
0xaa: {  	[dreg:$0x4] =	wrdreg $0xC0  }
0xab: {  	_ =	task [dreg:s6], $0x5FFFF  }
0xac: {  	[dreg:$0x1] =	wrdreg $0xFFFFFFFF  }
0xad: {  	[dreg:$0x0] =	wrdreg $0x60  }
0xae: {  	[dreg:$0x2] =	wrdreg s24  }
0xaf: {  	[dreg:$0x3] =	wrdreg $0x9  }
0xb0: {  	_ =	task.clear_ibuf [dreg:s6], $0x4FFFF;
	_ =	strace $0x9000004C  }
0xb1: {  	s29 =	simm.s32 $0x9;
	_ =	strace $0x8000004E  }
0xb2: {  	_ =	swait.ge [sflag:s29], $0x1  }
0xb3: {  	[sflag:s29] =	ssyncadd.s32 $0xFFFFFFFF  }
0xb4: {  	_ =	strace $0x9000004E  }
0xb5: {  	_ =	sfence  }
0xb6: {  	s30 =	sld [smem:$0x0];
	_ =	sdelay $0x2  }
0xb7: {  	s31 =	sshll.u32 s1, $0xD;
	s1 =	sshrl.u32 s1, $0x2  }
0xb8: {  	s3 =	sand.u32 $0x4000, s31;
	s1 =	sadd.s32 s1, s30  }
0xb9: {  	s0 =	sor.u32 s3, s0;
	s1 =	sshll.u32 s1, $0x11  }
0xba: {  	s0 =	sor.u32 s1, s0  }
0xbb: {  	s0 =	sadd.s32 $0x8F2B, s0  }
0xbc: {  	[sflag:s0] =	ssyncadd.remote.s32 $0x1  }
0xbd: {  	_ =	sfence.sel $0xFFFF  }
0xbe: {  	[dreg:$0x0] =	wrdreg $0xFFFFFFFF;
	(pc) =	sbr.abs _section_cstart, $3  }
0xbf: {  	[dreg:$0x1] =	wrdreg $0xFFFFFFFF  }
0xc0: {  	_ =	task.clear_ibuf [dreg:s6], $0x2FFFF;
	_ =	strace $0x9FFFFFFF  }
0xc1: {  	(tm) =	ssettm $0x7FFFFFFF  }
tec
execute0_lowered:
.L_overlay_start_1:
0x0: {  	(tag) =	ssettag $0x1  }
0x1: {  	s0 =	srdreg.scid  }
0x2: {  	s3 =	rddreg [dreg:$0x0];
	s2 =	simm.s32 $0x0;
	s11 =	simm.s32 $0x2780  }
0x3: {  	s12 =	simm.s32 $0x4F00;
	s13 =	simm.s32 $0x7680;
	s4 =	sand.u32 $0x1, s0  }
0x4: {  	s14 =	simm.s32 $0x2710;
	s0 =	stileid.u32;
	s1 =	sshll.u32 s4, $0x4  }
0x5: {  	s15 =	simm.s32 $0x0;
	s9 =	smul.u32 $0x27100, s4;
	s1 =	sor.u32 s0, s1  }
0x6: {  	[smem:$0x7FF] =	sst s2;
	s31 =	ssub.s32 $0x2, s4;
	s5 =	smul.u32 $0x2710, s1  }
0x7: {  	s10 =	smul.u32 $0x2710, s0;
	s6 =	sshrl.u32 s31, $0x1;
	s1 =	rddreg [dreg:$0x1]  }
0x8: {  	_ =	strace $0x8000004D;
	s8 =	ssub.s32 s31, s6;
	s5 =	sshrl.u32 s5, $0x3  }
0x9: {  	s9 =	sadd.s32 s10, s9;
	s7 =	sadd.s32 s5, s3;
	s3 =	sadd.s32 $0x3A00, s3  }
0xa: {  	s10 =	simm.s32 $0x1;
	s4 =	sadd.s32 $0xCAB400, s7;
	s5 =	sadd.s32 $0xCB5040, s7  }
0xb: {  	v0 =	vlaneseq.u32;
	s8 =	smax.u32 s8, $0x1;
	s6 =	sadd.s32 $0xC97400, s7;
	s7 =	sadd.s32 $0xCA1400, s7  }
.LBB2_1:
0xc: {  	[tilespmem:s2], [sflag:$0x1] =	stream.linear.gather [hbm4b:s4+s2], $0x2710, $0x38;
	[tilespmem:$0x9E00] =	vst v63  }
0xd: {  	_ =	swait.ge [sflag:s10], $0x2710  }
0xe: {  	[sflag:s10] =	ssyncset.done $0x0  }
0xf: {  	[sflag:s10] =	ssyncadd.s32 $0xFFFFD8F0  }
0x10: {  	[tilespmem:s11], [sflag:$0x1] =	stream.linear.gather [hbm4b:s5+s2], $0x2710, $0x38;
	[tilespmem:$0x9E00] =	vst v63  }
0x11: {  	_ =	swait.ge [sflag:s10], $0x2710  }
0x12: {  	[sflag:s10] =	ssyncset.done $0x0  }
0x13: {  	[sflag:s10] =	ssyncadd.s32 $0xFFFFD8F0  }
0x14: {  	[tilespmem:s12], [sflag:$0x1] =	stream.linear.gather [hbm4b:s6+s2], $0x2710, $0x38;
	[tilespmem:$0x9E00] =	vst v63  }
0x15: {  	_ =	swait.ge [sflag:s10], $0x2710  }
0x16: {  	[sflag:s10] =	ssyncset.done $0x0  }
0x17: {  	[sflag:s10] =	ssyncadd.s32 $0xFFFFD8F0  }
0x18: {  	[tilespmem:s13], [sflag:$0x1] =	stream.linear.gather [hbm4b:s7+s2], $0x2710, $0x38;
	[tilespmem:$0x9E00] =	vst v63  }
0x19: {  	_ =	swait.ge [sflag:s10], $0x2710  }
0x1a: {  	[sflag:s10] =	ssyncset.done $0x0  }
0x1b: {  	s18 =	simm.s32 $0x76A0;
	[sflag:s10] =	ssyncadd.s32 $0xFFFFD8F0  }
0x1c: {  	v5 =	vld [tilespmem:s18+$0xFFFFFFE0]  }
0x1d: {  	v10 =	vld [tilespmem:s18+$0x0]  }
0x1e: {  	v12 =	vld [tilespmem:s18+$0x10]  }
0x1f: {  	s19 =	simm.s32 $0x27A0;
	v4 =	vld [tilespmem:s18+$0x20]  }
0x20: {  	v3 =	vld [tilespmem:s19+$0xFFFFFFE0]  }
0x21: {  	v2 =	vld [tilespmem:s19+$0x0]  }
0x22: {  	s16 =	simm.s32 $0x4F20;
	v1 =	vld [tilespmem:s19+$0x10]  }
0x23: {  	v6 =	vld [tilespmem:s16+$0xFFFFFFE0]  }
0x24: {  	v11 =	vld [tilespmem:s16+$0x0]  }
0x25: {  	v13 =	vld [tilespmem:s16+$0x10]  }
0x26: {  	s17 =	simm.s32 $0x20;
	v9 =	vld [tilespmem:s16+$0x20]  }
0x27: {  	v8 =	vld [tilespmem:s17+$0xFFFFFFE0]  }
0x28: {  	v7 =	vld [tilespmem:s17+$0x0];
	v5 =	vadd.f32 v5, v6  }
0x29: {  	v6 =	vld [tilespmem:s17+$0x10];
	v11 =	vadd.f32 v10, v11  }
0x2a: {  	s21 =	sadd.s32 $0x0, s9;
	s20 =	simm.s32 $0x50;
	v10 =	vadd.f32 v12, v13;
	[tilespmem:s16+$0xFFFFFFE0] =	vst v5;
	v5 =	vld [tilespmem:s17+$0x20]  }
.LBB2_2:
0x2b: {  	p0 =	sne.s32 s20, $0x26C0;
	v12 =	vor.u32 s21, v0;
	s22 =	sadd.s32 $0x10, s21;
	[tilespmem:s16+$0x0] =	vst v11;
	s23 =	sadd.s32 $0x20, s21;
	v4 =	vadd.f32 v4, v9;
	v9 =	vld [tilespmem:s19+$0x20]  }
0x2c: {  	vm0 =	veq.s32 v8, v12;
	v8 =	vld [tilespmem:s17+$0xFFFFFFF0];
	v11 =	vor.u32 s22, v0;
	v12 =	vor.u32 s23, v0;
	[tilespmem:s16+$0x10] =	vst v10;
	s22 =	sadd.s32 $0x30, s21  }
0x2d: {  	s21 =	sadd.s32 $0x40, s21;
	v3 =	vnsel vm0, $0x63FFFFF, v3;
	v10 =	vld [tilespmem:s19+$0xFFFFFFF0];
	vm0 =	veq.s32 v7, v12;
	v7 =	vor.u32 s22, v0;
	[tilespmem:s16+$0x20] =	vst v4  }
0x2e: {  	[tilespmem:s17+$0xFFFFFFE0] =	vst v3;
	v12 =	vld [tilespmem:s16+$0xFFFFFFF0];
	v2 =	vnsel vm0, $0x63FFFFF, v2;
	vm0 =	veq.s32 v6, v7;
	v3 =	vor.u32 s21, v0  }
0x2f: {  	v6 =	vld [tilespmem:s18+$0xFFFFFFF0];
	[tilespmem:s17+$0x0] =	vst v2;
	v1 =	vnsel vm0, $0x63FFFFF, v1;
	vm0 =	veq.s32 v5, v3;
	s18 =	sadd.s32 $0x50, s18  }
0x30: {  	v5 =	vld [tilespmem:s18+$0xFFFFFFE0];
	[tilespmem:s17+$0x10] =	vst v1;
	v1 =	vnsel vm0, $0x63FFFFF, v9  }
0x31: {  	v13 =	vld [tilespmem:s18+$0x0];
	vm0 =	veq.s32 v8, v11;
	[tilespmem:s17+$0x20] =	vst v1  }
0x32: {  	v14 =	vld [tilespmem:s18+$0x10];
	v1 =	vnsel vm0, $0x63FFFFF, v10  }
0x33: {  	s19 =	sadd.s32 $0x50, s19;
	v4 =	vld [tilespmem:s18+$0x20];
	[tilespmem:s17+$0xFFFFFFF0] =	vst v1  }
0x34: {  	v3 =	vld [tilespmem:s19+$0xFFFFFFE0];
	v6 =	vadd.f32 v6, v12  }
0x35: {  	v2 =	vld [tilespmem:s19+$0x0]  }
0x36: {  	v1 =	vld [tilespmem:s19+$0x10];
	[tilespmem:s16+$0xFFFFFFF0] =	vst v6;
	s16 =	sadd.s32 $0x50, s16  }
0x37: {  	v6 =	vld [tilespmem:s16+$0xFFFFFFE0]  }
0x38: {  	v10 =	vld [tilespmem:s16+$0x0]  }
0x39: {  	v12 =	vld [tilespmem:s16+$0x10]  }
.Ltmp0:
0x3a: {  	s17 =	sadd.s32 $0x50, s17;
	v9 =	vld [tilespmem:s16+$0x20];
	(pc) =	sbr.rel @p0 .LBB2_2-.Ltmp0, $4  }
0x3b: {  	v8 =	vld [tilespmem:s17+$0xFFFFFFE0]  }
0x3c: {  	v5 =	vadd.f32 v5, v6;
	v7 =	vld [tilespmem:s17+$0x0]  }
0x3d: {  	v11 =	vadd.f32 v13, v10;
	v6 =	vld [tilespmem:s17+$0x10]  }
0x3e: {  	s21 =	sadd.s32 s20, s9;
	s20 =	sadd.s32 $0x50, s20;
	[tilespmem:s16+$0xFFFFFFE0] =	vst v5;
	v10 =	vadd.f32 v14, v12;
	v5 =	vld [tilespmem:s17+$0x20]  }
0x3f: {  	v56 =	vld [tilespmem:s19+$0x20]  }
0x40: {  	v57 =	vld [tilespmem:s17+$0xFFFFFFF0]  }
0x41: {  	v58 =	vld [tilespmem:s19+$0xFFFFFFF0]  }
0x42: {  	[tilespmem:s16+$0x0] =	vst v11;
	v4 =	vadd.f32 v4, v9;
	v59 =	vor.u32 s21, v0;
	s28 =	sadd.s32 $0x20, s21;
	v12 =	vld [tilespmem:s16+$0xFFFFFFF0]  }
0x43: {  	s29 =	sadd.s32 $0x30, s21;
	v61 =	vld [tilespmem:s18+$0xFFFFFFF0];
	[tilespmem:s16+$0x10] =	vst v10;
	vm0 =	veq.s32 v8, v59;
	v60 =	vor.u32 s28, v0  }
0x44: {  	s30 =	sadd.s32 $0x40, s21;
	v62 =	vor.u32 s29, v0;
	[tilespmem:s16+$0x20] =	vst v4;
	v3 =	vnsel vm0, $0x63FFFFF, v3;
	vm12 =	veq.s32 v7, v60  }
0x45: {  	s31 =	sadd.s32 $0x10, s21;
	[tilespmem:s17+$0xFFFFFFE0] =	vst v3;
	v2 =	vnsel vm12, $0x63FFFFF, v2;
	vm13 =	veq.s32 v6, v62;
	v3 =	vor.u32 s30, v0  }
0x46: {  	v63 =	vor.u32 s31, v0;
	[tilespmem:s17+$0x0] =	vst v2;
	v1 =	vnsel vm13, $0x63FFFFF, v1;
	vm14 =	veq.s32 v5, v3  }
0x47: {  	[tilespmem:s17+$0x10] =	vst v1;
	v1 =	vnsel vm14, $0x63FFFFF, v56;
	vm15 =	veq.s32 v57, v63  }
0x48: {  	s15 =	sadd.s32 $0x1, s15;
	v2 =	vadd.f32 v61, v12;
	[tilespmem:s17+$0x20] =	vst v1;
	v1 =	vnsel vm15, $0x63FFFFF, v58  }
0x49: {  	p0 =	sne.s32 s15, s8;
	[tilespmem:s17+$0xFFFFFFF0] =	vst v1  }
.Ltmp1:
0x4a: {  	[tilespmem:s16+$0xFFFFFFF0] =	vst v2;
	(pc) =	sbr.rel @p0 .LBB2_1-.Ltmp1, $4  }
0x4b: {  	[hbm4b:s3+s14] =	stream.indirect.scatter [tilespmem:s12], [sflag:$0x1], $0x1, s2, s14, $0xb8;
	[tilespmem:$0x9E00] =	vst v63  }
0x4c: {  	_ =	swait.ge [sflag:s10], $0x2710  }
0x4d: {  	[sflag:s10] =	ssyncset.done $0x0  }
0x4e: {  	[sflag:s10] =	ssyncadd.s32 $0xFFFFD8F0  }
0x4f: {  	_ =	sfence.sel $0x180000  }
0x50: {  	[bflag:$0x0] =	sbarrier.arrive $0xFFFF  }
0x51: {  	p0 =	sne.s32 s0, $0x0;
	_ =	strace $0x9000004D  }
0x52: {  	s0 =	sadd.s32 @!p0 $0x100000, s1;
	[bflag:$0x2] =	sbarrier.arrive $0xFFFF  }
0x53: {  	[sflag:s0] =	ssyncadd.tile.s32 @!p0 $0x1;
	_ =	shalt  }
.Lfunc_end2:
_tile_overlayer_lowered:
.L_overlay_start_2:
0x54: {  	(tag) =	ssettag $0x2  }
0x55: {  	s0 =	rddreg [dreg:$0x0];
	s2 =	stileid.u32  }
0x56: {  	s1 =	rddreg [dreg:$0x1];
	p0 =	sne.s32 s2, $0x0  }
0x57: {  	s3 =	rddreg [dreg:$0x2];
	[bflag:$0x3] =	sbarrier.arrive $0xFFFF;
	s2 =	simm.s32 @!p0 $0x1C01  }
0x58: {  	[timem:s3], [sflag:s2] =	dma.local @!p0 [hbm:s0], s1  }
0x59: {  	s0 =	simm.s32 @!p0 $0x1  }
0x5a: {  	_ =	swait.ge @!p0 [sflag:s0], s1  }
0x5b: {  	s1 =	ssub.s32 @!p0 $0x0, s1;
	[sflag:s0] =	ssyncset.done @!p0 $0x0  }
0x5c: {  	[sflag:s0] =	ssyncadd.s32 @!p0 s1  }
0x5d: {  	[bflag:$0x3] =	sbarrier.arrive $0xFFFF  }
0x5e: {  	_ =	shalt  }

</sc_bundles>
